<compile_context>
chip_gen: v7x
topology: tpu7x:2x2x1
jax: 0.10.2.dev20260603
libtpu: 0.0.44.dev20260713+nightly
codegen_flags: <defaults>
</compile_context>

<pallas_src>
import jax
import jax.numpy as jnp
from jax import lax
from jax.experimental import pallas as pl
from jax.experimental.pallas import tpu as pltpu
from jax.experimental.pallas import tpu_sc as plsc

N = 10000
E = 320000
D = 128
NSUB = 16
EB = 80
EPS_DEN = 1e-6
EPS_BN = 1e-5

NW = 2 * NSUB
E_PER_W = E // NW
NBLK_W = E_PER_W // EB
N_PAD = 10240
ZROWS = 40



def _node_linear_body(h_ref, wa_ref, ba_ref, wb_ref, bb_ref, wd_ref,
                      bd_ref, we_ref, be_ref,
                      ah_ref, eh_ref, dh_ref, bh_ref):
    hv = h_ref[...]
    f32 = jnp.float32
    ah_ref[...] = jnp.dot(hv, wa_ref[...],
                          preferred_element_type=f32) + ba_ref[...]
    eh_ref[...] = jnp.dot(hv, we_ref[...],
                          preferred_element_type=f32) + be_ref[...]
    dh_ref[...] = jnp.dot(hv, wd_ref[...],
                          preferred_element_type=f32) + bd_ref[...]
    bh_ref[...] = jnp.dot(hv, wb_ref[...],
                          preferred_element_type=f32) + bb_ref[...]


def _node_linears(h, W_A, b_A, W_B, b_B, W_D, b_D, W_E, b_E):
    f32 = jnp.float32
    return pl.pallas_call(
        _node_linear_body,
        out_shape=[
            jax.ShapeDtypeStruct((N, D), f32),
            jax.ShapeDtypeStruct((N, D), f32),
            jax.ShapeDtypeStruct((N, D), f32),
            jax.ShapeDtypeStruct((N, D), f32),
        ],
    )(h, W_A, b_A.reshape(1, D), W_B, b_B.reshape(1, D), W_D,
      b_D.reshape(1, D), W_E, b_E.reshape(1, D))



CE_BLK = 2000


def _ce_body(e_ref, wc_ref, bc_ref, ce_ref):
    ce_ref[...] = jnp.dot(e_ref[...], wc_ref[...],
                          preferred_element_type=jnp.float32) + bc_ref[...]


def _ce_linear(e, W_C, b_C):
    f32 = jnp.float32
    grid = E // CE_BLK
    return pl.pallas_call(
        _ce_body,
        grid=(grid,),
        in_specs=[
            pl.BlockSpec((CE_BLK, D), lambda i: (i, 0)),
            pl.BlockSpec((D, D), lambda i: (0, 0)),
            pl.BlockSpec((1, D), lambda i: (0, 0)),
        ],
        out_specs=pl.BlockSpec((CE_BLK, D), lambda i: (i, 0)),
        out_shape=jax.ShapeDtypeStruct((E, D), f32),
    )(e, W_C, b_C.reshape(1, D))




def _zero_acc(sub, zbuf, acc):
    zero16 = jnp.zeros((16,), jnp.float32)

    def zrow(r, _):
        for k in range(D // 16):
            zbuf[r, pl.ds(k * 16, 16)] = zero16
        return 0

    lax.fori_loop(0, ZROWS, zrow, 0)
    for t in range(N_PAD // NSUB // ZROWS):
        row0 = pl.multiple_of(sub * (N_PAD // NSUB) + t * ZROWS, 8)
        pltpu.sync_copy(zbuf, acc.at[pl.ds(row0, ZROWS)])
    plsc.subcore_barrier()


def _publish_acc(core, sub, acc, out_hbm):
    plsc.subcore_barrier()
    rows = pl.multiple_of(sub * (N_PAD // NSUB), 8)
    pltpu.sync_copy(
        acc.at[pl.ds(rows, N_PAD // NSUB)],
        out_hbm.at[pl.ds(pl.multiple_of(core * N_PAD, 8) + rows,
                         N_PAD // NSUB)])


def _edge_num_body(src_hbm, dst_hbm, dh_tab, bh_tab, eh_tab, ce_hbm,
                   eij_hbm, sig_hbm, num_hbm,
                   src_v, dst_v, dh_buf, bh_buf, eh_buf, ce_buf,
                   zbuf, acc, sem1, sem2, sem3):
    c = lax.axis_index("c")
    s = lax.axis_index("s")
    w = c * NSUB + s
    _zero_acc(s, zbuf, acc)

    def block(i, _):
        base = pl.multiple_of(w * E_PER_W + i * EB, 8)
        pltpu.sync_copy(src_hbm.at[pl.ds(base, EB)], src_v)
        pltpu.sync_copy(dst_hbm.at[pl.ds(base, EB)], dst_v)
        g1 = pltpu.async_copy(dh_tab.at[src_v], dh_buf, sem1)
        g2 = pltpu.async_copy(eh_tab.at[dst_v], eh_buf, sem2)
        g3 = pltpu.async_copy(bh_tab.at[src_v], bh_buf, sem3)
        pltpu.sync_copy(ce_hbm.at[pl.ds(base, EB)], ce_buf)
        g1.wait()
        g2.wait()
        g3.wait()

        def row(r, carry):
            for k in range(D // 16):
                sl = pl.ds(k * 16, 16)
                eij = ce_buf[r, sl] + dh_buf[r, sl] + eh_buf[r, sl]
                ce_buf[r, sl] = eij
                sig = 1.0 / (1.0 + jnp.exp(-eij))
                eh_buf[r, sl] = sig * bh_buf[r, sl]
                bh_buf[r, sl] = sig
            return carry

        lax.fori_loop(0, EB, row, 0)
        pltpu.sync_copy(ce_buf, eij_hbm.at[pl.ds(base, EB)])
        pltpu.sync_copy(bh_buf, sig_hbm.at[pl.ds(base, EB)])
        pltpu.sync_copy(eh_buf, acc.at[dst_v], add=True)
        return 0

    lax.fori_loop(0, NBLK_W, block, 0)
    _publish_acc(c, s, acc, num_hbm)


def _edge_num(src, dst, Dh, Bh, Eh, Ce):
    f32 = jnp.float32
    i32 = jnp.int32
    mesh = plsc.VectorSubcoreMesh(core_axis_name="c", subcore_axis_name="s")
    kern = pl.kernel(
        _edge_num_body,
        out_type=[
            jax.ShapeDtypeStruct((E, D), f32),
            jax.ShapeDtypeStruct((E, D), f32),
            jax.ShapeDtypeStruct((2 * N_PAD, D), f32),
        ],
        mesh=mesh,
        scratch_types=[
            pltpu.VMEM((EB,), i32),
            pltpu.VMEM((EB,), i32),
            pltpu.VMEM((EB, D), f32),
            pltpu.VMEM((EB, D), f32),
            pltpu.VMEM((EB, D), f32),
            pltpu.VMEM((EB, D), f32),
            pltpu.VMEM((ZROWS, D), f32),
            pltpu.VMEM_SHARED((N_PAD, D), f32),
            pltpu.SemaphoreType.DMA,
            pltpu.SemaphoreType.DMA,
            pltpu.SemaphoreType.DMA,
        ],
    )
    return kern(src, dst, Dh, Bh, Eh, Ce)


def _den_body(dst_hbm, sig_hbm, den_hbm,
              dst_v, sig_buf, zbuf, acc):
    c = lax.axis_index("c")
    s = lax.axis_index("s")
    w = c * NSUB + s
    _zero_acc(s, zbuf, acc)

    def block(i, _):
        base = pl.multiple_of(w * E_PER_W + i * EB, 8)
        pltpu.sync_copy(dst_hbm.at[pl.ds(base, EB)], dst_v)
        pltpu.sync_copy(sig_hbm.at[pl.ds(base, EB)], sig_buf)
        pltpu.sync_copy(sig_buf, acc.at[dst_v], add=True)
        return 0

    lax.fori_loop(0, NBLK_W, block, 0)
    _publish_acc(c, s, acc, den_hbm)


def _den_scatter(dst, Sig):
    f32 = jnp.float32
    i32 = jnp.int32
    mesh = plsc.VectorSubcoreMesh(core_axis_name="c", subcore_axis_name="s")
    kern = pl.kernel(
        _den_body,
        out_type=jax.ShapeDtypeStruct((2 * N_PAD, D), f32),
        mesh=mesh,
        scratch_types=[
            pltpu.VMEM((EB,), i32),
            pltpu.VMEM((EB, D), f32),
            pltpu.VMEM((ZROWS, D), f32),
            pltpu.VMEM_SHARED((N_PAD, D), f32),
        ],
    )
    return kern(dst, Sig)




EST_BLK = 2000


def _ebn_body(eij_ref, ge_ref, be_ref, ebn_ref, acc_ref):
    i = pl.program_id(0)
    x = eij_ref[...]
    s = jnp.sum(x, axis=0, keepdims=True)
    q = jnp.sum(x * x, axis=0, keepdims=True)
    part = jnp.concatenate([s, q, jnp.zeros((6, D), jnp.float32)], axis=0)

    @pl.when(i == 0)
    def _():
        acc_ref[...] = part

    @pl.when(i > 0)
    def _():
        acc_ref[...] = acc_ref[...] + part

    @pl.when(i == E // EST_BLK - 1)
    def _():
        inv_e = 1.0 / E
        mu_e = acc_ref[0:1, :] * inv_e
        var_e = acc_ref[1:2, :] * inv_e - mu_e * mu_e
        sc_e = ge_ref[...] * jax.lax.rsqrt(var_e + EPS_BN)
        sh_e = be_ref[...] - mu_e * sc_e
        pad = jnp.zeros((6, D), jnp.float32)
        ebn_ref[...] = jnp.concatenate([sc_e, sh_e, pad], axis=0)


def _ebn_reduce(Eij, gamma_e, beta_e):
    return pl.pallas_call(
        _ebn_body,
        grid=(E // EST_BLK,),
        in_specs=[
            pl.BlockSpec((EST_BLK, D), lambda i: (i, 0)),
            pl.BlockSpec((1, D), lambda i: (0, 0)),
            pl.BlockSpec((1, D), lambda i: (0, 0)),
        ],
        out_specs=pl.BlockSpec((8, D), lambda i: (0, 0)),
        out_shape=jax.ShapeDtypeStruct((8, D), jnp.float32),
        scratch_shapes=[pltpu.VMEM((8, D), jnp.float32)],
    )(Eij, gamma_e.reshape(1, D), beta_e.reshape(1, D))


def _hpath_body(h_ref, ah_ref, num_ref, den_ref, gh_ref, bh_ref, hout_ref):
    num = num_ref[:N, :] + num_ref[N_PAD:N_PAD + N, :]
    den = den_ref[:N, :] + den_ref[N_PAD:N_PAD + N, :]
    h_new = ah_ref[...] + num / (den + EPS_DEN)
    mu = jnp.mean(h_new, axis=0, keepdims=True)
    var = jnp.mean(h_new * h_new, axis=0, keepdims=True) - mu * mu
    y = (h_new - mu) * jax.lax.rsqrt(var + EPS_BN) * gh_ref[...] + bh_ref[...]
    hout_ref[...] = h_ref[...] + jnp.maximum(y, 0.0)


def _hpath(h, Ah, num, den, gamma_h, beta_h):
    f32 = jnp.float32
    return pl.pallas_call(
        _hpath_body,
        out_shape=jax.ShapeDtypeStruct((N, D), f32),
    )(h, Ah, num, den, gamma_h.reshape(1, D), beta_h.reshape(1, D))



EO_BLK = 2000


def _epath_body(e_ref, eij_ref, ebn_ref, eout_ref):
    sc_e = ebn_ref[0:1, :]
    sh_e = ebn_ref[1:2, :]
    y = jnp.maximum(eij_ref[...] * sc_e + sh_e, 0.0)
    eout_ref[...] = e_ref[...] + y


def _epath(e, Eij, ebn):
    f32 = jnp.float32
    grid = E // EO_BLK
    return pl.pallas_call(
        _epath_body,
        grid=(grid,),
        in_specs=[
            pl.BlockSpec((EO_BLK, D), lambda i: (i, 0)),
            pl.BlockSpec((EO_BLK, D), lambda i: (i, 0)),
            pl.BlockSpec((8, D), lambda i: (0, 0)),
        ],
        out_specs=pl.BlockSpec((EO_BLK, D), lambda i: (i, 0)),
        out_shape=jax.ShapeDtypeStruct((E, D), f32),
    )(e, Eij, ebn)




def kernel(h, e, edge_index, W_A, b_A, W_B, b_B, W_C, b_C, W_D, b_D, W_E,
           b_E, gamma_h, beta_h, gamma_e, beta_e):
    src = edge_index[0]
    dst = edge_index[1]

    Ah, Eh, Dh, Bh = _node_linears(h, W_A, b_A, W_B, b_B, W_D, b_D, W_E, b_E)
    Ce = _ce_linear(e, W_C, b_C)

    Eij, Sig, num = _edge_num(src, dst, Dh, Bh, Eh, Ce)
    ebn = _ebn_reduce(Eij, gamma_e, beta_e)
    e_out = _epath(e, Eij, ebn)
    den = _den_scatter(dst, Sig)

    h_out = _hpath(h, Ah, num, den, gamma_h, beta_h)
    return (h_out, e_out)

# --- scband reference (transcript-rebuilt; emitter-appended) ---
"""Pipeline reference for scband-gated-gcnlayer-5059471474727 (READ-ONLY COPY).

The authoritative reference and input builder live on the scoring server;
editing this copy changes nothing except your own understanding.
"""

import jax, jax.numpy as jnp
import numpy as np

N = 10000
E_EDGES = 320000
D = 128


def setup_inputs(seed: int = 0) -> dict:
    key = jax.random.key(seed)
    ks = jax.random.split(key, 16)
    inp = {}
    inp["h"] = jax.random.normal(ks[0], (N, D), dtype=jnp.float32)
    inp["e"] = jax.random.normal(ks[1], (E_EDGES, D), dtype=jnp.float32)
    inp["edge_index"] = jax.random.randint(ks[2], (2, E_EDGES), 0, N, dtype=jnp.int32)
    scale = 1.0 / np.sqrt(D)
    names = ["A", "B", "C", "D", "E"]
    for i, nm in enumerate(names):
        inp[f"W_{nm}"] = jax.random.normal(ks[3 + i], (D, D), dtype=jnp.float32) * scale
        inp[f"b_{nm}"] = jnp.zeros((D,), dtype=jnp.float32)
    inp["gamma_h"] = jnp.ones((D,), dtype=jnp.float32)
    inp["beta_h"] = jnp.zeros((D,), dtype=jnp.float32)
    inp["gamma_e"] = jnp.ones((D,), dtype=jnp.float32)
    inp["beta_e"] = jnp.zeros((D,), dtype=jnp.float32)
    return inp


def _bn(x, gamma, beta, eps=1e-5):
    # BatchNorm1d in training mode: batch statistics, biased variance
    mu = jnp.mean(x, axis=0)
    var = jnp.var(x, axis=0)
    return (x - mu) / jnp.sqrt(var + eps) * gamma + beta


def reference(h, e, edge_index, W_A, b_A, W_B, b_B, W_C, b_C, W_D, b_D, W_E, b_E, gamma_h, beta_h, gamma_e, beta_e):
    src = edge_index[0]
    dst = edge_index[1]
    Ah = h @ W_A + b_A
    Bh = h @ W_B + b_B
    Ce = e @ W_C + b_C
    Dh = h @ W_D + b_D
    Eh = h @ W_E + b_E
    # message: e_ij = Ce + Dh[src] + Eh[dst]; Bh_j = Bh[src]
    e_ij = Ce + jnp.take(Dh, src, axis=0) + jnp.take(Eh, dst, axis=0)
    sigma_ij = jax.nn.sigmoid(e_ij)
    Bh_j = jnp.take(Bh, src, axis=0)
    # reduce at destination nodes
    num = jax.ops.segment_sum(sigma_ij * Bh_j, dst, num_segments=N)
    den = jax.ops.segment_sum(sigma_ij, dst, num_segments=N)
    h_new = Ah + num / (den + 1e-6)
    e_new = e_ij
    h_new = jax.nn.relu(_bn(h_new, gamma_h, beta_h))
    e_new = jax.nn.relu(_bn(e_new, gamma_e, beta_e))
    # residual (input_dim == output_dim)
    h_out = h + h_new
    e_out = e + e_new
    return (h_out, e_out)

if __name__ == "__main__":
    import jax
    _d = setup_inputs()
    print(jax.jit(kernel)(*tuple(_d.values())))

</pallas_src>

<mosaic_0001>
#map = affine_map<(d0, d1) -> (0)>
#map1 = affine_map<(d0, d1) -> (0, 0)>
module attributes {stable_mosaic.version = 14 : i64} {
  func.func @_den_body(%arg0: i32, %arg1: i32, %arg2: memref<320000xi32, #tpu.memory_space<hbm>>, %arg3: memref<320000x128xf32, #tpu.memory_space<hbm>>, %arg4: memref<20480x128xf32, #tpu.memory_space<hbm>>, %arg5: memref<80xi32, #tpu.memory_space<vmem>>, %arg6: memref<80x128xf32, #tpu.memory_space<vmem>>, %arg7: memref<40x128xf32, #tpu.memory_space<vmem>>, %arg8: memref<10240x128xf32, #tpu.memory_space<vmem_shared>>) attributes {dimension_semantics = [#tpu.dimension_semantics<core_parallel>, #tpu.dimension_semantics<subcore_parallel>], iteration_bounds = array<i64: 2, 16>, scalar_prefetch = 0 : i64, scratch_operands = 4 : i64, tpu.core_type = #tpu.core_type<sc_vector_subcore>, window_params = [{transform_indices = #map}, {transform_indices = #map1}, {transform_indices = #map1}]} {
    %mul3A = arith.constant 16 : i32
    %mul3A_0 = arith.muli %arg0, %mul3A : i32
    %add3A = arith.addi %mul3A_0, %arg1 : i32
    %broadcast_in_dim3A = arith.constant 0.000000e+00 : f32
    %broadcast_in_dim3A_1 = vector.broadcast %broadcast_in_dim3A : f32 to vector<16xf32>
    %scan3A = arith.constant 0 : i32
    %scan3A_2 = arith.constant 0 : i32
    %scan3A_3 = arith.constant 40 : i32
    %scan3A_4 = arith.addi %scan3A_2, %scan3A_3 : i32
    %scan3A_5 = arith.constant 1 : i32
    %scan3A_6 = scf.for %scan3A_102 = %scan3A_2 to %scan3A_4 step %scan3A_5 iter_args(%scan3A_103 = %scan3A) -> (i32)  : i32 {
      %swap3A = arith.index_cast %scan3A_102 : i32 to index
      %swap3A_104 = arith.constant 0 : index
      %swap3A_105 = tpu.vector_load %arg7[%swap3A, %swap3A_104] {strides = array<i32>} : memref<40x128xf32, #tpu.memory_space<vmem>>, vector<1x16xf32>,
      %swap3A_106 = vector.shape_cast %swap3A_105 : vector<1x16xf32> to vector<16xf32>
      %swap3A_107 = vector.shape_cast %broadcast_in_dim3A_1 : vector<16xf32> to vector<1x16xf32>
      tpu.vector_store %arg7[%swap3A, %swap3A_104], %swap3A_107 {strides = array<i32>} : memref<40x128xf32, #tpu.memory_space<vmem>>, vector<1x16xf32>,
      %swap3A_108 = arith.index_cast %scan3A_102 : i32 to index
      %swap3A_109 = arith.constant 16 : index
      %swap3A_110 = tpu.vector_load %arg7[%swap3A_108, %swap3A_109] {strides = array<i32>} : memref<40x128xf32, #tpu.memory_space<vmem>>, vector<1x16xf32>,
      %swap3A_111 = vector.shape_cast %swap3A_110 : vector<1x16xf32> to vector<16xf32>
      %swap3A_112 = vector.shape_cast %broadcast_in_dim3A_1 : vector<16xf32> to vector<1x16xf32>
      tpu.vector_store %arg7[%swap3A_108, %swap3A_109], %swap3A_112 {strides = array<i32>} : memref<40x128xf32, #tpu.memory_space<vmem>>, vector<1x16xf32>,
      %swap3A_113 = arith.index_cast %scan3A_102 : i32 to index
      %swap3A_114 = arith.constant 32 : index
      %swap3A_115 = tpu.vector_load %arg7[%swap3A_113, %swap3A_114] {strides = array<i32>} : memref<40x128xf32, #tpu.memory_space<vmem>>, vector<1x16xf32>,
      %swap3A_116 = vector.shape_cast %swap3A_115 : vector<1x16xf32> to vector<16xf32>
      %swap3A_117 = vector.shape_cast %broadcast_in_dim3A_1 : vector<16xf32> to vector<1x16xf32>
      tpu.vector_store %arg7[%swap3A_113, %swap3A_114], %swap3A_117 {strides = array<i32>} : memref<40x128xf32, #tpu.memory_space<vmem>>, vector<1x16xf32>,
      %swap3A_118 = arith.index_cast %scan3A_102 : i32 to index
      %swap3A_119 = arith.constant 48 : index
      %swap3A_120 = tpu.vector_load %arg7[%swap3A_118, %swap3A_119] {strides = array<i32>} : memref<40x128xf32, #tpu.memory_space<vmem>>, vector<1x16xf32>,
      %swap3A_121 = vector.shape_cast %swap3A_120 : vector<1x16xf32> to vector<16xf32>
      %swap3A_122 = vector.shape_cast %broadcast_in_dim3A_1 : vector<16xf32> to vector<1x16xf32>
      tpu.vector_store %arg7[%swap3A_118, %swap3A_119], %swap3A_122 {strides = array<i32>} : memref<40x128xf32, #tpu.memory_space<vmem>>, vector<1x16xf32>,
      %swap3A_123 = arith.index_cast %scan3A_102 : i32 to index
      %swap3A_124 = arith.constant 64 : index
      %swap3A_125 = tpu.vector_load %arg7[%swap3A_123, %swap3A_124] {strides = array<i32>} : memref<40x128xf32, #tpu.memory_space<vmem>>, vector<1x16xf32>,
      %swap3A_126 = vector.shape_cast %swap3A_125 : vector<1x16xf32> to vector<16xf32>
      %swap3A_127 = vector.shape_cast %broadcast_in_dim3A_1 : vector<16xf32> to vector<1x16xf32>
      tpu.vector_store %arg7[%swap3A_123, %swap3A_124], %swap3A_127 {strides = array<i32>} : memref<40x128xf32, #tpu.memory_space<vmem>>, vector<1x16xf32>,
      %swap3A_128 = arith.index_cast %scan3A_102 : i32 to index
      %swap3A_129 = arith.constant 80 : index
      %swap3A_130 = tpu.vector_load %arg7[%swap3A_128, %swap3A_129] {strides = array<i32>} : memref<40x128xf32, #tpu.memory_space<vmem>>, vector<1x16xf32>,
      %swap3A_131 = vector.shape_cast %swap3A_130 : vector<1x16xf32> to vector<16xf32>
      %swap3A_132 = vector.shape_cast %broadcast_in_dim3A_1 : vector<16xf32> to vector<1x16xf32>
      tpu.vector_store %arg7[%swap3A_128, %swap3A_129], %swap3A_132 {strides = array<i32>} : memref<40x128xf32, #tpu.memory_space<vmem>>, vector<1x16xf32>,
      %swap3A_133 = arith.index_cast %scan3A_102 : i32 to index
      %swap3A_134 = arith.constant 96 : index
      %swap3A_135 = tpu.vector_load %arg7[%swap3A_133, %swap3A_134] {strides = array<i32>} : memref<40x128xf32, #tpu.memory_space<vmem>>, vector<1x16xf32>,
      %swap3A_136 = vector.shape_cast %swap3A_135 : vector<1x16xf32> to vector<16xf32>
      %swap3A_137 = vector.shape_cast %broadcast_in_dim3A_1 : vector<16xf32> to vector<1x16xf32>
      tpu.vector_store %arg7[%swap3A_133, %swap3A_134], %swap3A_137 {strides = array<i32>} : memref<40x128xf32, #tpu.memory_space<vmem>>, vector<1x16xf32>,
      %swap3A_138 = arith.index_cast %scan3A_102 : i32 to index
      %swap3A_139 = arith.constant 112 : index
      %swap3A_140 = tpu.vector_load %arg7[%swap3A_138, %swap3A_139] {strides = array<i32>} : memref<40x128xf32, #tpu.memory_space<vmem>>, vector<1x16xf32>,
      %swap3A_141 = vector.shape_cast %swap3A_140 : vector<1x16xf32> to vector<16xf32>
      %swap3A_142 = vector.shape_cast %broadcast_in_dim3A_1 : vector<16xf32> to vector<1x16xf32>
      tpu.vector_store %arg7[%swap3A_138, %swap3A_139], %swap3A_142 {strides = array<i32>} : memref<40x128xf32, #tpu.memory_space<vmem>>, vector<1x16xf32>,
      %scan3A_143 = arith.constant 0 : i32
      scf.yield %scan3A_143 : i32
    }
    %scan3A_7 = arith.constant 40 : i32
    %mul3A_8 = arith.constant 640 : i32
    %mul3A_9 = arith.muli %arg1, %mul3A_8 : i32
    %add3A_10 = arith.constant 0 : i32
    %add3A_11 = arith.addi %mul3A_9, %add3A_10 : i32
    %multiple_of3A = tpu.assume_multiple %add3A_11, 8 : i32
    "tpu.region"() ({
      %run_scoped3A = tpu.sem_alloc : memref<!tpu.dma_semaphore, #tpu.memory_space<semaphore_mem>>
      %dma_start3A = arith.constant 0 : i32
      %dma_start3A_102 = tpu.memref_slice %arg8[%multiple_of3A, %dma_start3A] : memref<10240x128xf32, #tpu.memory_space<vmem_shared>> -> memref<40x128xf32, #tpu.memory_space<vmem_shared>>
      %dma_start3A_103 = arith.constant 0 : i32
      %dma_start3A_104 = tpu.memref_slice %arg8[%multiple_of3A, %dma_start3A_103] : memref<10240x128xf32, #tpu.memory_space<vmem_shared>> -> memref<40x128xf32, #tpu.memory_space<vmem_shared>>
      tpu.enqueue_dma source(%arg7 : memref<40x128xf32, #tpu.memory_space<vmem>>) target(%dma_start3A_104 : memref<40x128xf32, #tpu.memory_space<vmem_shared>>) target_semaphore(%run_scoped3A : memref<!tpu.dma_semaphore, #tpu.memory_space<semaphore_mem>>)
      %dma_wait3A = arith.constant 0 : i32
      %dma_wait3A_105 = tpu.memref_slice %arg8[%multiple_of3A, %dma_wait3A] : memref<10240x128xf32, #tpu.memory_space<vmem_shared>> -> memref<40x128xf32, #tpu.memory_space<vmem_shared>>
      %dma_wait3A_106 = arith.constant 0 : i32
      %dma_wait3A_107 = tpu.memref_slice %arg8[%multiple_of3A, %dma_wait3A_106] : memref<10240x128xf32, #tpu.memory_space<vmem_shared>> -> memref<40x128xf32, #tpu.memory_space<vmem_shared>>
      tpu.wait_dma2 semaphore(%run_scoped3A : memref<!tpu.dma_semaphore, #tpu.memory_space<semaphore_mem>>) src(%arg7 : memref<40x128xf32, #tpu.memory_space<vmem>>) dst(%dma_wait3A_107 : memref<40x128xf32, #tpu.memory_space<vmem_shared>>)
      tpu.yield
    }) : () -> ()
    %mul3A_12 = arith.constant 640 : i32
    %mul3A_13 = arith.muli %arg1, %mul3A_12 : i32
    %add3A_14 = arith.constant 40 : i32
    %add3A_15 = arith.addi %mul3A_13, %add3A_14 : i32
    %multiple_of3A_16 = tpu.assume_multiple %add3A_15, 8 : i32
    "tpu.region"() ({
      %run_scoped3A = tpu.sem_alloc : memref<!tpu.dma_semaphore, #tpu.memory_space<semaphore_mem>>
      %dma_start3A = arith.constant 0 : i32
      %dma_start3A_102 = tpu.memref_slice %arg8[%multiple_of3A_16, %dma_start3A] : memref<10240x128xf32, #tpu.memory_space<vmem_shared>> -> memref<40x128xf32, #tpu.memory_space<vmem_shared>>
      %dma_start3A_103 = arith.constant 0 : i32
      %dma_start3A_104 = tpu.memref_slice %arg8[%multiple_of3A_16, %dma_start3A_103] : memref<10240x128xf32, #tpu.memory_space<vmem_shared>> -> memref<40x128xf32, #tpu.memory_space<vmem_shared>>
      tpu.enqueue_dma source(%arg7 : memref<40x128xf32, #tpu.memory_space<vmem>>) target(%dma_start3A_104 : memref<40x128xf32, #tpu.memory_space<vmem_shared>>) target_semaphore(%run_scoped3A : memref<!tpu.dma_semaphore, #tpu.memory_space<semaphore_mem>>)
      %dma_wait3A = arith.constant 0 : i32
      %dma_wait3A_105 = tpu.memref_slice %arg8[%multiple_of3A_16, %dma_wait3A] : memref<10240x128xf32, #tpu.memory_space<vmem_shared>> -> memref<40x128xf32, #tpu.memory_space<vmem_shared>>
      %dma_wait3A_106 = arith.constant 0 : i32
      %dma_wait3A_107 = tpu.memref_slice %arg8[%multiple_of3A_16, %dma_wait3A_106] : memref<10240x128xf32, #tpu.memory_space<vmem_shared>> -> memref<40x128xf32, #tpu.memory_space<vmem_shared>>
      tpu.wait_dma2 semaphore(%run_scoped3A : memref<!tpu.dma_semaphore, #tpu.memory_space<semaphore_mem>>) src(%arg7 : memref<40x128xf32, #tpu.memory_space<vmem>>) dst(%dma_wait3A_107 : memref<40x128xf32, #tpu.memory_space<vmem_shared>>)
      tpu.yield
    }) : () -> ()
    %mul3A_17 = arith.constant 640 : i32
    %mul3A_18 = arith.muli %arg1, %mul3A_17 : i32
    %add3A_19 = arith.constant 80 : i32
    %add3A_20 = arith.addi %mul3A_18, %add3A_19 : i32
    %multiple_of3A_21 = tpu.assume_multiple %add3A_20, 8 : i32
    "tpu.region"() ({
      %run_scoped3A = tpu.sem_alloc : memref<!tpu.dma_semaphore, #tpu.memory_space<semaphore_mem>>
      %dma_start3A = arith.constant 0 : i32
      %dma_start3A_102 = tpu.memref_slice %arg8[%multiple_of3A_21, %dma_start3A] : memref<10240x128xf32, #tpu.memory_space<vmem_shared>> -> memref<40x128xf32, #tpu.memory_space<vmem_shared>>
      %dma_start3A_103 = arith.constant 0 : i32
      %dma_start3A_104 = tpu.memref_slice %arg8[%multiple_of3A_21, %dma_start3A_103] : memref<10240x128xf32, #tpu.memory_space<vmem_shared>> -> memref<40x128xf32, #tpu.memory_space<vmem_shared>>
      tpu.enqueue_dma source(%arg7 : memref<40x128xf32, #tpu.memory_space<vmem>>) target(%dma_start3A_104 : memref<40x128xf32, #tpu.memory_space<vmem_shared>>) target_semaphore(%run_scoped3A : memref<!tpu.dma_semaphore, #tpu.memory_space<semaphore_mem>>)
      %dma_wait3A = arith.constant 0 : i32
      %dma_wait3A_105 = tpu.memref_slice %arg8[%multiple_of3A_21, %dma_wait3A] : memref<10240x128xf32, #tpu.memory_space<vmem_shared>> -> memref<40x128xf32, #tpu.memory_space<vmem_shared>>
      %dma_wait3A_106 = arith.constant 0 : i32
      %dma_wait3A_107 = tpu.memref_slice %arg8[%multiple_of3A_21, %dma_wait3A_106] : memref<10240x128xf32, #tpu.memory_space<vmem_shared>> -> memref<40x128xf32, #tpu.memory_space<vmem_shared>>
      tpu.wait_dma2 semaphore(%run_scoped3A : memref<!tpu.dma_semaphore, #tpu.memory_space<semaphore_mem>>) src(%arg7 : memref<40x128xf32, #tpu.memory_space<vmem>>) dst(%dma_wait3A_107 : memref<40x128xf32, #tpu.memory_space<vmem_shared>>)
      tpu.yield
    }) : () -> ()
    %mul3A_22 = arith.constant 640 : i32
    %mul3A_23 = arith.muli %arg1, %mul3A_22 : i32
    %add3A_24 = arith.constant 120 : i32
    %add3A_25 = arith.addi %mul3A_23, %add3A_24 : i32
    %multiple_of3A_26 = tpu.assume_multiple %add3A_25, 8 : i32
    "tpu.region"() ({
      %run_scoped3A = tpu.sem_alloc : memref<!tpu.dma_semaphore, #tpu.memory_space<semaphore_mem>>
      %dma_start3A = arith.constant 0 : i32
      %dma_start3A_102 = tpu.memref_slice %arg8[%multiple_of3A_26, %dma_start3A] : memref<10240x128xf32, #tpu.memory_space<vmem_shared>> -> memref<40x128xf32, #tpu.memory_space<vmem_shared>>
      %dma_start3A_103 = arith.constant 0 : i32
      %dma_start3A_104 = tpu.memref_slice %arg8[%multiple_of3A_26, %dma_start3A_103] : memref<10240x128xf32, #tpu.memory_space<vmem_shared>> -> memref<40x128xf32, #tpu.memory_space<vmem_shared>>
      tpu.enqueue_dma source(%arg7 : memref<40x128xf32, #tpu.memory_space<vmem>>) target(%dma_start3A_104 : memref<40x128xf32, #tpu.memory_space<vmem_shared>>) target_semaphore(%run_scoped3A : memref<!tpu.dma_semaphore, #tpu.memory_space<semaphore_mem>>)
      %dma_wait3A = arith.constant 0 : i32
      %dma_wait3A_105 = tpu.memref_slice %arg8[%multiple_of3A_26, %dma_wait3A] : memref<10240x128xf32, #tpu.memory_space<vmem_shared>> -> memref<40x128xf32, #tpu.memory_space<vmem_shared>>
      %dma_wait3A_106 = arith.constant 0 : i32
      %dma_wait3A_107 = tpu.memref_slice %arg8[%multiple_of3A_26, %dma_wait3A_106] : memref<10240x128xf32, #tpu.memory_space<vmem_shared>> -> memref<40x128xf32, #tpu.memory_space<vmem_shared>>
      tpu.wait_dma2 semaphore(%run_scoped3A : memref<!tpu.dma_semaphore, #tpu.memory_space<semaphore_mem>>) src(%arg7 : memref<40x128xf32, #tpu.memory_space<vmem>>) dst(%dma_wait3A_107 : memref<40x128xf32, #tpu.memory_space<vmem_shared>>)
      tpu.yield
    }) : () -> ()
    %mul3A_27 = arith.constant 640 : i32
    %mul3A_28 = arith.muli %arg1, %mul3A_27 : i32
    %add3A_29 = arith.constant 160 : i32
    %add3A_30 = arith.addi %mul3A_28, %add3A_29 : i32
    %multiple_of3A_31 = tpu.assume_multiple %add3A_30, 8 : i32
    "tpu.region"() ({
      %run_scoped3A = tpu.sem_alloc : memref<!tpu.dma_semaphore, #tpu.memory_space<semaphore_mem>>
      %dma_start3A = arith.constant 0 : i32
      %dma_start3A_102 = tpu.memref_slice %arg8[%multiple_of3A_31, %dma_start3A] : memref<10240x128xf32, #tpu.memory_space<vmem_shared>> -> memref<40x128xf32, #tpu.memory_space<vmem_shared>>
      %dma_start3A_103 = arith.constant 0 : i32
      %dma_start3A_104 = tpu.memref_slice %arg8[%multiple_of3A_31, %dma_start3A_103] : memref<10240x128xf32, #tpu.memory_space<vmem_shared>> -> memref<40x128xf32, #tpu.memory_space<vmem_shared>>
      tpu.enqueue_dma source(%arg7 : memref<40x128xf32, #tpu.memory_space<vmem>>) target(%dma_start3A_104 : memref<40x128xf32, #tpu.memory_space<vmem_shared>>) target_semaphore(%run_scoped3A : memref<!tpu.dma_semaphore, #tpu.memory_space<semaphore_mem>>)
      %dma_wait3A = arith.constant 0 : i32
      %dma_wait3A_105 = tpu.memref_slice %arg8[%multiple_of3A_31, %dma_wait3A] : memref<10240x128xf32, #tpu.memory_space<vmem_shared>> -> memref<40x128xf32, #tpu.memory_space<vmem_shared>>
      %dma_wait3A_106 = arith.constant 0 : i32
      %dma_wait3A_107 = tpu.memref_slice %arg8[%multiple_of3A_31, %dma_wait3A_106] : memref<10240x128xf32, #tpu.memory_space<vmem_shared>> -> memref<40x128xf32, #tpu.memory_space<vmem_shared>>
      tpu.wait_dma2 semaphore(%run_scoped3A : memref<!tpu.dma_semaphore, #tpu.memory_space<semaphore_mem>>) src(%arg7 : memref<40x128xf32, #tpu.memory_space<vmem>>) dst(%dma_wait3A_107 : memref<40x128xf32, #tpu.memory_space<vmem_shared>>)
      tpu.yield
    }) : () -> ()
    %mul3A_32 = arith.constant 640 : i32
    %mul3A_33 = arith.muli %arg1, %mul3A_32 : i32
    %add3A_34 = arith.constant 200 : i32
    %add3A_35 = arith.addi %mul3A_33, %add3A_34 : i32
    %multiple_of3A_36 = tpu.assume_multiple %add3A_35, 8 : i32
    "tpu.region"() ({
      %run_scoped3A = tpu.sem_alloc : memref<!tpu.dma_semaphore, #tpu.memory_space<semaphore_mem>>
      %dma_start3A = arith.constant 0 : i32
      %dma_start3A_102 = tpu.memref_slice %arg8[%multiple_of3A_36, %dma_start3A] : memref<10240x128xf32, #tpu.memory_space<vmem_shared>> -> memref<40x128xf32, #tpu.memory_space<vmem_shared>>
      %dma_start3A_103 = arith.constant 0 : i32
      %dma_start3A_104 = tpu.memref_slice %arg8[%multiple_of3A_36, %dma_start3A_103] : memref<10240x128xf32, #tpu.memory_space<vmem_shared>> -> memref<40x128xf32, #tpu.memory_space<vmem_shared>>
      tpu.enqueue_dma source(%arg7 : memref<40x128xf32, #tpu.memory_space<vmem>>) target(%dma_start3A_104 : memref<40x128xf32, #tpu.memory_space<vmem_shared>>) target_semaphore(%run_scoped3A : memref<!tpu.dma_semaphore, #tpu.memory_space<semaphore_mem>>)
      %dma_wait3A = arith.constant 0 : i32
      %dma_wait3A_105 = tpu.memref_slice %arg8[%multiple_of3A_36, %dma_wait3A] : memref<10240x128xf32, #tpu.memory_space<vmem_shared>> -> memref<40x128xf32, #tpu.memory_space<vmem_shared>>
      %dma_wait3A_106 = arith.constant 0 : i32
      %dma_wait3A_107 = tpu.memref_slice %arg8[%multiple_of3A_36, %dma_wait3A_106] : memref<10240x128xf32, #tpu.memory_space<vmem_shared>> -> memref<40x128xf32, #tpu.memory_space<vmem_shared>>
      tpu.wait_dma2 semaphore(%run_scoped3A : memref<!tpu.dma_semaphore, #tpu.memory_space<semaphore_mem>>) src(%arg7 : memref<40x128xf32, #tpu.memory_space<vmem>>) dst(%dma_wait3A_107 : memref<40x128xf32, #tpu.memory_space<vmem_shared>>)
      tpu.yield
    }) : () -> ()
    %mul3A_37 = arith.constant 640 : i32
    %mul3A_38 = arith.muli %arg1, %mul3A_37 : i32
    %add3A_39 = arith.constant 240 : i32
    %add3A_40 = arith.addi %mul3A_38, %add3A_39 : i32
    %multiple_of3A_41 = tpu.assume_multiple %add3A_40, 8 : i32
    "tpu.region"() ({
      %run_scoped3A = tpu.sem_alloc : memref<!tpu.dma_semaphore, #tpu.memory_space<semaphore_mem>>
      %dma_start3A = arith.constant 0 : i32
      %dma_start3A_102 = tpu.memref_slice %arg8[%multiple_of3A_41, %dma_start3A] : memref<10240x128xf32, #tpu.memory_space<vmem_shared>> -> memref<40x128xf32, #tpu.memory_space<vmem_shared>>
      %dma_start3A_103 = arith.constant 0 : i32
      %dma_start3A_104 = tpu.memref_slice %arg8[%multiple_of3A_41, %dma_start3A_103] : memref<10240x128xf32, #tpu.memory_space<vmem_shared>> -> memref<40x128xf32, #tpu.memory_space<vmem_shared>>
      tpu.enqueue_dma source(%arg7 : memref<40x128xf32, #tpu.memory_space<vmem>>) target(%dma_start3A_104 : memref<40x128xf32, #tpu.memory_space<vmem_shared>>) target_semaphore(%run_scoped3A : memref<!tpu.dma_semaphore, #tpu.memory_space<semaphore_mem>>)
      %dma_wait3A = arith.constant 0 : i32
      %dma_wait3A_105 = tpu.memref_slice %arg8[%multiple_of3A_41, %dma_wait3A] : memref<10240x128xf32, #tpu.memory_space<vmem_shared>> -> memref<40x128xf32, #tpu.memory_space<vmem_shared>>
      %dma_wait3A_106 = arith.constant 0 : i32
      %dma_wait3A_107 = tpu.memref_slice %arg8[%multiple_of3A_41, %dma_wait3A_106] : memref<10240x128xf32, #tpu.memory_space<vmem_shared>> -> memref<40x128xf32, #tpu.memory_space<vmem_shared>>
      tpu.wait_dma2 semaphore(%run_scoped3A : memref<!tpu.dma_semaphore, #tpu.memory_space<semaphore_mem>>) src(%arg7 : memref<40x128xf32, #tpu.memory_space<vmem>>) dst(%dma_wait3A_107 : memref<40x128xf32, #tpu.memory_space<vmem_shared>>)
      tpu.yield
    }) : () -> ()
    %mul3A_42 = arith.constant 640 : i32
    %mul3A_43 = arith.muli %arg1, %mul3A_42 : i32
    %add3A_44 = arith.constant 280 : i32
    %add3A_45 = arith.addi %mul3A_43, %add3A_44 : i32
    %multiple_of3A_46 = tpu.assume_multiple %add3A_45, 8 : i32
    "tpu.region"() ({
      %run_scoped3A = tpu.sem_alloc : memref<!tpu.dma_semaphore, #tpu.memory_space<semaphore_mem>>
      %dma_start3A = arith.constant 0 : i32
      %dma_start3A_102 = tpu.memref_slice %arg8[%multiple_of3A_46, %dma_start3A] : memref<10240x128xf32, #tpu.memory_space<vmem_shared>> -> memref<40x128xf32, #tpu.memory_space<vmem_shared>>
      %dma_start3A_103 = arith.constant 0 : i32
      %dma_start3A_104 = tpu.memref_slice %arg8[%multiple_of3A_46, %dma_start3A_103] : memref<10240x128xf32, #tpu.memory_space<vmem_shared>> -> memref<40x128xf32, #tpu.memory_space<vmem_shared>>
      tpu.enqueue_dma source(%arg7 : memref<40x128xf32, #tpu.memory_space<vmem>>) target(%dma_start3A_104 : memref<40x128xf32, #tpu.memory_space<vmem_shared>>) target_semaphore(%run_scoped3A : memref<!tpu.dma_semaphore, #tpu.memory_space<semaphore_mem>>)
      %dma_wait3A = arith.constant 0 : i32
      %dma_wait3A_105 = tpu.memref_slice %arg8[%multiple_of3A_46, %dma_wait3A] : memref<10240x128xf32, #tpu.memory_space<vmem_shared>> -> memref<40x128xf32, #tpu.memory_space<vmem_shared>>
      %dma_wait3A_106 = arith.constant 0 : i32
      %dma_wait3A_107 = tpu.memref_slice %arg8[%multiple_of3A_46, %dma_wait3A_106] : memref<10240x128xf32, #tpu.memory_space<vmem_shared>> -> memref<40x128xf32, #tpu.memory_space<vmem_shared>>
      tpu.wait_dma2 semaphore(%run_scoped3A : memref<!tpu.dma_semaphore, #tpu.memory_space<semaphore_mem>>) src(%arg7 : memref<40x128xf32, #tpu.memory_space<vmem>>) dst(%dma_wait3A_107 : memref<40x128xf32, #tpu.memory_space<vmem_shared>>)
      tpu.yield
    }) : () -> ()
    %mul3A_47 = arith.constant 640 : i32
    %mul3A_48 = arith.muli %arg1, %mul3A_47 : i32
    %add3A_49 = arith.constant 320 : i32
    %add3A_50 = arith.addi %mul3A_48, %add3A_49 : i32
    %multiple_of3A_51 = tpu.assume_multiple %add3A_50, 8 : i32
    "tpu.region"() ({
      %run_scoped3A = tpu.sem_alloc : memref<!tpu.dma_semaphore, #tpu.memory_space<semaphore_mem>>
      %dma_start3A = arith.constant 0 : i32
      %dma_start3A_102 = tpu.memref_slice %arg8[%multiple_of3A_51, %dma_start3A] : memref<10240x128xf32, #tpu.memory_space<vmem_shared>> -> memref<40x128xf32, #tpu.memory_space<vmem_shared>>
      %dma_start3A_103 = arith.constant 0 : i32
      %dma_start3A_104 = tpu.memref_slice %arg8[%multiple_of3A_51, %dma_start3A_103] : memref<10240x128xf32, #tpu.memory_space<vmem_shared>> -> memref<40x128xf32, #tpu.memory_space<vmem_shared>>
      tpu.enqueue_dma source(%arg7 : memref<40x128xf32, #tpu.memory_space<vmem>>) target(%dma_start3A_104 : memref<40x128xf32, #tpu.memory_space<vmem_shared>>) target_semaphore(%run_scoped3A : memref<!tpu.dma_semaphore, #tpu.memory_space<semaphore_mem>>)
      %dma_wait3A = arith.constant 0 : i32
      %dma_wait3A_105 = tpu.memref_slice %arg8[%multiple_of3A_51, %dma_wait3A] : memref<10240x128xf32, #tpu.memory_space<vmem_shared>> -> memref<40x128xf32, #tpu.memory_space<vmem_shared>>
      %dma_wait3A_106 = arith.constant 0 : i32
      %dma_wait3A_107 = tpu.memref_slice %arg8[%multiple_of3A_51, %dma_wait3A_106] : memref<10240x128xf32, #tpu.memory_space<vmem_shared>> -> memref<40x128xf32, #tpu.memory_space<vmem_shared>>
      tpu.wait_dma2 semaphore(%run_scoped3A : memref<!tpu.dma_semaphore, #tpu.memory_space<semaphore_mem>>) src(%arg7 : memref<40x128xf32, #tpu.memory_space<vmem>>) dst(%dma_wait3A_107 : memref<40x128xf32, #tpu.memory_space<vmem_shared>>)
      tpu.yield
    }) : () -> ()
    %mul3A_52 = arith.constant 640 : i32
    %mul3A_53 = arith.muli %arg1, %mul3A_52 : i32
    %add3A_54 = arith.constant 360 : i32
    %add3A_55 = arith.addi %mul3A_53, %add3A_54 : i32
    %multiple_of3A_56 = tpu.assume_multiple %add3A_55, 8 : i32
    "tpu.region"() ({
      %run_scoped3A = tpu.sem_alloc : memref<!tpu.dma_semaphore, #tpu.memory_space<semaphore_mem>>
      %dma_start3A = arith.constant 0 : i32
      %dma_start3A_102 = tpu.memref_slice %arg8[%multiple_of3A_56, %dma_start3A] : memref<10240x128xf32, #tpu.memory_space<vmem_shared>> -> memref<40x128xf32, #tpu.memory_space<vmem_shared>>
      %dma_start3A_103 = arith.constant 0 : i32
      %dma_start3A_104 = tpu.memref_slice %arg8[%multiple_of3A_56, %dma_start3A_103] : memref<10240x128xf32, #tpu.memory_space<vmem_shared>> -> memref<40x128xf32, #tpu.memory_space<vmem_shared>>
      tpu.enqueue_dma source(%arg7 : memref<40x128xf32, #tpu.memory_space<vmem>>) target(%dma_start3A_104 : memref<40x128xf32, #tpu.memory_space<vmem_shared>>) target_semaphore(%run_scoped3A : memref<!tpu.dma_semaphore, #tpu.memory_space<semaphore_mem>>)
      %dma_wait3A = arith.constant 0 : i32
      %dma_wait3A_105 = tpu.memref_slice %arg8[%multiple_of3A_56, %dma_wait3A] : memref<10240x128xf32, #tpu.memory_space<vmem_shared>> -> memref<40x128xf32, #tpu.memory_space<vmem_shared>>
      %dma_wait3A_106 = arith.constant 0 : i32
      %dma_wait3A_107 = tpu.memref_slice %arg8[%multiple_of3A_56, %dma_wait3A_106] : memref<10240x128xf32, #tpu.memory_space<vmem_shared>> -> memref<40x128xf32, #tpu.memory_space<vmem_shared>>
      tpu.wait_dma2 semaphore(%run_scoped3A : memref<!tpu.dma_semaphore, #tpu.memory_space<semaphore_mem>>) src(%arg7 : memref<40x128xf32, #tpu.memory_space<vmem>>) dst(%dma_wait3A_107 : memref<40x128xf32, #tpu.memory_space<vmem_shared>>)
      tpu.yield
    }) : () -> ()
    %mul3A_57 = arith.constant 640 : i32
    %mul3A_58 = arith.muli %arg1, %mul3A_57 : i32
    %add3A_59 = arith.constant 400 : i32
    %add3A_60 = arith.addi %mul3A_58, %add3A_59 : i32
    %multiple_of3A_61 = tpu.assume_multiple %add3A_60, 8 : i32
    "tpu.region"() ({
      %run_scoped3A = tpu.sem_alloc : memref<!tpu.dma_semaphore, #tpu.memory_space<semaphore_mem>>
      %dma_start3A = arith.constant 0 : i32
      %dma_start3A_102 = tpu.memref_slice %arg8[%multiple_of3A_61, %dma_start3A] : memref<10240x128xf32, #tpu.memory_space<vmem_shared>> -> memref<40x128xf32, #tpu.memory_space<vmem_shared>>
      %dma_start3A_103 = arith.constant 0 : i32
      %dma_start3A_104 = tpu.memref_slice %arg8[%multiple_of3A_61, %dma_start3A_103] : memref<10240x128xf32, #tpu.memory_space<vmem_shared>> -> memref<40x128xf32, #tpu.memory_space<vmem_shared>>
      tpu.enqueue_dma source(%arg7 : memref<40x128xf32, #tpu.memory_space<vmem>>) target(%dma_start3A_104 : memref<40x128xf32, #tpu.memory_space<vmem_shared>>) target_semaphore(%run_scoped3A : memref<!tpu.dma_semaphore, #tpu.memory_space<semaphore_mem>>)
      %dma_wait3A = arith.constant 0 : i32
      %dma_wait3A_105 = tpu.memref_slice %arg8[%multiple_of3A_61, %dma_wait3A] : memref<10240x128xf32, #tpu.memory_space<vmem_shared>> -> memref<40x128xf32, #tpu.memory_space<vmem_shared>>
      %dma_wait3A_106 = arith.constant 0 : i32
      %dma_wait3A_107 = tpu.memref_slice %arg8[%multiple_of3A_61, %dma_wait3A_106] : memref<10240x128xf32, #tpu.memory_space<vmem_shared>> -> memref<40x128xf32, #tpu.memory_space<vmem_shared>>
      tpu.wait_dma2 semaphore(%run_scoped3A : memref<!tpu.dma_semaphore, #tpu.memory_space<semaphore_mem>>) src(%arg7 : memref<40x128xf32, #tpu.memory_space<vmem>>) dst(%dma_wait3A_107 : memref<40x128xf32, #tpu.memory_space<vmem_shared>>)
      tpu.yield
    }) : () -> ()
    %mul3A_62 = arith.constant 640 : i32
    %mul3A_63 = arith.muli %arg1, %mul3A_62 : i32
    %add3A_64 = arith.constant 440 : i32
    %add3A_65 = arith.addi %mul3A_63, %add3A_64 : i32
    %multiple_of3A_66 = tpu.assume_multiple %add3A_65, 8 : i32
    "tpu.region"() ({
      %run_scoped3A = tpu.sem_alloc : memref<!tpu.dma_semaphore, #tpu.memory_space<semaphore_mem>>
      %dma_start3A = arith.constant 0 : i32
      %dma_start3A_102 = tpu.memref_slice %arg8[%multiple_of3A_66, %dma_start3A] : memref<10240x128xf32, #tpu.memory_space<vmem_shared>> -> memref<40x128xf32, #tpu.memory_space<vmem_shared>>
      %dma_start3A_103 = arith.constant 0 : i32
      %dma_start3A_104 = tpu.memref_slice %arg8[%multiple_of3A_66, %dma_start3A_103] : memref<10240x128xf32, #tpu.memory_space<vmem_shared>> -> memref<40x128xf32, #tpu.memory_space<vmem_shared>>
      tpu.enqueue_dma source(%arg7 : memref<40x128xf32, #tpu.memory_space<vmem>>) target(%dma_start3A_104 : memref<40x128xf32, #tpu.memory_space<vmem_shared>>) target_semaphore(%run_scoped3A : memref<!tpu.dma_semaphore, #tpu.memory_space<semaphore_mem>>)
      %dma_wait3A = arith.constant 0 : i32
      %dma_wait3A_105 = tpu.memref_slice %arg8[%multiple_of3A_66, %dma_wait3A] : memref<10240x128xf32, #tpu.memory_space<vmem_shared>> -> memref<40x128xf32, #tpu.memory_space<vmem_shared>>
      %dma_wait3A_106 = arith.constant 0 : i32
      %dma_wait3A_107 = tpu.memref_slice %arg8[%multiple_of3A_66, %dma_wait3A_106] : memref<10240x128xf32, #tpu.memory_space<vmem_shared>> -> memref<40x128xf32, #tpu.memory_space<vmem_shared>>
      tpu.wait_dma2 semaphore(%run_scoped3A : memref<!tpu.dma_semaphore, #tpu.memory_space<semaphore_mem>>) src(%arg7 : memref<40x128xf32, #tpu.memory_space<vmem>>) dst(%dma_wait3A_107 : memref<40x128xf32, #tpu.memory_space<vmem_shared>>)
      tpu.yield
    }) : () -> ()
    %mul3A_67 = arith.constant 640 : i32
    %mul3A_68 = arith.muli %arg1, %mul3A_67 : i32
    %add3A_69 = arith.constant 480 : i32
    %add3A_70 = arith.addi %mul3A_68, %add3A_69 : i32
    %multiple_of3A_71 = tpu.assume_multiple %add3A_70, 8 : i32
    "tpu.region"() ({
      %run_scoped3A = tpu.sem_alloc : memref<!tpu.dma_semaphore, #tpu.memory_space<semaphore_mem>>
      %dma_start3A = arith.constant 0 : i32
      %dma_start3A_102 = tpu.memref_slice %arg8[%multiple_of3A_71, %dma_start3A] : memref<10240x128xf32, #tpu.memory_space<vmem_shared>> -> memref<40x128xf32, #tpu.memory_space<vmem_shared>>
      %dma_start3A_103 = arith.constant 0 : i32
      %dma_start3A_104 = tpu.memref_slice %arg8[%multiple_of3A_71, %dma_start3A_103] : memref<10240x128xf32, #tpu.memory_space<vmem_shared>> -> memref<40x128xf32, #tpu.memory_space<vmem_shared>>
      tpu.enqueue_dma source(%arg7 : memref<40x128xf32, #tpu.memory_space<vmem>>) target(%dma_start3A_104 : memref<40x128xf32, #tpu.memory_space<vmem_shared>>) target_semaphore(%run_scoped3A : memref<!tpu.dma_semaphore, #tpu.memory_space<semaphore_mem>>)
      %dma_wait3A = arith.constant 0 : i32
      %dma_wait3A_105 = tpu.memref_slice %arg8[%multiple_of3A_71, %dma_wait3A] : memref<10240x128xf32, #tpu.memory_space<vmem_shared>> -> memref<40x128xf32, #tpu.memory_space<vmem_shared>>
      %dma_wait3A_106 = arith.constant 0 : i32
      %dma_wait3A_107 = tpu.memref_slice %arg8[%multiple_of3A_71, %dma_wait3A_106] : memref<10240x128xf32, #tpu.memory_space<vmem_shared>> -> memref<40x128xf32, #tpu.memory_space<vmem_shared>>
      tpu.wait_dma2 semaphore(%run_scoped3A : memref<!tpu.dma_semaphore, #tpu.memory_space<semaphore_mem>>) src(%arg7 : memref<40x128xf32, #tpu.memory_space<vmem>>) dst(%dma_wait3A_107 : memref<40x128xf32, #tpu.memory_space<vmem_shared>>)
      tpu.yield
    }) : () -> ()
    %mul3A_72 = arith.constant 640 : i32
    %mul3A_73 = arith.muli %arg1, %mul3A_72 : i32
    %add3A_74 = arith.constant 520 : i32
    %add3A_75 = arith.addi %mul3A_73, %add3A_74 : i32
    %multiple_of3A_76 = tpu.assume_multiple %add3A_75, 8 : i32
    "tpu.region"() ({
      %run_scoped3A = tpu.sem_alloc : memref<!tpu.dma_semaphore, #tpu.memory_space<semaphore_mem>>
      %dma_start3A = arith.constant 0 : i32
      %dma_start3A_102 = tpu.memref_slice %arg8[%multiple_of3A_76, %dma_start3A] : memref<10240x128xf32, #tpu.memory_space<vmem_shared>> -> memref<40x128xf32, #tpu.memory_space<vmem_shared>>
      %dma_start3A_103 = arith.constant 0 : i32
      %dma_start3A_104 = tpu.memref_slice %arg8[%multiple_of3A_76, %dma_start3A_103] : memref<10240x128xf32, #tpu.memory_space<vmem_shared>> -> memref<40x128xf32, #tpu.memory_space<vmem_shared>>
      tpu.enqueue_dma source(%arg7 : memref<40x128xf32, #tpu.memory_space<vmem>>) target(%dma_start3A_104 : memref<40x128xf32, #tpu.memory_space<vmem_shared>>) target_semaphore(%run_scoped3A : memref<!tpu.dma_semaphore, #tpu.memory_space<semaphore_mem>>)
      %dma_wait3A = arith.constant 0 : i32
      %dma_wait3A_105 = tpu.memref_slice %arg8[%multiple_of3A_76, %dma_wait3A] : memref<10240x128xf32, #tpu.memory_space<vmem_shared>> -> memref<40x128xf32, #tpu.memory_space<vmem_shared>>
      %dma_wait3A_106 = arith.constant 0 : i32
      %dma_wait3A_107 = tpu.memref_slice %arg8[%multiple_of3A_76, %dma_wait3A_106] : memref<10240x128xf32, #tpu.memory_space<vmem_shared>> -> memref<40x128xf32, #tpu.memory_space<vmem_shared>>
      tpu.wait_dma2 semaphore(%run_scoped3A : memref<!tpu.dma_semaphore, #tpu.memory_space<semaphore_mem>>) src(%arg7 : memref<40x128xf32, #tpu.memory_space<vmem>>) dst(%dma_wait3A_107 : memref<40x128xf32, #tpu.memory_space<vmem_shared>>)
      tpu.yield
    }) : () -> ()
    %mul3A_77 = arith.constant 640 : i32
    %mul3A_78 = arith.muli %arg1, %mul3A_77 : i32
    %add3A_79 = arith.constant 560 : i32
    %add3A_80 = arith.addi %mul3A_78, %add3A_79 : i32
    %multiple_of3A_81 = tpu.assume_multiple %add3A_80, 8 : i32
    "tpu.region"() ({
      %run_scoped3A = tpu.sem_alloc : memref<!tpu.dma_semaphore, #tpu.memory_space<semaphore_mem>>
      %dma_start3A = arith.constant 0 : i32
      %dma_start3A_102 = tpu.memref_slice %arg8[%multiple_of3A_81, %dma_start3A] : memref<10240x128xf32, #tpu.memory_space<vmem_shared>> -> memref<40x128xf32, #tpu.memory_space<vmem_shared>>
      %dma_start3A_103 = arith.constant 0 : i32
      %dma_start3A_104 = tpu.memref_slice %arg8[%multiple_of3A_81, %dma_start3A_103] : memref<10240x128xf32, #tpu.memory_space<vmem_shared>> -> memref<40x128xf32, #tpu.memory_space<vmem_shared>>
      tpu.enqueue_dma source(%arg7 : memref<40x128xf32, #tpu.memory_space<vmem>>) target(%dma_start3A_104 : memref<40x128xf32, #tpu.memory_space<vmem_shared>>) target_semaphore(%run_scoped3A : memref<!tpu.dma_semaphore, #tpu.memory_space<semaphore_mem>>)
      %dma_wait3A = arith.constant 0 : i32
      %dma_wait3A_105 = tpu.memref_slice %arg8[%multiple_of3A_81, %dma_wait3A] : memref<10240x128xf32, #tpu.memory_space<vmem_shared>> -> memref<40x128xf32, #tpu.memory_space<vmem_shared>>
      %dma_wait3A_106 = arith.constant 0 : i32
      %dma_wait3A_107 = tpu.memref_slice %arg8[%multiple_of3A_81, %dma_wait3A_106] : memref<10240x128xf32, #tpu.memory_space<vmem_shared>> -> memref<40x128xf32, #tpu.memory_space<vmem_shared>>
      tpu.wait_dma2 semaphore(%run_scoped3A : memref<!tpu.dma_semaphore, #tpu.memory_space<semaphore_mem>>) src(%arg7 : memref<40x128xf32, #tpu.memory_space<vmem>>) dst(%dma_wait3A_107 : memref<40x128xf32, #tpu.memory_space<vmem_shared>>)
      tpu.yield
    }) : () -> ()
    %mul3A_82 = arith.constant 640 : i32
    %mul3A_83 = arith.muli %arg1, %mul3A_82 : i32
    %add3A_84 = arith.constant 600 : i32
    %add3A_85 = arith.addi %mul3A_83, %add3A_84 : i32
    %multiple_of3A_86 = tpu.assume_multiple %add3A_85, 8 : i32
    "tpu.region"() ({
      %run_scoped3A = tpu.sem_alloc : memref<!tpu.dma_semaphore, #tpu.memory_space<semaphore_mem>>
      %dma_start3A = arith.constant 0 : i32
      %dma_start3A_102 = tpu.memref_slice %arg8[%multiple_of3A_86, %dma_start3A] : memref<10240x128xf32, #tpu.memory_space<vmem_shared>> -> memref<40x128xf32, #tpu.memory_space<vmem_shared>>
      %dma_start3A_103 = arith.constant 0 : i32
      %dma_start3A_104 = tpu.memref_slice %arg8[%multiple_of3A_86, %dma_start3A_103] : memref<10240x128xf32, #tpu.memory_space<vmem_shared>> -> memref<40x128xf32, #tpu.memory_space<vmem_shared>>
      tpu.enqueue_dma source(%arg7 : memref<40x128xf32, #tpu.memory_space<vmem>>) target(%dma_start3A_104 : memref<40x128xf32, #tpu.memory_space<vmem_shared>>) target_semaphore(%run_scoped3A : memref<!tpu.dma_semaphore, #tpu.memory_space<semaphore_mem>>)
      %dma_wait3A = arith.constant 0 : i32
      %dma_wait3A_105 = tpu.memref_slice %arg8[%multiple_of3A_86, %dma_wait3A] : memref<10240x128xf32, #tpu.memory_space<vmem_shared>> -> memref<40x128xf32, #tpu.memory_space<vmem_shared>>
      %dma_wait3A_106 = arith.constant 0 : i32
      %dma_wait3A_107 = tpu.memref_slice %arg8[%multiple_of3A_86, %dma_wait3A_106] : memref<10240x128xf32, #tpu.memory_space<vmem_shared>> -> memref<40x128xf32, #tpu.memory_space<vmem_shared>>
      tpu.wait_dma2 semaphore(%run_scoped3A : memref<!tpu.dma_semaphore, #tpu.memory_space<semaphore_mem>>) src(%arg7 : memref<40x128xf32, #tpu.memory_space<vmem>>) dst(%dma_wait3A_107 : memref<40x128xf32, #tpu.memory_space<vmem_shared>>)
      tpu.yield
    }) : () -> ()
    %barrier3A = arith.constant 0 : index
    tpu.barrier barrier_id(%barrier3A)
    %scan3A_87 = arith.constant 0 : i32
    %scan3A_88 = arith.constant 0 : i32
    %scan3A_89 = arith.constant 125 : i32
    %scan3A_90 = arith.addi %scan3A_88, %scan3A_89 : i32
    %scan3A_91 = arith.constant 1 : i32
    %scan3A_92 = scf.for %scan3A_102 = %scan3A_88 to %scan3A_90 step %scan3A_91 iter_args(%scan3A_103 = %scan3A_87) -> (i32)  : i32 {
      %mul3A_104 = arith.constant 10000 : i32
      %mul3A_105 = arith.muli %add3A, %mul3A_104 : i32
      %mul3A_106 = arith.constant 80 : i32
      %mul3A_107 = arith.muli %scan3A_102, %mul3A_106 : i32
      %add3A_108 = arith.addi %mul3A_105, %mul3A_107 : i32
      %multiple_of3A_109 = tpu.assume_multiple %add3A_108, 8 : i32
      "tpu.region"() ({
        %run_scoped3A = tpu.sem_alloc : memref<!tpu.dma_semaphore, #tpu.memory_space<semaphore_mem>>
        %dma_start3A = tpu.memref_slice %arg2[%multiple_of3A_109] : memref<320000xi32, #tpu.memory_space<hbm>> -> memref<80xi32, #tpu.memory_space<hbm>>
        %dma_start3A_111 = tpu.memref_slice %arg2[%multiple_of3A_109] : memref<320000xi32, #tpu.memory_space<hbm>> -> memref<80xi32, #tpu.memory_space<hbm>>
        tpu.enqueue_dma source(%dma_start3A_111 : memref<80xi32, #tpu.memory_space<hbm>>) target(%arg5 : memref<80xi32, #tpu.memory_space<vmem>>) target_semaphore(%run_scoped3A : memref<!tpu.dma_semaphore, #tpu.memory_space<semaphore_mem>>)
        %dma_wait3A = tpu.memref_slice %arg2[%multiple_of3A_109] : memref<320000xi32, #tpu.memory_space<hbm>> -> memref<80xi32, #tpu.memory_space<hbm>>
        %dma_wait3A_112 = tpu.memref_slice %arg2[%multiple_of3A_109] : memref<320000xi32, #tpu.memory_space<hbm>> -> memref<80xi32, #tpu.memory_space<hbm>>
        tpu.wait_dma2 semaphore(%run_scoped3A : memref<!tpu.dma_semaphore, #tpu.memory_space<semaphore_mem>>) src(%dma_wait3A_112 : memref<80xi32, #tpu.memory_space<hbm>>) dst(%arg5 : memref<80xi32, #tpu.memory_space<vmem>>)
        tpu.yield
      }) : () -> ()
      "tpu.region"() ({
        %run_scoped3A = tpu.sem_alloc : memref<!tpu.dma_semaphore, #tpu.memory_space<semaphore_mem>>
        %dma_start3A = arith.constant 0 : i32
        %dma_start3A_111 = tpu.memref_slice %arg3[%multiple_of3A_109, %dma_start3A] : memref<320000x128xf32, #tpu.memory_space<hbm>> -> memref<80x128xf32, #tpu.memory_space<hbm>>
        %dma_start3A_112 = arith.constant 0 : i32
        %dma_start3A_113 = tpu.memref_slice %arg3[%multiple_of3A_109, %dma_start3A_112] : memref<320000x128xf32, #tpu.memory_space<hbm>> -> memref<80x128xf32, #tpu.memory_space<hbm>>
        tpu.enqueue_dma source(%dma_start3A_113 : memref<80x128xf32, #tpu.memory_space<hbm>>) target(%arg6 : memref<80x128xf32, #tpu.memory_space<vmem>>) target_semaphore(%run_scoped3A : memref<!tpu.dma_semaphore, #tpu.memory_space<semaphore_mem>>)
        %dma_wait3A = arith.constant 0 : i32
        %dma_wait3A_114 = tpu.memref_slice %arg3[%multiple_of3A_109, %dma_wait3A] : memref<320000x128xf32, #tpu.memory_space<hbm>> -> memref<80x128xf32, #tpu.memory_space<hbm>>
        %dma_wait3A_115 = arith.constant 0 : i32
        %dma_wait3A_116 = tpu.memref_slice %arg3[%multiple_of3A_109, %dma_wait3A_115] : memref<320000x128xf32, #tpu.memory_space<hbm>> -> memref<80x128xf32, #tpu.memory_space<hbm>>
        tpu.wait_dma2 semaphore(%run_scoped3A : memref<!tpu.dma_semaphore, #tpu.memory_space<semaphore_mem>>) src(%dma_wait3A_116 : memref<80x128xf32, #tpu.memory_space<hbm>>) dst(%arg6 : memref<80x128xf32, #tpu.memory_space<vmem>>)
        tpu.yield
      }) : () -> ()
      "tpu.region"() ({
        %run_scoped3A = tpu.sem_alloc : memref<!tpu.dma_semaphore, #tpu.memory_space<semaphore_mem>>
        %dma_start3A = arith.constant 0 : i32
        %dma_start3A_111 = arith.constant 0 : i32
        %dma_start3A_112 = tpu.memref_slice %arg8[%dma_start3A, %dma_start3A_111] : memref<10240x128xf32, #tpu.memory_space<vmem_shared>> -> memref<10240x128xf32, #tpu.memory_space<vmem_shared>>
        tpu.enqueue_indirect_dma source(%arg6 : memref<80x128xf32, #tpu.memory_space<vmem>>) target(%dma_start3A_112 : memref<10240x128xf32, #tpu.memory_space<vmem_shared>>) offsets(%arg5 : memref<80xi32, #tpu.memory_space<vmem>>) semaphore(%run_scoped3A : memref<!tpu.dma_semaphore, #tpu.memory_space<semaphore_mem>>) {add = true}
        %dma_wait3A = arith.constant 0 : i32
        %dma_wait3A_113 = arith.constant 0 : i32
        %dma_wait3A_114 = tpu.memref_slice %arg8[%dma_wait3A, %dma_wait3A_113] : memref<10240x128xf32, #tpu.memory_space<vmem_shared>> -> memref<10240x128xf32, #tpu.memory_space<vmem_shared>>
        tpu.wait_indirect_dma semaphore(%run_scoped3A : memref<!tpu.dma_semaphore, #tpu.memory_space<semaphore_mem>>) src(%arg6 : memref<80x128xf32, #tpu.memory_space<vmem>>) dst(%dma_wait3A_114 : memref<10240x128xf32, #tpu.memory_space<vmem_shared>>)
        tpu.yield
      }) : () -> ()
      %scan3A_110 = arith.constant 0 : i32
      scf.yield %scan3A_110 : i32
    }
    %scan3A_93 = arith.constant 125 : i32
    %barrier3A_94 = arith.constant 0 : index
    tpu.barrier barrier_id(%barrier3A_94)
    %mul3A_95 = arith.constant 640 : i32
    %mul3A_96 = arith.muli %arg1, %mul3A_95 : i32
    %multiple_of3A_97 = tpu.assume_multiple %mul3A_96, 8 : i32
    %mul3A_98 = arith.constant 10240 : i32
    %mul3A_99 = arith.muli %arg0, %mul3A_98 : i32
    %multiple_of3A_100 = tpu.assume_multiple %mul3A_99, 8 : i32
    %add3A_101 = arith.addi %multiple_of3A_100, %multiple_of3A_97 : i32
    "tpu.region"() ({
      %run_scoped3A = tpu.sem_alloc : memref<!tpu.dma_semaphore, #tpu.memory_space<semaphore_mem>>
      %dma_start3A = arith.constant 0 : i32
      %dma_start3A_102 = tpu.memref_slice %arg4[%add3A_101, %dma_start3A] : memref<20480x128xf32, #tpu.memory_space<hbm>> -> memref<640x128xf32, #tpu.memory_space<hbm>>
      %dma_start3A_103 = arith.constant 0 : i32
      %dma_start3A_104 = tpu.memref_slice %arg8[%multiple_of3A_97, %dma_start3A_103] : memref<10240x128xf32, #tpu.memory_space<vmem_shared>> -> memref<640x128xf32, #tpu.memory_space<vmem_shared>>
      tpu.enqueue_dma source(%dma_start3A_104 : memref<640x128xf32, #tpu.memory_space<vmem_shared>>) target(%dma_start3A_102 : memref<640x128xf32, #tpu.memory_space<hbm>>) target_semaphore(%run_scoped3A : memref<!tpu.dma_semaphore, #tpu.memory_space<semaphore_mem>>)
      %dma_wait3A = arith.constant 0 : i32
      %dma_wait3A_105 = tpu.memref_slice %arg4[%add3A_101, %dma_wait3A] : memref<20480x128xf32, #tpu.memory_space<hbm>> -> memref<640x128xf32, #tpu.memory_space<hbm>>
      %dma_wait3A_106 = arith.constant 0 : i32
      %dma_wait3A_107 = tpu.memref_slice %arg8[%multiple_of3A_97, %dma_wait3A_106] : memref<10240x128xf32, #tpu.memory_space<vmem_shared>> -> memref<640x128xf32, #tpu.memory_space<vmem_shared>>
      tpu.wait_dma2 semaphore(%run_scoped3A : memref<!tpu.dma_semaphore, #tpu.memory_space<semaphore_mem>>) src(%dma_wait3A_107 : memref<640x128xf32, #tpu.memory_space<vmem_shared>>) dst(%dma_wait3A_105 : memref<640x128xf32, #tpu.memory_space<hbm>>)
      tpu.yield
    }) : () -> ()
    return
  }
}

#map = affine_map<(d0, d1) -> (0)>
#map1 = affine_map<(d0, d1) -> (0, 0)>
module attributes {stable_mosaic.version = 14 : i64} {
  func.func @_edge_num_body(%arg0: i32, %arg1: i32, %arg2: memref<320000xi32, #tpu.memory_space<hbm>>, %arg3: memref<320000xi32, #tpu.memory_space<hbm>>, %arg4: memref<10000x128xf32, #tpu.memory_space<hbm>>, %arg5: memref<10000x128xf32, #tpu.memory_space<hbm>>, %arg6: memref<10000x128xf32, #tpu.memory_space<hbm>>, %arg7: memref<320000x128xf32, #tpu.memory_space<hbm>>, %arg8: memref<320000x128xf32, #tpu.memory_space<hbm>>, %arg9: memref<320000x128xf32, #tpu.memory_space<hbm>>, %arg10: memref<20480x128xf32, #tpu.memory_space<hbm>>, %arg11: memref<80xi32, #tpu.memory_space<vmem>>, %arg12: memref<80xi32, #tpu.memory_space<vmem>>, %arg13: memref<80x128xf32, #tpu.memory_space<vmem>>, %arg14: memref<80x128xf32, #tpu.memory_space<vmem>>, %arg15: memref<80x128xf32, #tpu.memory_space<vmem>>, %arg16: memref<80x128xf32, #tpu.memory_space<vmem>>, %arg17: memref<40x128xf32, #tpu.memory_space<vmem>>, %arg18: memref<10240x128xf32, #tpu.memory_space<vmem_shared>>, %arg19: memref<!tpu.dma_semaphore, #tpu.memory_space<semaphore_mem>>, %arg20: memref<!tpu.dma_semaphore, #tpu.memory_space<semaphore_mem>>, %arg21: memref<!tpu.dma_semaphore, #tpu.memory_space<semaphore_mem>>) attributes {dimension_semantics = [#tpu.dimension_semantics<core_parallel>, #tpu.dimension_semantics<subcore_parallel>], iteration_bounds = array<i64: 2, 16>, scalar_prefetch = 0 : i64, scratch_operands = 11 : i64, tpu.core_type = #tpu.core_type<sc_vector_subcore>, window_params = [{transform_indices = #map}, {transform_indices = #map}, {transform_indices = #map1}, {transform_indices = #map1}, {transform_indices = #map1}, {transform_indices = #map1}, {transform_indices = #map1}, {transform_indices = #map1}, {transform_indices = #map1}]} {
    %mul3A = arith.constant 16 : i32
    %mul3A_0 = arith.muli %arg0, %mul3A : i32
    %add3A = arith.addi %mul3A_0, %arg1 : i32
    %broadcast_in_dim3A = arith.constant 0.000000e+00 : f32
    %broadcast_in_dim3A_1 = vector.broadcast %broadcast_in_dim3A : f32 to vector<16xf32>
    %scan3A = arith.constant 0 : i32
    %scan3A_2 = arith.constant 0 : i32
    %scan3A_3 = arith.constant 40 : i32
    %scan3A_4 = arith.addi %scan3A_2, %scan3A_3 : i32
    %scan3A_5 = arith.constant 1 : i32
    %scan3A_6 = scf.for %scan3A_102 = %scan3A_2 to %scan3A_4 step %scan3A_5 iter_args(%scan3A_103 = %scan3A) -> (i32)  : i32 {
      %swap3A = arith.index_cast %scan3A_102 : i32 to index
      %swap3A_104 = arith.constant 0 : index
      %swap3A_105 = tpu.vector_load %arg17[%swap3A, %swap3A_104] {strides = array<i32>} : memref<40x128xf32, #tpu.memory_space<vmem>>, vector<1x16xf32>,
      %swap3A_106 = vector.shape_cast %swap3A_105 : vector<1x16xf32> to vector<16xf32>
      %swap3A_107 = vector.shape_cast %broadcast_in_dim3A_1 : vector<16xf32> to vector<1x16xf32>
      tpu.vector_store %arg17[%swap3A, %swap3A_104], %swap3A_107 {strides = array<i32>} : memref<40x128xf32, #tpu.memory_space<vmem>>, vector<1x16xf32>,
      %swap3A_108 = arith.index_cast %scan3A_102 : i32 to index
      %swap3A_109 = arith.constant 16 : index
      %swap3A_110 = tpu.vector_load %arg17[%swap3A_108, %swap3A_109] {strides = array<i32>} : memref<40x128xf32, #tpu.memory_space<vmem>>, vector<1x16xf32>,
      %swap3A_111 = vector.shape_cast %swap3A_110 : vector<1x16xf32> to vector<16xf32>
      %swap3A_112 = vector.shape_cast %broadcast_in_dim3A_1 : vector<16xf32> to vector<1x16xf32>
      tpu.vector_store %arg17[%swap3A_108, %swap3A_109], %swap3A_112 {strides = array<i32>} : memref<40x128xf32, #tpu.memory_space<vmem>>, vector<1x16xf32>,
      %swap3A_113 = arith.index_cast %scan3A_102 : i32 to index
      %swap3A_114 = arith.constant 32 : index
      %swap3A_115 = tpu.vector_load %arg17[%swap3A_113, %swap3A_114] {strides = array<i32>} : memref<40x128xf32, #tpu.memory_space<vmem>>, vector<1x16xf32>,
      %swap3A_116 = vector.shape_cast %swap3A_115 : vector<1x16xf32> to vector<16xf32>
      %swap3A_117 = vector.shape_cast %broadcast_in_dim3A_1 : vector<16xf32> to vector<1x16xf32>
      tpu.vector_store %arg17[%swap3A_113, %swap3A_114], %swap3A_117 {strides = array<i32>} : memref<40x128xf32, #tpu.memory_space<vmem>>, vector<1x16xf32>,
      %swap3A_118 = arith.index_cast %scan3A_102 : i32 to index
      %swap3A_119 = arith.constant 48 : index
      %swap3A_120 = tpu.vector_load %arg17[%swap3A_118, %swap3A_119] {strides = array<i32>} : memref<40x128xf32, #tpu.memory_space<vmem>>, vector<1x16xf32>,
      %swap3A_121 = vector.shape_cast %swap3A_120 : vector<1x16xf32> to vector<16xf32>
      %swap3A_122 = vector.shape_cast %broadcast_in_dim3A_1 : vector<16xf32> to vector<1x16xf32>
      tpu.vector_store %arg17[%swap3A_118, %swap3A_119], %swap3A_122 {strides = array<i32>} : memref<40x128xf32, #tpu.memory_space<vmem>>, vector<1x16xf32>,
      %swap3A_123 = arith.index_cast %scan3A_102 : i32 to index
      %swap3A_124 = arith.constant 64 : index
      %swap3A_125 = tpu.vector_load %arg17[%swap3A_123, %swap3A_124] {strides = array<i32>} : memref<40x128xf32, #tpu.memory_space<vmem>>, vector<1x16xf32>,
      %swap3A_126 = vector.shape_cast %swap3A_125 : vector<1x16xf32> to vector<16xf32>
      %swap3A_127 = vector.shape_cast %broadcast_in_dim3A_1 : vector<16xf32> to vector<1x16xf32>
      tpu.vector_store %arg17[%swap3A_123, %swap3A_124], %swap3A_127 {strides = array<i32>} : memref<40x128xf32, #tpu.memory_space<vmem>>, vector<1x16xf32>,
      %swap3A_128 = arith.index_cast %scan3A_102 : i32 to index
      %swap3A_129 = arith.constant 80 : index
      %swap3A_130 = tpu.vector_load %arg17[%swap3A_128, %swap3A_129] {strides = array<i32>} : memref<40x128xf32, #tpu.memory_space<vmem>>, vector<1x16xf32>,
      %swap3A_131 = vector.shape_cast %swap3A_130 : vector<1x16xf32> to vector<16xf32>
      %swap3A_132 = vector.shape_cast %broadcast_in_dim3A_1 : vector<16xf32> to vector<1x16xf32>
      tpu.vector_store %arg17[%swap3A_128, %swap3A_129], %swap3A_132 {strides = array<i32>} : memref<40x128xf32, #tpu.memory_space<vmem>>, vector<1x16xf32>,
      %swap3A_133 = arith.index_cast %scan3A_102 : i32 to index
      %swap3A_134 = arith.constant 96 : index
      %swap3A_135 = tpu.vector_load %arg17[%swap3A_133, %swap3A_134] {strides = array<i32>} : memref<40x128xf32, #tpu.memory_space<vmem>>, vector<1x16xf32>,
      %swap3A_136 = vector.shape_cast %swap3A_135 : vector<1x16xf32> to vector<16xf32>
      %swap3A_137 = vector.shape_cast %broadcast_in_dim3A_1 : vector<16xf32> to vector<1x16xf32>
      tpu.vector_store %arg17[%swap3A_133, %swap3A_134], %swap3A_137 {strides = array<i32>} : memref<40x128xf32, #tpu.memory_space<vmem>>, vector<1x16xf32>,
      %swap3A_138 = arith.index_cast %scan3A_102 : i32 to index
      %swap3A_139 = arith.constant 112 : index
      %swap3A_140 = tpu.vector_load %arg17[%swap3A_138, %swap3A_139] {strides = array<i32>} : memref<40x128xf32, #tpu.memory_space<vmem>>, vector<1x16xf32>,
      %swap3A_141 = vector.shape_cast %swap3A_140 : vector<1x16xf32> to vector<16xf32>
      %swap3A_142 = vector.shape_cast %broadcast_in_dim3A_1 : vector<16xf32> to vector<1x16xf32>
      tpu.vector_store %arg17[%swap3A_138, %swap3A_139], %swap3A_142 {strides = array<i32>} : memref<40x128xf32, #tpu.memory_space<vmem>>, vector<1x16xf32>,
      %scan3A_143 = arith.constant 0 : i32
      scf.yield %scan3A_143 : i32
    }
    %scan3A_7 = arith.constant 40 : i32
    %mul3A_8 = arith.constant 640 : i32
    %mul3A_9 = arith.muli %arg1, %mul3A_8 : i32
    %add3A_10 = arith.constant 0 : i32
    %add3A_11 = arith.addi %mul3A_9, %add3A_10 : i32
    %multiple_of3A = tpu.assume_multiple %add3A_11, 8 : i32
    "tpu.region"() ({
      %run_scoped3A = tpu.sem_alloc : memref<!tpu.dma_semaphore, #tpu.memory_space<semaphore_mem>>
      %dma_start3A = arith.constant 0 : i32
      %dma_start3A_102 = tpu.memref_slice %arg18[%multiple_of3A, %dma_start3A] : memref<10240x128xf32, #tpu.memory_space<vmem_shared>> -> memref<40x128xf32, #tpu.memory_space<vmem_shared>>
      %dma_start3A_103 = arith.constant 0 : i32
      %dma_start3A_104 = tpu.memref_slice %arg18[%multiple_of3A, %dma_start3A_103] : memref<10240x128xf32, #tpu.memory_space<vmem_shared>> -> memref<40x128xf32, #tpu.memory_space<vmem_shared>>
      tpu.enqueue_dma source(%arg17 : memref<40x128xf32, #tpu.memory_space<vmem>>) target(%dma_start3A_104 : memref<40x128xf32, #tpu.memory_space<vmem_shared>>) target_semaphore(%run_scoped3A : memref<!tpu.dma_semaphore, #tpu.memory_space<semaphore_mem>>)
      %dma_wait3A = arith.constant 0 : i32
      %dma_wait3A_105 = tpu.memref_slice %arg18[%multiple_of3A, %dma_wait3A] : memref<10240x128xf32, #tpu.memory_space<vmem_shared>> -> memref<40x128xf32, #tpu.memory_space<vmem_shared>>
      %dma_wait3A_106 = arith.constant 0 : i32
      %dma_wait3A_107 = tpu.memref_slice %arg18[%multiple_of3A, %dma_wait3A_106] : memref<10240x128xf32, #tpu.memory_space<vmem_shared>> -> memref<40x128xf32, #tpu.memory_space<vmem_shared>>
      tpu.wait_dma2 semaphore(%run_scoped3A : memref<!tpu.dma_semaphore, #tpu.memory_space<semaphore_mem>>) src(%arg17 : memref<40x128xf32, #tpu.memory_space<vmem>>) dst(%dma_wait3A_107 : memref<40x128xf32, #tpu.memory_space<vmem_shared>>)
      tpu.yield
    }) : () -> ()
    %mul3A_12 = arith.constant 640 : i32
    %mul3A_13 = arith.muli %arg1, %mul3A_12 : i32
    %add3A_14 = arith.constant 40 : i32
    %add3A_15 = arith.addi %mul3A_13, %add3A_14 : i32
    %multiple_of3A_16 = tpu.assume_multiple %add3A_15, 8 : i32
    "tpu.region"() ({
      %run_scoped3A = tpu.sem_alloc : memref<!tpu.dma_semaphore, #tpu.memory_space<semaphore_mem>>
      %dma_start3A = arith.constant 0 : i32
      %dma_start3A_102 = tpu.memref_slice %arg18[%multiple_of3A_16, %dma_start3A] : memref<10240x128xf32, #tpu.memory_space<vmem_shared>> -> memref<40x128xf32, #tpu.memory_space<vmem_shared>>
      %dma_start3A_103 = arith.constant 0 : i32
      %dma_start3A_104 = tpu.memref_slice %arg18[%multiple_of3A_16, %dma_start3A_103] : memref<10240x128xf32, #tpu.memory_space<vmem_shared>> -> memref<40x128xf32, #tpu.memory_space<vmem_shared>>
      tpu.enqueue_dma source(%arg17 : memref<40x128xf32, #tpu.memory_space<vmem>>) target(%dma_start3A_104 : memref<40x128xf32, #tpu.memory_space<vmem_shared>>) target_semaphore(%run_scoped3A : memref<!tpu.dma_semaphore, #tpu.memory_space<semaphore_mem>>)
      %dma_wait3A = arith.constant 0 : i32
      %dma_wait3A_105 = tpu.memref_slice %arg18[%multiple_of3A_16, %dma_wait3A] : memref<10240x128xf32, #tpu.memory_space<vmem_shared>> -> memref<40x128xf32, #tpu.memory_space<vmem_shared>>
      %dma_wait3A_106 = arith.constant 0 : i32
      %dma_wait3A_107 = tpu.memref_slice %arg18[%multiple_of3A_16, %dma_wait3A_106] : memref<10240x128xf32, #tpu.memory_space<vmem_shared>> -> memref<40x128xf32, #tpu.memory_space<vmem_shared>>
      tpu.wait_dma2 semaphore(%run_scoped3A : memref<!tpu.dma_semaphore, #tpu.memory_space<semaphore_mem>>) src(%arg17 : memref<40x128xf32, #tpu.memory_space<vmem>>) dst(%dma_wait3A_107 : memref<40x128xf32, #tpu.memory_space<vmem_shared>>)
      tpu.yield
    }) : () -> ()
    %mul3A_17 = arith.constant 640 : i32
    %mul3A_18 = arith.muli %arg1, %mul3A_17 : i32
    %add3A_19 = arith.constant 80 : i32
    %add3A_20 = arith.addi %mul3A_18, %add3A_19 : i32
    %multiple_of3A_21 = tpu.assume_multiple %add3A_20, 8 : i32
    "tpu.region"() ({
      %run_scoped3A = tpu.sem_alloc : memref<!tpu.dma_semaphore, #tpu.memory_space<semaphore_mem>>
      %dma_start3A = arith.constant 0 : i32
      %dma_start3A_102 = tpu.memref_slice %arg18[%multiple_of3A_21, %dma_start3A] : memref<10240x128xf32, #tpu.memory_space<vmem_shared>> -> memref<40x128xf32, #tpu.memory_space<vmem_shared>>
      %dma_start3A_103 = arith.constant 0 : i32
      %dma_start3A_104 = tpu.memref_slice %arg18[%multiple_of3A_21, %dma_start3A_103] : memref<10240x128xf32, #tpu.memory_space<vmem_shared>> -> memref<40x128xf32, #tpu.memory_space<vmem_shared>>
      tpu.enqueue_dma source(%arg17 : memref<40x128xf32, #tpu.memory_space<vmem>>) target(%dma_start3A_104 : memref<40x128xf32, #tpu.memory_space<vmem_shared>>) target_semaphore(%run_scoped3A : memref<!tpu.dma_semaphore, #tpu.memory_space<semaphore_mem>>)
      %dma_wait3A = arith.constant 0 : i32
      %dma_wait3A_105 = tpu.memref_slice %arg18[%multiple_of3A_21, %dma_wait3A] : memref<10240x128xf32, #tpu.memory_space<vmem_shared>> -> memref<40x128xf32, #tpu.memory_space<vmem_shared>>
      %dma_wait3A_106 = arith.constant 0 : i32
      %dma_wait3A_107 = tpu.memref_slice %arg18[%multiple_of3A_21, %dma_wait3A_106] : memref<10240x128xf32, #tpu.memory_space<vmem_shared>> -> memref<40x128xf32, #tpu.memory_space<vmem_shared>>
      tpu.wait_dma2 semaphore(%run_scoped3A : memref<!tpu.dma_semaphore, #tpu.memory_space<semaphore_mem>>) src(%arg17 : memref<40x128xf32, #tpu.memory_space<vmem>>) dst(%dma_wait3A_107 : memref<40x128xf32, #tpu.memory_space<vmem_shared>>)
      tpu.yield
    }) : () -> ()
    %mul3A_22 = arith.constant 640 : i32
    %mul3A_23 = arith.muli %arg1, %mul3A_22 : i32
    %add3A_24 = arith.constant 120 : i32
    %add3A_25 = arith.addi %mul3A_23, %add3A_24 : i32
    %multiple_of3A_26 = tpu.assume_multiple %add3A_25, 8 : i32
    "tpu.region"() ({
      %run_scoped3A = tpu.sem_alloc : memref<!tpu.dma_semaphore, #tpu.memory_space<semaphore_mem>>
      %dma_start3A = arith.constant 0 : i32
      %dma_start3A_102 = tpu.memref_slice %arg18[%multiple_of3A_26, %dma_start3A] : memref<10240x128xf32, #tpu.memory_space<vmem_shared>> -> memref<40x128xf32, #tpu.memory_space<vmem_shared>>
      %dma_start3A_103 = arith.constant 0 : i32
      %dma_start3A_104 = tpu.memref_slice %arg18[%multiple_of3A_26, %dma_start3A_103] : memref<10240x128xf32, #tpu.memory_space<vmem_shared>> -> memref<40x128xf32, #tpu.memory_space<vmem_shared>>
      tpu.enqueue_dma source(%arg17 : memref<40x128xf32, #tpu.memory_space<vmem>>) target(%dma_start3A_104 : memref<40x128xf32, #tpu.memory_space<vmem_shared>>) target_semaphore(%run_scoped3A : memref<!tpu.dma_semaphore, #tpu.memory_space<semaphore_mem>>)
      %dma_wait3A = arith.constant 0 : i32
      %dma_wait3A_105 = tpu.memref_slice %arg18[%multiple_of3A_26, %dma_wait3A] : memref<10240x128xf32, #tpu.memory_space<vmem_shared>> -> memref<40x128xf32, #tpu.memory_space<vmem_shared>>
      %dma_wait3A_106 = arith.constant 0 : i32
      %dma_wait3A_107 = tpu.memref_slice %arg18[%multiple_of3A_26, %dma_wait3A_106] : memref<10240x128xf32, #tpu.memory_space<vmem_shared>> -> memref<40x128xf32, #tpu.memory_space<vmem_shared>>
      tpu.wait_dma2 semaphore(%run_scoped3A : memref<!tpu.dma_semaphore, #tpu.memory_space<semaphore_mem>>) src(%arg17 : memref<40x128xf32, #tpu.memory_space<vmem>>) dst(%dma_wait3A_107 : memref<40x128xf32, #tpu.memory_space<vmem_shared>>)
      tpu.yield
    }) : () -> ()
    %mul3A_27 = arith.constant 640 : i32
    %mul3A_28 = arith.muli %arg1, %mul3A_27 : i32
    %add3A_29 = arith.constant 160 : i32
    %add3A_30 = arith.addi %mul3A_28, %add3A_29 : i32
    %multiple_of3A_31 = tpu.assume_multiple %add3A_30, 8 : i32
    "tpu.region"() ({
      %run_scoped3A = tpu.sem_alloc : memref<!tpu.dma_semaphore, #tpu.memory_space<semaphore_mem>>
      %dma_start3A = arith.constant 0 : i32
      %dma_start3A_102 = tpu.memref_slice %arg18[%multiple_of3A_31, %dma_start3A] : memref<10240x128xf32, #tpu.memory_space<vmem_shared>> -> memref<40x128xf32, #tpu.memory_space<vmem_shared>>
      %dma_start3A_103 = arith.constant 0 : i32
      %dma_start3A_104 = tpu.memref_slice %arg18[%multiple_of3A_31, %dma_start3A_103] : memref<10240x128xf32, #tpu.memory_space<vmem_shared>> -> memref<40x128xf32, #tpu.memory_space<vmem_shared>>
      tpu.enqueue_dma source(%arg17 : memref<40x128xf32, #tpu.memory_space<vmem>>) target(%dma_start3A_104 : memref<40x128xf32, #tpu.memory_space<vmem_shared>>) target_semaphore(%run_scoped3A : memref<!tpu.dma_semaphore, #tpu.memory_space<semaphore_mem>>)
      %dma_wait3A = arith.constant 0 : i32
      %dma_wait3A_105 = tpu.memref_slice %arg18[%multiple_of3A_31, %dma_wait3A] : memref<10240x128xf32, #tpu.memory_space<vmem_shared>> -> memref<40x128xf32, #tpu.memory_space<vmem_shared>>
      %dma_wait3A_106 = arith.constant 0 : i32
      %dma_wait3A_107 = tpu.memref_slice %arg18[%multiple_of3A_31, %dma_wait3A_106] : memref<10240x128xf32, #tpu.memory_space<vmem_shared>> -> memref<40x128xf32, #tpu.memory_space<vmem_shared>>
      tpu.wait_dma2 semaphore(%run_scoped3A : memref<!tpu.dma_semaphore, #tpu.memory_space<semaphore_mem>>) src(%arg17 : memref<40x128xf32, #tpu.memory_space<vmem>>) dst(%dma_wait3A_107 : memref<40x128xf32, #tpu.memory_space<vmem_shared>>)
      tpu.yield
    }) : () -> ()
    %mul3A_32 = arith.constant 640 : i32
    %mul3A_33 = arith.muli %arg1, %mul3A_32 : i32
    %add3A_34 = arith.constant 200 : i32
    %add3A_35 = arith.addi %mul3A_33, %add3A_34 : i32
    %multiple_of3A_36 = tpu.assume_multiple %add3A_35, 8 : i32
    "tpu.region"() ({
      %run_scoped3A = tpu.sem_alloc : memref<!tpu.dma_semaphore, #tpu.memory_space<semaphore_mem>>
      %dma_start3A = arith.constant 0 : i32
      %dma_start3A_102 = tpu.memref_slice %arg18[%multiple_of3A_36, %dma_start3A] : memref<10240x128xf32, #tpu.memory_space<vmem_shared>> -> memref<40x128xf32, #tpu.memory_space<vmem_shared>>
      %dma_start3A_103 = arith.constant 0 : i32
      %dma_start3A_104 = tpu.memref_slice %arg18[%multiple_of3A_36, %dma_start3A_103] : memref<10240x128xf32, #tpu.memory_space<vmem_shared>> -> memref<40x128xf32, #tpu.memory_space<vmem_shared>>
      tpu.enqueue_dma source(%arg17 : memref<40x128xf32, #tpu.memory_space<vmem>>) target(%dma_start3A_104 : memref<40x128xf32, #tpu.memory_space<vmem_shared>>) target_semaphore(%run_scoped3A : memref<!tpu.dma_semaphore, #tpu.memory_space<semaphore_mem>>)
      %dma_wait3A = arith.constant 0 : i32
      %dma_wait3A_105 = tpu.memref_slice %arg18[%multiple_of3A_36, %dma_wait3A] : memref<10240x128xf32, #tpu.memory_space<vmem_shared>> -> memref<40x128xf32, #tpu.memory_space<vmem_shared>>
      %dma_wait3A_106 = arith.constant 0 : i32
      %dma_wait3A_107 = tpu.memref_slice %arg18[%multiple_of3A_36, %dma_wait3A_106] : memref<10240x128xf32, #tpu.memory_space<vmem_shared>> -> memref<40x128xf32, #tpu.memory_space<vmem_shared>>
      tpu.wait_dma2 semaphore(%run_scoped3A : memref<!tpu.dma_semaphore, #tpu.memory_space<semaphore_mem>>) src(%arg17 : memref<40x128xf32, #tpu.memory_space<vmem>>) dst(%dma_wait3A_107 : memref<40x128xf32, #tpu.memory_space<vmem_shared>>)
      tpu.yield
    }) : () -> ()
    %mul3A_37 = arith.constant 640 : i32
    %mul3A_38 = arith.muli %arg1, %mul3A_37 : i32
    %add3A_39 = arith.constant 240 : i32
    %add3A_40 = arith.addi %mul3A_38, %add3A_39 : i32
    %multiple_of3A_41 = tpu.assume_multiple %add3A_40, 8 : i32
    "tpu.region"() ({
      %run_scoped3A = tpu.sem_alloc : memref<!tpu.dma_semaphore, #tpu.memory_space<semaphore_mem>>
      %dma_start3A = arith.constant 0 : i32
      %dma_start3A_102 = tpu.memref_slice %arg18[%multiple_of3A_41, %dma_start3A] : memref<10240x128xf32, #tpu.memory_space<vmem_shared>> -> memref<40x128xf32, #tpu.memory_space<vmem_shared>>
      %dma_start3A_103 = arith.constant 0 : i32
      %dma_start3A_104 = tpu.memref_slice %arg18[%multiple_of3A_41, %dma_start3A_103] : memref<10240x128xf32, #tpu.memory_space<vmem_shared>> -> memref<40x128xf32, #tpu.memory_space<vmem_shared>>
      tpu.enqueue_dma source(%arg17 : memref<40x128xf32, #tpu.memory_space<vmem>>) target(%dma_start3A_104 : memref<40x128xf32, #tpu.memory_space<vmem_shared>>) target_semaphore(%run_scoped3A : memref<!tpu.dma_semaphore, #tpu.memory_space<semaphore_mem>>)
      %dma_wait3A = arith.constant 0 : i32
      %dma_wait3A_105 = tpu.memref_slice %arg18[%multiple_of3A_41, %dma_wait3A] : memref<10240x128xf32, #tpu.memory_space<vmem_shared>> -> memref<40x128xf32, #tpu.memory_space<vmem_shared>>
      %dma_wait3A_106 = arith.constant 0 : i32
      %dma_wait3A_107 = tpu.memref_slice %arg18[%multiple_of3A_41, %dma_wait3A_106] : memref<10240x128xf32, #tpu.memory_space<vmem_shared>> -> memref<40x128xf32, #tpu.memory_space<vmem_shared>>
      tpu.wait_dma2 semaphore(%run_scoped3A : memref<!tpu.dma_semaphore, #tpu.memory_space<semaphore_mem>>) src(%arg17 : memref<40x128xf32, #tpu.memory_space<vmem>>) dst(%dma_wait3A_107 : memref<40x128xf32, #tpu.memory_space<vmem_shared>>)
      tpu.yield
    }) : () -> ()
    %mul3A_42 = arith.constant 640 : i32
    %mul3A_43 = arith.muli %arg1, %mul3A_42 : i32
    %add3A_44 = arith.constant 280 : i32
    %add3A_45 = arith.addi %mul3A_43, %add3A_44 : i32
    %multiple_of3A_46 = tpu.assume_multiple %add3A_45, 8 : i32
    "tpu.region"() ({
      %run_scoped3A = tpu.sem_alloc : memref<!tpu.dma_semaphore, #tpu.memory_space<semaphore_mem>>
      %dma_start3A = arith.constant 0 : i32
      %dma_start3A_102 = tpu.memref_slice %arg18[%multiple_of3A_46, %dma_start3A] : memref<10240x128xf32, #tpu.memory_space<vmem_shared>> -> memref<40x128xf32, #tpu.memory_space<vmem_shared>>
      %dma_start3A_103 = arith.constant 0 : i32
      %dma_start3A_104 = tpu.memref_slice %arg18[%multiple_of3A_46, %dma_start3A_103] : memref<10240x128xf32, #tpu.memory_space<vmem_shared>> -> memref<40x128xf32, #tpu.memory_space<vmem_shared>>
      tpu.enqueue_dma source(%arg17 : memref<40x128xf32, #tpu.memory_space<vmem>>) target(%dma_start3A_104 : memref<40x128xf32, #tpu.memory_space<vmem_shared>>) target_semaphore(%run_scoped3A : memref<!tpu.dma_semaphore, #tpu.memory_space<semaphore_mem>>)
      %dma_wait3A = arith.constant 0 : i32
      %dma_wait3A_105 = tpu.memref_slice %arg18[%multiple_of3A_46, %dma_wait3A] : memref<10240x128xf32, #tpu.memory_space<vmem_shared>> -> memref<40x128xf32, #tpu.memory_space<vmem_shared>>
      %dma_wait3A_106 = arith.constant 0 : i32
      %dma_wait3A_107 = tpu.memref_slice %arg18[%multiple_of3A_46, %dma_wait3A_106] : memref<10240x128xf32, #tpu.memory_space<vmem_shared>> -> memref<40x128xf32, #tpu.memory_space<vmem_shared>>
      tpu.wait_dma2 semaphore(%run_scoped3A : memref<!tpu.dma_semaphore, #tpu.memory_space<semaphore_mem>>) src(%arg17 : memref<40x128xf32, #tpu.memory_space<vmem>>) dst(%dma_wait3A_107 : memref<40x128xf32, #tpu.memory_space<vmem_shared>>)
      tpu.yield
    }) : () -> ()
    %mul3A_47 = arith.constant 640 : i32
    %mul3A_48 = arith.muli %arg1, %mul3A_47 : i32
    %add3A_49 = arith.constant 320 : i32
    %add3A_50 = arith.addi %mul3A_48, %add3A_49 : i32
    %multiple_of3A_51 = tpu.assume_multiple %add3A_50, 8 : i32
    "tpu.region"() ({
      %run_scoped3A = tpu.sem_alloc : memref<!tpu.dma_semaphore, #tpu.memory_space<semaphore_mem>>
      %dma_start3A = arith.constant 0 : i32
      %dma_start3A_102 = tpu.memref_slice %arg18[%multiple_of3A_51, %dma_start3A] : memref<10240x128xf32, #tpu.memory_space<vmem_shared>> -> memref<40x128xf32, #tpu.memory_space<vmem_shared>>
      %dma_start3A_103 = arith.constant 0 : i32
      %dma_start3A_104 = tpu.memref_slice %arg18[%multiple_of3A_51, %dma_start3A_103] : memref<10240x128xf32, #tpu.memory_space<vmem_shared>> -> memref<40x128xf32, #tpu.memory_space<vmem_shared>>
      tpu.enqueue_dma source(%arg17 : memref<40x128xf32, #tpu.memory_space<vmem>>) target(%dma_start3A_104 : memref<40x128xf32, #tpu.memory_space<vmem_shared>>) target_semaphore(%run_scoped3A : memref<!tpu.dma_semaphore, #tpu.memory_space<semaphore_mem>>)
      %dma_wait3A = arith.constant 0 : i32
      %dma_wait3A_105 = tpu.memref_slice %arg18[%multiple_of3A_51, %dma_wait3A] : memref<10240x128xf32, #tpu.memory_space<vmem_shared>> -> memref<40x128xf32, #tpu.memory_space<vmem_shared>>
      %dma_wait3A_106 = arith.constant 0 : i32
      %dma_wait3A_107 = tpu.memref_slice %arg18[%multiple_of3A_51, %dma_wait3A_106] : memref<10240x128xf32, #tpu.memory_space<vmem_shared>> -> memref<40x128xf32, #tpu.memory_space<vmem_shared>>
      tpu.wait_dma2 semaphore(%run_scoped3A : memref<!tpu.dma_semaphore, #tpu.memory_space<semaphore_mem>>) src(%arg17 : memref<40x128xf32, #tpu.memory_space<vmem>>) dst(%dma_wait3A_107 : memref<40x128xf32, #tpu.memory_space<vmem_shared>>)
      tpu.yield
    }) : () -> ()
    %mul3A_52 = arith.constant 640 : i32
    %mul3A_53 = arith.muli %arg1, %mul3A_52 : i32
    %add3A_54 = arith.constant 360 : i32
    %add3A_55 = arith.addi %mul3A_53, %add3A_54 : i32
    %multiple_of3A_56 = tpu.assume_multiple %add3A_55, 8 : i32
    "tpu.region"() ({
      %run_scoped3A = tpu.sem_alloc : memref<!tpu.dma_semaphore, #tpu.memory_space<semaphore_mem>>
      %dma_start3A = arith.constant 0 : i32
      %dma_start3A_102 = tpu.memref_slice %arg18[%multiple_of3A_56, %dma_start3A] : memref<10240x128xf32, #tpu.memory_space<vmem_shared>> -> memref<40x128xf32, #tpu.memory_space<vmem_shared>>
      %dma_start3A_103 = arith.constant 0 : i32
      %dma_start3A_104 = tpu.memref_slice %arg18[%multiple_of3A_56, %dma_start3A_103] : memref<10240x128xf32, #tpu.memory_space<vmem_shared>> -> memref<40x128xf32, #tpu.memory_space<vmem_shared>>
      tpu.enqueue_dma source(%arg17 : memref<40x128xf32, #tpu.memory_space<vmem>>) target(%dma_start3A_104 : memref<40x128xf32, #tpu.memory_space<vmem_shared>>) target_semaphore(%run_scoped3A : memref<!tpu.dma_semaphore, #tpu.memory_space<semaphore_mem>>)
      %dma_wait3A = arith.constant 0 : i32
      %dma_wait3A_105 = tpu.memref_slice %arg18[%multiple_of3A_56, %dma_wait3A] : memref<10240x128xf32, #tpu.memory_space<vmem_shared>> -> memref<40x128xf32, #tpu.memory_space<vmem_shared>>
      %dma_wait3A_106 = arith.constant 0 : i32
      %dma_wait3A_107 = tpu.memref_slice %arg18[%multiple_of3A_56, %dma_wait3A_106] : memref<10240x128xf32, #tpu.memory_space<vmem_shared>> -> memref<40x128xf32, #tpu.memory_space<vmem_shared>>
      tpu.wait_dma2 semaphore(%run_scoped3A : memref<!tpu.dma_semaphore, #tpu.memory_space<semaphore_mem>>) src(%arg17 : memref<40x128xf32, #tpu.memory_space<vmem>>) dst(%dma_wait3A_107 : memref<40x128xf32, #tpu.memory_space<vmem_shared>>)
      tpu.yield
    }) : () -> ()
    %mul3A_57 = arith.constant 640 : i32
    %mul3A_58 = arith.muli %arg1, %mul3A_57 : i32
    %add3A_59 = arith.constant 400 : i32
    %add3A_60 = arith.addi %mul3A_58, %add3A_59 : i32
    %multiple_of3A_61 = tpu.assume_multiple %add3A_60, 8 : i32
    "tpu.region"() ({
      %run_scoped3A = tpu.sem_alloc : memref<!tpu.dma_semaphore, #tpu.memory_space<semaphore_mem>>
      %dma_start3A = arith.constant 0 : i32
      %dma_start3A_102 = tpu.memref_slice %arg18[%multiple_of3A_61, %dma_start3A] : memref<10240x128xf32, #tpu.memory_space<vmem_shared>> -> memref<40x128xf32, #tpu.memory_space<vmem_shared>>
      %dma_start3A_103 = arith.constant 0 : i32
      %dma_start3A_104 = tpu.memref_slice %arg18[%multiple_of3A_61, %dma_start3A_103] : memref<10240x128xf32, #tpu.memory_space<vmem_shared>> -> memref<40x128xf32, #tpu.memory_space<vmem_shared>>
      tpu.enqueue_dma source(%arg17 : memref<40x128xf32, #tpu.memory_space<vmem>>) target(%dma_start3A_104 : memref<40x128xf32, #tpu.memory_space<vmem_shared>>) target_semaphore(%run_scoped3A : memref<!tpu.dma_semaphore, #tpu.memory_space<semaphore_mem>>)
      %dma_wait3A = arith.constant 0 : i32
      %dma_wait3A_105 = tpu.memref_slice %arg18[%multiple_of3A_61, %dma_wait3A] : memref<10240x128xf32, #tpu.memory_space<vmem_shared>> -> memref<40x128xf32, #tpu.memory_space<vmem_shared>>
      %dma_wait3A_106 = arith.constant 0 : i32
      %dma_wait3A_107 = tpu.memref_slice %arg18[%multiple_of3A_61, %dma_wait3A_106] : memref<10240x128xf32, #tpu.memory_space<vmem_shared>> -> memref<40x128xf32, #tpu.memory_space<vmem_shared>>
      tpu.wait_dma2 semaphore(%run_scoped3A : memref<!tpu.dma_semaphore, #tpu.memory_space<semaphore_mem>>) src(%arg17 : memref<40x128xf32, #tpu.memory_space<vmem>>) dst(%dma_wait3A_107 : memref<40x128xf32, #tpu.memory_space<vmem_shared>>)
      tpu.yield
    }) : () -> ()
    %mul3A_62 = arith.constant 640 : i32
    %mul3A_63 = arith.muli %arg1, %mul3A_62 : i32
    %add3A_64 = arith.constant 440 : i32
    %add3A_65 = arith.addi %mul3A_63, %add3A_64 : i32
    %multiple_of3A_66 = tpu.assume_multiple %add3A_65, 8 : i32
    "tpu.region"() ({
      %run_scoped3A = tpu.sem_alloc : memref<!tpu.dma_semaphore, #tpu.memory_space<semaphore_mem>>
      %dma_start3A = arith.constant 0 : i32
      %dma_start3A_102 = tpu.memref_slice %arg18[%multiple_of3A_66, %dma_start3A] : memref<10240x128xf32, #tpu.memory_space<vmem_shared>> -> memref<40x128xf32, #tpu.memory_space<vmem_shared>>
      %dma_start3A_103 = arith.constant 0 : i32
      %dma_start3A_104 = tpu.memref_slice %arg18[%multiple_of3A_66, %dma_start3A_103] : memref<10240x128xf32, #tpu.memory_space<vmem_shared>> -> memref<40x128xf32, #tpu.memory_space<vmem_shared>>
      tpu.enqueue_dma source(%arg17 : memref<40x128xf32, #tpu.memory_space<vmem>>) target(%dma_start3A_104 : memref<40x128xf32, #tpu.memory_space<vmem_shared>>) target_semaphore(%run_scoped3A : memref<!tpu.dma_semaphore, #tpu.memory_space<semaphore_mem>>)
      %dma_wait3A = arith.constant 0 : i32
      %dma_wait3A_105 = tpu.memref_slice %arg18[%multiple_of3A_66, %dma_wait3A] : memref<10240x128xf32, #tpu.memory_space<vmem_shared>> -> memref<40x128xf32, #tpu.memory_space<vmem_shared>>
      %dma_wait3A_106 = arith.constant 0 : i32
      %dma_wait3A_107 = tpu.memref_slice %arg18[%multiple_of3A_66, %dma_wait3A_106] : memref<10240x128xf32, #tpu.memory_space<vmem_shared>> -> memref<40x128xf32, #tpu.memory_space<vmem_shared>>
      tpu.wait_dma2 semaphore(%run_scoped3A : memref<!tpu.dma_semaphore, #tpu.memory_space<semaphore_mem>>) src(%arg17 : memref<40x128xf32, #tpu.memory_space<vmem>>) dst(%dma_wait3A_107 : memref<40x128xf32, #tpu.memory_space<vmem_shared>>)
      tpu.yield
    }) : () -> ()
    %mul3A_67 = arith.constant 640 : i32
    %mul3A_68 = arith.muli %arg1, %mul3A_67 : i32
    %add3A_69 = arith.constant 480 : i32
    %add3A_70 = arith.addi %mul3A_68, %add3A_69 : i32
    %multiple_of3A_71 = tpu.assume_multiple %add3A_70, 8 : i32
    "tpu.region"() ({
      %run_scoped3A = tpu.sem_alloc : memref<!tpu.dma_semaphore, #tpu.memory_space<semaphore_mem>>
      %dma_start3A = arith.constant 0 : i32
      %dma_start3A_102 = tpu.memref_slice %arg18[%multiple_of3A_71, %dma_start3A] : memref<10240x128xf32, #tpu.memory_space<vmem_shared>> -> memref<40x128xf32, #tpu.memory_space<vmem_shared>>
      %dma_start3A_103 = arith.constant 0 : i32
      %dma_start3A_104 = tpu.memref_slice %arg18[%multiple_of3A_71, %dma_start3A_103] : memref<10240x128xf32, #tpu.memory_space<vmem_shared>> -> memref<40x128xf32, #tpu.memory_space<vmem_shared>>
      tpu.enqueue_dma source(%arg17 : memref<40x128xf32, #tpu.memory_space<vmem>>) target(%dma_start3A_104 : memref<40x128xf32, #tpu.memory_space<vmem_shared>>) target_semaphore(%run_scoped3A : memref<!tpu.dma_semaphore, #tpu.memory_space<semaphore_mem>>)
      %dma_wait3A = arith.constant 0 : i32
      %dma_wait3A_105 = tpu.memref_slice %arg18[%multiple_of3A_71, %dma_wait3A] : memref<10240x128xf32, #tpu.memory_space<vmem_shared>> -> memref<40x128xf32, #tpu.memory_space<vmem_shared>>
      %dma_wait3A_106 = arith.constant 0 : i32
      %dma_wait3A_107 = tpu.memref_slice %arg18[%multiple_of3A_71, %dma_wait3A_106] : memref<10240x128xf32, #tpu.memory_space<vmem_shared>> -> memref<40x128xf32, #tpu.memory_space<vmem_shared>>
      tpu.wait_dma2 semaphore(%run_scoped3A : memref<!tpu.dma_semaphore, #tpu.memory_space<semaphore_mem>>) src(%arg17 : memref<40x128xf32, #tpu.memory_space<vmem>>) dst(%dma_wait3A_107 : memref<40x128xf32, #tpu.memory_space<vmem_shared>>)
      tpu.yield
    }) : () -> ()
    %mul3A_72 = arith.constant 640 : i32
    %mul3A_73 = arith.muli %arg1, %mul3A_72 : i32
    %add3A_74 = arith.constant 520 : i32
    %add3A_75 = arith.addi %mul3A_73, %add3A_74 : i32
    %multiple_of3A_76 = tpu.assume_multiple %add3A_75, 8 : i32
    "tpu.region"() ({
      %run_scoped3A = tpu.sem_alloc : memref<!tpu.dma_semaphore, #tpu.memory_space<semaphore_mem>>
      %dma_start3A = arith.constant 0 : i32
      %dma_start3A_102 = tpu.memref_slice %arg18[%multiple_of3A_76, %dma_start3A] : memref<10240x128xf32, #tpu.memory_space<vmem_shared>> -> memref<40x128xf32, #tpu.memory_space<vmem_shared>>
      %dma_start3A_103 = arith.constant 0 : i32
      %dma_start3A_104 = tpu.memref_slice %arg18[%multiple_of3A_76, %dma_start3A_103] : memref<10240x128xf32, #tpu.memory_space<vmem_shared>> -> memref<40x128xf32, #tpu.memory_space<vmem_shared>>
      tpu.enqueue_dma source(%arg17 : memref<40x128xf32, #tpu.memory_space<vmem>>) target(%dma_start3A_104 : memref<40x128xf32, #tpu.memory_space<vmem_shared>>) target_semaphore(%run_scoped3A : memref<!tpu.dma_semaphore, #tpu.memory_space<semaphore_mem>>)
      %dma_wait3A = arith.constant 0 : i32
      %dma_wait3A_105 = tpu.memref_slice %arg18[%multiple_of3A_76, %dma_wait3A] : memref<10240x128xf32, #tpu.memory_space<vmem_shared>> -> memref<40x128xf32, #tpu.memory_space<vmem_shared>>
      %dma_wait3A_106 = arith.constant 0 : i32
      %dma_wait3A_107 = tpu.memref_slice %arg18[%multiple_of3A_76, %dma_wait3A_106] : memref<10240x128xf32, #tpu.memory_space<vmem_shared>> -> memref<40x128xf32, #tpu.memory_space<vmem_shared>>
      tpu.wait_dma2 semaphore(%run_scoped3A : memref<!tpu.dma_semaphore, #tpu.memory_space<semaphore_mem>>) src(%arg17 : memref<40x128xf32, #tpu.memory_space<vmem>>) dst(%dma_wait3A_107 : memref<40x128xf32, #tpu.memory_space<vmem_shared>>)
      tpu.yield
    }) : () -> ()
    %mul3A_77 = arith.constant 640 : i32
    %mul3A_78 = arith.muli %arg1, %mul3A_77 : i32
    %add3A_79 = arith.constant 560 : i32
    %add3A_80 = arith.addi %mul3A_78, %add3A_79 : i32
    %multiple_of3A_81 = tpu.assume_multiple %add3A_80, 8 : i32
    "tpu.region"() ({
      %run_scoped3A = tpu.sem_alloc : memref<!tpu.dma_semaphore, #tpu.memory_space<semaphore_mem>>
      %dma_start3A = arith.constant 0 : i32
      %dma_start3A_102 = tpu.memref_slice %arg18[%multiple_of3A_81, %dma_start3A] : memref<10240x128xf32, #tpu.memory_space<vmem_shared>> -> memref<40x128xf32, #tpu.memory_space<vmem_shared>>
      %dma_start3A_103 = arith.constant 0 : i32
      %dma_start3A_104 = tpu.memref_slice %arg18[%multiple_of3A_81, %dma_start3A_103] : memref<10240x128xf32, #tpu.memory_space<vmem_shared>> -> memref<40x128xf32, #tpu.memory_space<vmem_shared>>
      tpu.enqueue_dma source(%arg17 : memref<40x128xf32, #tpu.memory_space<vmem>>) target(%dma_start3A_104 : memref<40x128xf32, #tpu.memory_space<vmem_shared>>) target_semaphore(%run_scoped3A : memref<!tpu.dma_semaphore, #tpu.memory_space<semaphore_mem>>)
      %dma_wait3A = arith.constant 0 : i32
      %dma_wait3A_105 = tpu.memref_slice %arg18[%multiple_of3A_81, %dma_wait3A] : memref<10240x128xf32, #tpu.memory_space<vmem_shared>> -> memref<40x128xf32, #tpu.memory_space<vmem_shared>>
      %dma_wait3A_106 = arith.constant 0 : i32
      %dma_wait3A_107 = tpu.memref_slice %arg18[%multiple_of3A_81, %dma_wait3A_106] : memref<10240x128xf32, #tpu.memory_space<vmem_shared>> -> memref<40x128xf32, #tpu.memory_space<vmem_shared>>
      tpu.wait_dma2 semaphore(%run_scoped3A : memref<!tpu.dma_semaphore, #tpu.memory_space<semaphore_mem>>) src(%arg17 : memref<40x128xf32, #tpu.memory_space<vmem>>) dst(%dma_wait3A_107 : memref<40x128xf32, #tpu.memory_space<vmem_shared>>)
      tpu.yield
    }) : () -> ()
    %mul3A_82 = arith.constant 640 : i32
    %mul3A_83 = arith.muli %arg1, %mul3A_82 : i32
    %add3A_84 = arith.constant 600 : i32
    %add3A_85 = arith.addi %mul3A_83, %add3A_84 : i32
    %multiple_of3A_86 = tpu.assume_multiple %add3A_85, 8 : i32
    "tpu.region"() ({
      %run_scoped3A = tpu.sem_alloc : memref<!tpu.dma_semaphore, #tpu.memory_space<semaphore_mem>>
      %dma_start3A = arith.constant 0 : i32
      %dma_start3A_102 = tpu.memref_slice %arg18[%multiple_of3A_86, %dma_start3A] : memref<10240x128xf32, #tpu.memory_space<vmem_shared>> -> memref<40x128xf32, #tpu.memory_space<vmem_shared>>
      %dma_start3A_103 = arith.constant 0 : i32
      %dma_start3A_104 = tpu.memref_slice %arg18[%multiple_of3A_86, %dma_start3A_103] : memref<10240x128xf32, #tpu.memory_space<vmem_shared>> -> memref<40x128xf32, #tpu.memory_space<vmem_shared>>
      tpu.enqueue_dma source(%arg17 : memref<40x128xf32, #tpu.memory_space<vmem>>) target(%dma_start3A_104 : memref<40x128xf32, #tpu.memory_space<vmem_shared>>) target_semaphore(%run_scoped3A : memref<!tpu.dma_semaphore, #tpu.memory_space<semaphore_mem>>)
      %dma_wait3A = arith.constant 0 : i32
      %dma_wait3A_105 = tpu.memref_slice %arg18[%multiple_of3A_86, %dma_wait3A] : memref<10240x128xf32, #tpu.memory_space<vmem_shared>> -> memref<40x128xf32, #tpu.memory_space<vmem_shared>>
      %dma_wait3A_106 = arith.constant 0 : i32
      %dma_wait3A_107 = tpu.memref_slice %arg18[%multiple_of3A_86, %dma_wait3A_106] : memref<10240x128xf32, #tpu.memory_space<vmem_shared>> -> memref<40x128xf32, #tpu.memory_space<vmem_shared>>
      tpu.wait_dma2 semaphore(%run_scoped3A : memref<!tpu.dma_semaphore, #tpu.memory_space<semaphore_mem>>) src(%arg17 : memref<40x128xf32, #tpu.memory_space<vmem>>) dst(%dma_wait3A_107 : memref<40x128xf32, #tpu.memory_space<vmem_shared>>)
      tpu.yield
    }) : () -> ()
    %barrier3A = arith.constant 0 : index
    tpu.barrier barrier_id(%barrier3A)
    %scan3A_87 = arith.constant 0 : i32
    %scan3A_88 = arith.constant 0 : i32
    %scan3A_89 = arith.constant 125 : i32
    %scan3A_90 = arith.addi %scan3A_88, %scan3A_89 : i32
    %scan3A_91 = arith.constant 1 : i32
    %scan3A_92 = scf.for %scan3A_102 = %scan3A_88 to %scan3A_90 step %scan3A_91 iter_args(%scan3A_103 = %scan3A_87) -> (i32)  : i32 {
      %mul3A_104 = arith.constant 10000 : i32
      %mul3A_105 = arith.muli %add3A, %mul3A_104 : i32
      %mul3A_106 = arith.constant 80 : i32
      %mul3A_107 = arith.muli %scan3A_102, %mul3A_106 : i32
      %add3A_108 = arith.addi %mul3A_105, %mul3A_107 : i32
      %multiple_of3A_109 = tpu.assume_multiple %add3A_108, 8 : i32
      "tpu.region"() ({
        %run_scoped3A = tpu.sem_alloc : memref<!tpu.dma_semaphore, #tpu.memory_space<semaphore_mem>>
        %dma_start3A_133 = tpu.memref_slice %arg2[%multiple_of3A_109] : memref<320000xi32, #tpu.memory_space<hbm>> -> memref<80xi32, #tpu.memory_space<hbm>>
        %dma_start3A_134 = tpu.memref_slice %arg2[%multiple_of3A_109] : memref<320000xi32, #tpu.memory_space<hbm>> -> memref<80xi32, #tpu.memory_space<hbm>>
        tpu.enqueue_dma source(%dma_start3A_134 : memref<80xi32, #tpu.memory_space<hbm>>) target(%arg11 : memref<80xi32, #tpu.memory_space<vmem>>) target_semaphore(%run_scoped3A : memref<!tpu.dma_semaphore, #tpu.memory_space<semaphore_mem>>)
        %dma_wait3A_135 = tpu.memref_slice %arg2[%multiple_of3A_109] : memref<320000xi32, #tpu.memory_space<hbm>> -> memref<80xi32, #tpu.memory_space<hbm>>
        %dma_wait3A_136 = tpu.memref_slice %arg2[%multiple_of3A_109] : memref<320000xi32, #tpu.memory_space<hbm>> -> memref<80xi32, #tpu.memory_space<hbm>>
        tpu.wait_dma2 semaphore(%run_scoped3A : memref<!tpu.dma_semaphore, #tpu.memory_space<semaphore_mem>>) src(%dma_wait3A_136 : memref<80xi32, #tpu.memory_space<hbm>>) dst(%arg11 : memref<80xi32, #tpu.memory_space<vmem>>)
        tpu.yield
      }) : () -> ()
      "tpu.region"() ({
        %run_scoped3A = tpu.sem_alloc : memref<!tpu.dma_semaphore, #tpu.memory_space<semaphore_mem>>
        %dma_start3A_133 = tpu.memref_slice %arg3[%multiple_of3A_109] : memref<320000xi32, #tpu.memory_space<hbm>> -> memref<80xi32, #tpu.memory_space<hbm>>
        %dma_start3A_134 = tpu.memref_slice %arg3[%multiple_of3A_109] : memref<320000xi32, #tpu.memory_space<hbm>> -> memref<80xi32, #tpu.memory_space<hbm>>
        tpu.enqueue_dma source(%dma_start3A_134 : memref<80xi32, #tpu.memory_space<hbm>>) target(%arg12 : memref<80xi32, #tpu.memory_space<vmem>>) target_semaphore(%run_scoped3A : memref<!tpu.dma_semaphore, #tpu.memory_space<semaphore_mem>>)
        %dma_wait3A_135 = tpu.memref_slice %arg3[%multiple_of3A_109] : memref<320000xi32, #tpu.memory_space<hbm>> -> memref<80xi32, #tpu.memory_space<hbm>>
        %dma_wait3A_136 = tpu.memref_slice %arg3[%multiple_of3A_109] : memref<320000xi32, #tpu.memory_space<hbm>> -> memref<80xi32, #tpu.memory_space<hbm>>
        tpu.wait_dma2 semaphore(%run_scoped3A : memref<!tpu.dma_semaphore, #tpu.memory_space<semaphore_mem>>) src(%dma_wait3A_136 : memref<80xi32, #tpu.memory_space<hbm>>) dst(%arg12 : memref<80xi32, #tpu.memory_space<vmem>>)
        tpu.yield
      }) : () -> ()
      %dma_start3A = arith.constant 0 : i32
      %dma_start3A_110 = arith.constant 0 : i32
      %dma_start3A_111 = tpu.memref_slice %arg4[%dma_start3A, %dma_start3A_110] : memref<10000x128xf32, #tpu.memory_space<hbm>> -> memref<10000x128xf32, #tpu.memory_space<hbm>>
      tpu.enqueue_indirect_dma source(%dma_start3A_111 : memref<10000x128xf32, #tpu.memory_space<hbm>>) target(%arg13 : memref<80x128xf32, #tpu.memory_space<vmem>>) offsets(%arg11 : memref<80xi32, #tpu.memory_space<vmem>>) semaphore(%arg19 : memref<!tpu.dma_semaphore, #tpu.memory_space<semaphore_mem>>)
      %dma_start3A_112 = arith.constant 0 : i32
      %dma_start3A_113 = arith.constant 0 : i32
      %dma_start3A_114 = tpu.memref_slice %arg6[%dma_start3A_112, %dma_start3A_113] : memref<10000x128xf32, #tpu.memory_space<hbm>> -> memref<10000x128xf32, #tpu.memory_space<hbm>>
      tpu.enqueue_indirect_dma source(%dma_start3A_114 : memref<10000x128xf32, #tpu.memory_space<hbm>>) target(%arg15 : memref<80x128xf32, #tpu.memory_space<vmem>>) offsets(%arg12 : memref<80xi32, #tpu.memory_space<vmem>>) semaphore(%arg20 : memref<!tpu.dma_semaphore, #tpu.memory_space<semaphore_mem>>)
      %dma_start3A_115 = arith.constant 0 : i32
      %dma_start3A_116 = arith.constant 0 : i32
      %dma_start3A_117 = tpu.memref_slice %arg5[%dma_start3A_115, %dma_start3A_116] : memref<10000x128xf32, #tpu.memory_space<hbm>> -> memref<10000x128xf32, #tpu.memory_space<hbm>>
      tpu.enqueue_indirect_dma source(%dma_start3A_117 : memref<10000x128xf32, #tpu.memory_space<hbm>>) target(%arg14 : memref<80x128xf32, #tpu.memory_space<vmem>>) offsets(%arg11 : memref<80xi32, #tpu.memory_space<vmem>>) semaphore(%arg21 : memref<!tpu.dma_semaphore, #tpu.memory_space<semaphore_mem>>)
      "tpu.region"() ({
        %run_scoped3A = tpu.sem_alloc : memref<!tpu.dma_semaphore, #tpu.memory_space<semaphore_mem>>
        %dma_start3A_133 = arith.constant 0 : i32
        %dma_start3A_134 = tpu.memref_slice %arg7[%multiple_of3A_109, %dma_start3A_133] : memref<320000x128xf32, #tpu.memory_space<hbm>> -> memref<80x128xf32, #tpu.memory_space<hbm>>
        %dma_start3A_135 = arith.constant 0 : i32
        %dma_start3A_136 = tpu.memref_slice %arg7[%multiple_of3A_109, %dma_start3A_135] : memref<320000x128xf32, #tpu.memory_space<hbm>> -> memref<80x128xf32, #tpu.memory_space<hbm>>
        tpu.enqueue_dma source(%dma_start3A_136 : memref<80x128xf32, #tpu.memory_space<hbm>>) target(%arg16 : memref<80x128xf32, #tpu.memory_space<vmem>>) target_semaphore(%run_scoped3A : memref<!tpu.dma_semaphore, #tpu.memory_space<semaphore_mem>>)
        %dma_wait3A_137 = arith.constant 0 : i32
        %dma_wait3A_138 = tpu.memref_slice %arg7[%multiple_of3A_109, %dma_wait3A_137] : memref<320000x128xf32, #tpu.memory_space<hbm>> -> memref<80x128xf32, #tpu.memory_space<hbm>>
        %dma_wait3A_139 = arith.constant 0 : i32
        %dma_wait3A_140 = tpu.memref_slice %arg7[%multiple_of3A_109, %dma_wait3A_139] : memref<320000x128xf32, #tpu.memory_space<hbm>> -> memref<80x128xf32, #tpu.memory_space<hbm>>
        tpu.wait_dma2 semaphore(%run_scoped3A : memref<!tpu.dma_semaphore, #tpu.memory_space<semaphore_mem>>) src(%dma_wait3A_140 : memref<80x128xf32, #tpu.memory_space<hbm>>) dst(%arg16 : memref<80x128xf32, #tpu.memory_space<vmem>>)
        tpu.yield
      }) : () -> ()
      %dma_wait3A = arith.constant 0 : i32
      %dma_wait3A_118 = arith.constant 0 : i32
      %dma_wait3A_119 = tpu.memref_slice %arg4[%dma_wait3A, %dma_wait3A_118] : memref<10000x128xf32, #tpu.memory_space<hbm>> -> memref<10000x128xf32, #tpu.memory_space<hbm>>
      tpu.wait_indirect_dma semaphore(%arg19 : memref<!tpu.dma_semaphore, #tpu.memory_space<semaphore_mem>>) src(%dma_wait3A_119 : memref<10000x128xf32, #tpu.memory_space<hbm>>) dst(%arg13 : memref<80x128xf32, #tpu.memory_space<vmem>>)
      %dma_wait3A_120 = arith.constant 0 : i32
      %dma_wait3A_121 = arith.constant 0 : i32
      %dma_wait3A_122 = tpu.memref_slice %arg6[%dma_wait3A_120, %dma_wait3A_121] : memref<10000x128xf32, #tpu.memory_space<hbm>> -> memref<10000x128xf32, #tpu.memory_space<hbm>>
      tpu.wait_indirect_dma semaphore(%arg20 : memref<!tpu.dma_semaphore, #tpu.memory_space<semaphore_mem>>) src(%dma_wait3A_122 : memref<10000x128xf32, #tpu.memory_space<hbm>>) dst(%arg15 : memref<80x128xf32, #tpu.memory_space<vmem>>)
      %dma_wait3A_123 = arith.constant 0 : i32
      %dma_wait3A_124 = arith.constant 0 : i32
      %dma_wait3A_125 = tpu.memref_slice %arg5[%dma_wait3A_123, %dma_wait3A_124] : memref<10000x128xf32, #tpu.memory_space<hbm>> -> memref<10000x128xf32, #tpu.memory_space<hbm>>
      tpu.wait_indirect_dma semaphore(%arg21 : memref<!tpu.dma_semaphore, #tpu.memory_space<semaphore_mem>>) src(%dma_wait3A_125 : memref<10000x128xf32, #tpu.memory_space<hbm>>) dst(%arg14 : memref<80x128xf32, #tpu.memory_space<vmem>>)
      %scan3A_126 = arith.constant 0 : i32
      %scan3A_127 = arith.constant 0 : i32
      %scan3A_128 = arith.constant 80 : i32
      %scan3A_129 = arith.addi %scan3A_127, %scan3A_128 : i32
      %scan3A_130 = arith.constant 1 : i32
      scf.for %scan3A_133 = %scan3A_127 to %scan3A_129 step %scan3A_130  : i32 {
        %get3A = arith.index_cast %scan3A_133 : i32 to index
        %get3A_134 = arith.constant 0 : index
        %get3A_135 = tpu.vector_load %arg16[%get3A, %get3A_134] {strides = array<i32>} : memref<80x128xf32, #tpu.memory_space<vmem>>, vector<1x16xf32>,
        %get3A_136 = vector.shape_cast %get3A_135 : vector<1x16xf32> to vector<16xf32>
        %get3A_137 = arith.index_cast %scan3A_133 : i32 to index
        %get3A_138 = arith.constant 0 : index
        %get3A_139 = tpu.vector_load %arg13[%get3A_137, %get3A_138] {strides = array<i32>} : memref<80x128xf32, #tpu.memory_space<vmem>>, vector<1x16xf32>,
        %get3A_140 = vector.shape_cast %get3A_139 : vector<1x16xf32> to vector<16xf32>
        %add3A_141 = arith.addf %get3A_136, %get3A_140 : vector<16xf32>
        %get3A_142 = arith.index_cast %scan3A_133 : i32 to index
        %get3A_143 = arith.constant 0 : index
        %get3A_144 = tpu.vector_load %arg15[%get3A_142, %get3A_143] {strides = array<i32>} : memref<80x128xf32, #tpu.memory_space<vmem>>, vector<1x16xf32>,
        %get3A_145 = vector.shape_cast %get3A_144 : vector<1x16xf32> to vector<16xf32>
        %add3A_146 = arith.addf %add3A_141, %get3A_145 : vector<16xf32>
        %swap3A = arith.index_cast %scan3A_133 : i32 to index
        %swap3A_147 = arith.constant 0 : index
        %swap3A_148 = tpu.vector_load %arg16[%swap3A, %swap3A_147] {strides = array<i32>} : memref<80x128xf32, #tpu.memory_space<vmem>>, vector<1x16xf32>,
        %swap3A_149 = vector.shape_cast %swap3A_148 : vector<1x16xf32> to vector<16xf32>
        %swap3A_150 = vector.shape_cast %add3A_146 : vector<16xf32> to vector<1x16xf32>
        tpu.vector_store %arg16[%swap3A, %swap3A_147], %swap3A_150 {strides = array<i32>} : memref<80x128xf32, #tpu.memory_space<vmem>>, vector<1x16xf32>,
        %neg3A = arith.constant 0.000000e+00 : f32
        %neg3A_151 = vector.broadcast %neg3A : f32 to vector<16xf32>
        %neg3A_152 = arith.subf %neg3A_151, %add3A_146 : vector<16xf32>
        %exp3A = math.exp %neg3A_152 : vector<16xf32>
        %add3A_153 = arith.constant 1.000000e+00 : f32
        %add3A_154 = vector.broadcast %add3A_153 : f32 to vector<16xf32>
        %add3A_155 = arith.addf %add3A_154, %exp3A : vector<16xf32>
        %div3A = arith.constant 1.000000e+00 : f32
        %div3A_156 = vector.broadcast %div3A : f32 to vector<16xf32>
        %div3A_157 = arith.divf %div3A_156, %add3A_155 : vector<16xf32>
        %get3A_158 = arith.index_cast %scan3A_133 : i32 to index
        %get3A_159 = arith.constant 0 : index
        %get3A_160 = tpu.vector_load %arg14[%get3A_158, %get3A_159] {strides = array<i32>} : memref<80x128xf32, #tpu.memory_space<vmem>>, vector<1x16xf32>,
        %get3A_161 = vector.shape_cast %get3A_160 : vector<1x16xf32> to vector<16xf32>
        %mul3A_162 = arith.mulf %div3A_157, %get3A_161 : vector<16xf32>
        %swap3A_163 = arith.index_cast %scan3A_133 : i32 to index
        %swap3A_164 = arith.constant 0 : index
        %swap3A_165 = tpu.vector_load %arg15[%swap3A_163, %swap3A_164] {strides = array<i32>} : memref<80x128xf32, #tpu.memory_space<vmem>>, vector<1x16xf32>,
        %swap3A_166 = vector.shape_cast %swap3A_165 : vector<1x16xf32> to vector<16xf32>
        %swap3A_167 = vector.shape_cast %mul3A_162 : vector<16xf32> to vector<1x16xf32>
        tpu.vector_store %arg15[%swap3A_163, %swap3A_164], %swap3A_167 {strides = array<i32>} : memref<80x128xf32, #tpu.memory_space<vmem>>, vector<1x16xf32>,
        %swap3A_168 = arith.index_cast %scan3A_133 : i32 to index
        %swap3A_169 = arith.constant 0 : index
        %swap3A_170 = tpu.vector_load %arg14[%swap3A_168, %swap3A_169] {strides = array<i32>} : memref<80x128xf32, #tpu.memory_space<vmem>>, vector<1x16xf32>,
        %swap3A_171 = vector.shape_cast %swap3A_170 : vector<1x16xf32> to vector<16xf32>
        %swap3A_172 = vector.shape_cast %div3A_157 : vector<16xf32> to vector<1x16xf32>
        tpu.vector_store %arg14[%swap3A_168, %swap3A_169], %swap3A_172 {strides = array<i32>} : memref<80x128xf32, #tpu.memory_space<vmem>>, vector<1x16xf32>,
        %get3A_173 = arith.index_cast %scan3A_133 : i32 to index
        %get3A_174 = arith.constant 16 : index
        %get3A_175 = tpu.vector_load %arg16[%get3A_173, %get3A_174] {strides = array<i32>} : memref<80x128xf32, #tpu.memory_space<vmem>>, vector<1x16xf32>,
        %get3A_176 = vector.shape_cast %get3A_175 : vector<1x16xf32> to vector<16xf32>
        %get3A_177 = arith.index_cast %scan3A_133 : i32 to index
        %get3A_178 = arith.constant 16 : index
        %get3A_179 = tpu.vector_load %arg13[%get3A_177, %get3A_178] {strides = array<i32>} : memref<80x128xf32, #tpu.memory_space<vmem>>, vector<1x16xf32>,
        %get3A_180 = vector.shape_cast %get3A_179 : vector<1x16xf32> to vector<16xf32>
        %add3A_181 = arith.addf %get3A_176, %get3A_180 : vector<16xf32>
        %get3A_182 = arith.index_cast %scan3A_133 : i32 to index
        %get3A_183 = arith.constant 16 : index
        %get3A_184 = tpu.vector_load %arg15[%get3A_182, %get3A_183] {strides = array<i32>} : memref<80x128xf32, #tpu.memory_space<vmem>>, vector<1x16xf32>,
        %get3A_185 = vector.shape_cast %get3A_184 : vector<1x16xf32> to vector<16xf32>
        %add3A_186 = arith.addf %add3A_181, %get3A_185 : vector<16xf32>
        %swap3A_187 = arith.index_cast %scan3A_133 : i32 to index
        %swap3A_188 = arith.constant 16 : index
        %swap3A_189 = tpu.vector_load %arg16[%swap3A_187, %swap3A_188] {strides = array<i32>} : memref<80x128xf32, #tpu.memory_space<vmem>>, vector<1x16xf32>,
        %swap3A_190 = vector.shape_cast %swap3A_189 : vector<1x16xf32> to vector<16xf32>
        %swap3A_191 = vector.shape_cast %add3A_186 : vector<16xf32> to vector<1x16xf32>
        tpu.vector_store %arg16[%swap3A_187, %swap3A_188], %swap3A_191 {strides = array<i32>} : memref<80x128xf32, #tpu.memory_space<vmem>>, vector<1x16xf32>,
        %neg3A_192 = arith.constant 0.000000e+00 : f32
        %neg3A_193 = vector.broadcast %neg3A_192 : f32 to vector<16xf32>
        %neg3A_194 = arith.subf %neg3A_193, %add3A_186 : vector<16xf32>
        %exp3A_195 = math.exp %neg3A_194 : vector<16xf32>
        %add3A_196 = arith.constant 1.000000e+00 : f32
        %add3A_197 = vector.broadcast %add3A_196 : f32 to vector<16xf32>
        %add3A_198 = arith.addf %add3A_197, %exp3A_195 : vector<16xf32>
        %div3A_199 = arith.constant 1.000000e+00 : f32
        %div3A_200 = vector.broadcast %div3A_199 : f32 to vector<16xf32>
        %div3A_201 = arith.divf %div3A_200, %add3A_198 : vector<16xf32>
        %get3A_202 = arith.index_cast %scan3A_133 : i32 to index
        %get3A_203 = arith.constant 16 : index
        %get3A_204 = tpu.vector_load %arg14[%get3A_202, %get3A_203] {strides = array<i32>} : memref<80x128xf32, #tpu.memory_space<vmem>>, vector<1x16xf32>,
        %get3A_205 = vector.shape_cast %get3A_204 : vector<1x16xf32> to vector<16xf32>
        %mul3A_206 = arith.mulf %div3A_201, %get3A_205 : vector<16xf32>
        %swap3A_207 = arith.index_cast %scan3A_133 : i32 to index
        %swap3A_208 = arith.constant 16 : index
        %swap3A_209 = tpu.vector_load %arg15[%swap3A_207, %swap3A_208] {strides = array<i32>} : memref<80x128xf32, #tpu.memory_space<vmem>>, vector<1x16xf32>,
        %swap3A_210 = vector.shape_cast %swap3A_209 : vector<1x16xf32> to vector<16xf32>
        %swap3A_211 = vector.shape_cast %mul3A_206 : vector<16xf32> to vector<1x16xf32>
        tpu.vector_store %arg15[%swap3A_207, %swap3A_208], %swap3A_211 {strides = array<i32>} : memref<80x128xf32, #tpu.memory_space<vmem>>, vector<1x16xf32>,
        %swap3A_212 = arith.index_cast %scan3A_133 : i32 to index
        %swap3A_213 = arith.constant 16 : index
        %swap3A_214 = tpu.vector_load %arg14[%swap3A_212, %swap3A_213] {strides = array<i32>} : memref<80x128xf32, #tpu.memory_space<vmem>>, vector<1x16xf32>,
        %swap3A_215 = vector.shape_cast %swap3A_214 : vector<1x16xf32> to vector<16xf32>
        %swap3A_216 = vector.shape_cast %div3A_201 : vector<16xf32> to vector<1x16xf32>
        tpu.vector_store %arg14[%swap3A_212, %swap3A_213], %swap3A_216 {strides = array<i32>} : memref<80x128xf32, #tpu.memory_space<vmem>>, vector<1x16xf32>,
        %get3A_217 = arith.index_cast %scan3A_133 : i32 to index
        %get3A_218 = arith.constant 32 : index
        %get3A_219 = tpu.vector_load %arg16[%get3A_217, %get3A_218] {strides = array<i32>} : memref<80x128xf32, #tpu.memory_space<vmem>>, vector<1x16xf32>,
        %get3A_220 = vector.shape_cast %get3A_219 : vector<1x16xf32> to vector<16xf32>
        %get3A_221 = arith.index_cast %scan3A_133 : i32 to index
        %get3A_222 = arith.constant 32 : index
        %get3A_223 = tpu.vector_load %arg13[%get3A_221, %get3A_222] {strides = array<i32>} : memref<80x128xf32, #tpu.memory_space<vmem>>, vector<1x16xf32>,
        %get3A_224 = vector.shape_cast %get3A_223 : vector<1x16xf32> to vector<16xf32>
        %add3A_225 = arith.addf %get3A_220, %get3A_224 : vector<16xf32>
        %get3A_226 = arith.index_cast %scan3A_133 : i32 to index
        %get3A_227 = arith.constant 32 : index
        %get3A_228 = tpu.vector_load %arg15[%get3A_226, %get3A_227] {strides = array<i32>} : memref<80x128xf32, #tpu.memory_space<vmem>>, vector<1x16xf32>,
        %get3A_229 = vector.shape_cast %get3A_228 : vector<1x16xf32> to vector<16xf32>
        %add3A_230 = arith.addf %add3A_225, %get3A_229 : vector<16xf32>
        %swap3A_231 = arith.index_cast %scan3A_133 : i32 to index
        %swap3A_232 = arith.constant 32 : index
        %swap3A_233 = tpu.vector_load %arg16[%swap3A_231, %swap3A_232] {strides = array<i32>} : memref<80x128xf32, #tpu.memory_space<vmem>>, vector<1x16xf32>,
        %swap3A_234 = vector.shape_cast %swap3A_233 : vector<1x16xf32> to vector<16xf32>
        %swap3A_235 = vector.shape_cast %add3A_230 : vector<16xf32> to vector<1x16xf32>
        tpu.vector_store %arg16[%swap3A_231, %swap3A_232], %swap3A_235 {strides = array<i32>} : memref<80x128xf32, #tpu.memory_space<vmem>>, vector<1x16xf32>,
        %neg3A_236 = arith.constant 0.000000e+00 : f32
        %neg3A_237 = vector.broadcast %neg3A_236 : f32 to vector<16xf32>
        %neg3A_238 = arith.subf %neg3A_237, %add3A_230 : vector<16xf32>
        %exp3A_239 = math.exp %neg3A_238 : vector<16xf32>
        %add3A_240 = arith.constant 1.000000e+00 : f32
        %add3A_241 = vector.broadcast %add3A_240 : f32 to vector<16xf32>
        %add3A_242 = arith.addf %add3A_241, %exp3A_239 : vector<16xf32>
        %div3A_243 = arith.constant 1.000000e+00 : f32
        %div3A_244 = vector.broadcast %div3A_243 : f32 to vector<16xf32>
        %div3A_245 = arith.divf %div3A_244, %add3A_242 : vector<16xf32>
        %get3A_246 = arith.index_cast %scan3A_133 : i32 to index
        %get3A_247 = arith.constant 32 : index
        %get3A_248 = tpu.vector_load %arg14[%get3A_246, %get3A_247] {strides = array<i32>} : memref<80x128xf32, #tpu.memory_space<vmem>>, vector<1x16xf32>,
        %get3A_249 = vector.shape_cast %get3A_248 : vector<1x16xf32> to vector<16xf32>
        %mul3A_250 = arith.mulf %div3A_245, %get3A_249 : vector<16xf32>
        %swap3A_251 = arith.index_cast %scan3A_133 : i32 to index
        %swap3A_252 = arith.constant 32 : index
        %swap3A_253 = tpu.vector_load %arg15[%swap3A_251, %swap3A_252] {strides = array<i32>} : memref<80x128xf32, #tpu.memory_space<vmem>>, vector<1x16xf32>,
        %swap3A_254 = vector.shape_cast %swap3A_253 : vector<1x16xf32> to vector<16xf32>
        %swap3A_255 = vector.shape_cast %mul3A_250 : vector<16xf32> to vector<1x16xf32>
        tpu.vector_store %arg15[%swap3A_251, %swap3A_252], %swap3A_255 {strides = array<i32>} : memref<80x128xf32, #tpu.memory_space<vmem>>, vector<1x16xf32>,
        %swap3A_256 = arith.index_cast %scan3A_133 : i32 to index
        %swap3A_257 = arith.constant 32 : index
        %swap3A_258 = tpu.vector_load %arg14[%swap3A_256, %swap3A_257] {strides = array<i32>} : memref<80x128xf32, #tpu.memory_space<vmem>>, vector<1x16xf32>,
        %swap3A_259 = vector.shape_cast %swap3A_258 : vector<1x16xf32> to vector<16xf32>
        %swap3A_260 = vector.shape_cast %div3A_245 : vector<16xf32> to vector<1x16xf32>
        tpu.vector_store %arg14[%swap3A_256, %swap3A_257], %swap3A_260 {strides = array<i32>} : memref<80x128xf32, #tpu.memory_space<vmem>>, vector<1x16xf32>,
        %get3A_261 = arith.index_cast %scan3A_133 : i32 to index
        %get3A_262 = arith.constant 48 : index
        %get3A_263 = tpu.vector_load %arg16[%get3A_261, %get3A_262] {strides = array<i32>} : memref<80x128xf32, #tpu.memory_space<vmem>>, vector<1x16xf32>,
        %get3A_264 = vector.shape_cast %get3A_263 : vector<1x16xf32> to vector<16xf32>
        %get3A_265 = arith.index_cast %scan3A_133 : i32 to index
        %get3A_266 = arith.constant 48 : index
        %get3A_267 = tpu.vector_load %arg13[%get3A_265, %get3A_266] {strides = array<i32>} : memref<80x128xf32, #tpu.memory_space<vmem>>, vector<1x16xf32>,
        %get3A_268 = vector.shape_cast %get3A_267 : vector<1x16xf32> to vector<16xf32>
        %add3A_269 = arith.addf %get3A_264, %get3A_268 : vector<16xf32>
        %get3A_270 = arith.index_cast %scan3A_133 : i32 to index
        %get3A_271 = arith.constant 48 : index
        %get3A_272 = tpu.vector_load %arg15[%get3A_270, %get3A_271] {strides = array<i32>} : memref<80x128xf32, #tpu.memory_space<vmem>>, vector<1x16xf32>,
        %get3A_273 = vector.shape_cast %get3A_272 : vector<1x16xf32> to vector<16xf32>
        %add3A_274 = arith.addf %add3A_269, %get3A_273 : vector<16xf32>
        %swap3A_275 = arith.index_cast %scan3A_133 : i32 to index
        %swap3A_276 = arith.constant 48 : index
        %swap3A_277 = tpu.vector_load %arg16[%swap3A_275, %swap3A_276] {strides = array<i32>} : memref<80x128xf32, #tpu.memory_space<vmem>>, vector<1x16xf32>,
        %swap3A_278 = vector.shape_cast %swap3A_277 : vector<1x16xf32> to vector<16xf32>
        %swap3A_279 = vector.shape_cast %add3A_274 : vector<16xf32> to vector<1x16xf32>
        tpu.vector_store %arg16[%swap3A_275, %swap3A_276], %swap3A_279 {strides = array<i32>} : memref<80x128xf32, #tpu.memory_space<vmem>>, vector<1x16xf32>,
        %neg3A_280 = arith.constant 0.000000e+00 : f32
        %neg3A_281 = vector.broadcast %neg3A_280 : f32 to vector<16xf32>
        %neg3A_282 = arith.subf %neg3A_281, %add3A_274 : vector<16xf32>
        %exp3A_283 = math.exp %neg3A_282 : vector<16xf32>
        %add3A_284 = arith.constant 1.000000e+00 : f32
        %add3A_285 = vector.broadcast %add3A_284 : f32 to vector<16xf32>
        %add3A_286 = arith.addf %add3A_285, %exp3A_283 : vector<16xf32>
        %div3A_287 = arith.constant 1.000000e+00 : f32
        %div3A_288 = vector.broadcast %div3A_287 : f32 to vector<16xf32>
        %div3A_289 = arith.divf %div3A_288, %add3A_286 : vector<16xf32>
        %get3A_290 = arith.index_cast %scan3A_133 : i32 to index
        %get3A_291 = arith.constant 48 : index
        %get3A_292 = tpu.vector_load %arg14[%get3A_290, %get3A_291] {strides = array<i32>} : memref<80x128xf32, #tpu.memory_space<vmem>>, vector<1x16xf32>,
        %get3A_293 = vector.shape_cast %get3A_292 : vector<1x16xf32> to vector<16xf32>
        %mul3A_294 = arith.mulf %div3A_289, %get3A_293 : vector<16xf32>
        %swap3A_295 = arith.index_cast %scan3A_133 : i32 to index
        %swap3A_296 = arith.constant 48 : index
        %swap3A_297 = tpu.vector_load %arg15[%swap3A_295, %swap3A_296] {strides = array<i32>} : memref<80x128xf32, #tpu.memory_space<vmem>>, vector<1x16xf32>,
        %swap3A_298 = vector.shape_cast %swap3A_297 : vector<1x16xf32> to vector<16xf32>
        %swap3A_299 = vector.shape_cast %mul3A_294 : vector<16xf32> to vector<1x16xf32>
        tpu.vector_store %arg15[%swap3A_295, %swap3A_296], %swap3A_299 {strides = array<i32>} : memref<80x128xf32, #tpu.memory_space<vmem>>, vector<1x16xf32>,
        %swap3A_300 = arith.index_cast %scan3A_133 : i32 to index
        %swap3A_301 = arith.constant 48 : index
        %swap3A_302 = tpu.vector_load %arg14[%swap3A_300, %swap3A_301] {strides = array<i32>} : memref<80x128xf32, #tpu.memory_space<vmem>>, vector<1x16xf32>,
        %swap3A_303 = vector.shape_cast %swap3A_302 : vector<1x16xf32> to vector<16xf32>
        %swap3A_304 = vector.shape_cast %div3A_289 : vector<16xf32> to vector<1x16xf32>
        tpu.vector_store %arg14[%swap3A_300, %swap3A_301], %swap3A_304 {strides = array<i32>} : memref<80x128xf32, #tpu.memory_space<vmem>>, vector<1x16xf32>,
        %get3A_305 = arith.index_cast %scan3A_133 : i32 to index
        %get3A_306 = arith.constant 64 : index
        %get3A_307 = tpu.vector_load %arg16[%get3A_305, %get3A_306] {strides = array<i32>} : memref<80x128xf32, #tpu.memory_space<vmem>>, vector<1x16xf32>,
        %get3A_308 = vector.shape_cast %get3A_307 : vector<1x16xf32> to vector<16xf32>
        %get3A_309 = arith.index_cast %scan3A_133 : i32 to index
        %get3A_310 = arith.constant 64 : index
        %get3A_311 = tpu.vector_load %arg13[%get3A_309, %get3A_310] {strides = array<i32>} : memref<80x128xf32, #tpu.memory_space<vmem>>, vector<1x16xf32>,
        %get3A_312 = vector.shape_cast %get3A_311 : vector<1x16xf32> to vector<16xf32>
        %add3A_313 = arith.addf %get3A_308, %get3A_312 : vector<16xf32>
        %get3A_314 = arith.index_cast %scan3A_133 : i32 to index
        %get3A_315 = arith.constant 64 : index
        %get3A_316 = tpu.vector_load %arg15[%get3A_314, %get3A_315] {strides = array<i32>} : memref<80x128xf32, #tpu.memory_space<vmem>>, vector<1x16xf32>,
        %get3A_317 = vector.shape_cast %get3A_316 : vector<1x16xf32> to vector<16xf32>
        %add3A_318 = arith.addf %add3A_313, %get3A_317 : vector<16xf32>
        %swap3A_319 = arith.index_cast %scan3A_133 : i32 to index
        %swap3A_320 = arith.constant 64 : index
        %swap3A_321 = tpu.vector_load %arg16[%swap3A_319, %swap3A_320] {strides = array<i32>} : memref<80x128xf32, #tpu.memory_space<vmem>>, vector<1x16xf32>,
        %swap3A_322 = vector.shape_cast %swap3A_321 : vector<1x16xf32> to vector<16xf32>
        %swap3A_323 = vector.shape_cast %add3A_318 : vector<16xf32> to vector<1x16xf32>
        tpu.vector_store %arg16[%swap3A_319, %swap3A_320], %swap3A_323 {strides = array<i32>} : memref<80x128xf32, #tpu.memory_space<vmem>>, vector<1x16xf32>,
        %neg3A_324 = arith.constant 0.000000e+00 : f32
        %neg3A_325 = vector.broadcast %neg3A_324 : f32 to vector<16xf32>
        %neg3A_326 = arith.subf %neg3A_325, %add3A_318 : vector<16xf32>
        %exp3A_327 = math.exp %neg3A_326 : vector<16xf32>
        %add3A_328 = arith.constant 1.000000e+00 : f32
        %add3A_329 = vector.broadcast %add3A_328 : f32 to vector<16xf32>
        %add3A_330 = arith.addf %add3A_329, %exp3A_327 : vector<16xf32>
        %div3A_331 = arith.constant 1.000000e+00 : f32
        %div3A_332 = vector.broadcast %div3A_331 : f32 to vector<16xf32>
        %div3A_333 = arith.divf %div3A_332, %add3A_330 : vector<16xf32>
        %get3A_334 = arith.index_cast %scan3A_133 : i32 to index
        %get3A_335 = arith.constant 64 : index
        %get3A_336 = tpu.vector_load %arg14[%get3A_334, %get3A_335] {strides = array<i32>} : memref<80x128xf32, #tpu.memory_space<vmem>>, vector<1x16xf32>,
        %get3A_337 = vector.shape_cast %get3A_336 : vector<1x16xf32> to vector<16xf32>
        %mul3A_338 = arith.mulf %div3A_333, %get3A_337 : vector<16xf32>
        %swap3A_339 = arith.index_cast %scan3A_133 : i32 to index
        %swap3A_340 = arith.constant 64 : index
        %swap3A_341 = tpu.vector_load %arg15[%swap3A_339, %swap3A_340] {strides = array<i32>} : memref<80x128xf32, #tpu.memory_space<vmem>>, vector<1x16xf32>,
        %swap3A_342 = vector.shape_cast %swap3A_341 : vector<1x16xf32> to vector<16xf32>
        %swap3A_343 = vector.shape_cast %mul3A_338 : vector<16xf32> to vector<1x16xf32>
        tpu.vector_store %arg15[%swap3A_339, %swap3A_340], %swap3A_343 {strides = array<i32>} : memref<80x128xf32, #tpu.memory_space<vmem>>, vector<1x16xf32>,
        %swap3A_344 = arith.index_cast %scan3A_133 : i32 to index
        %swap3A_345 = arith.constant 64 : index
        %swap3A_346 = tpu.vector_load %arg14[%swap3A_344, %swap3A_345] {strides = array<i32>} : memref<80x128xf32, #tpu.memory_space<vmem>>, vector<1x16xf32>,
        %swap3A_347 = vector.shape_cast %swap3A_346 : vector<1x16xf32> to vector<16xf32>
        %swap3A_348 = vector.shape_cast %div3A_333 : vector<16xf32> to vector<1x16xf32>
        tpu.vector_store %arg14[%swap3A_344, %swap3A_345], %swap3A_348 {strides = array<i32>} : memref<80x128xf32, #tpu.memory_space<vmem>>, vector<1x16xf32>,
        %get3A_349 = arith.index_cast %scan3A_133 : i32 to index
        %get3A_350 = arith.constant 80 : index
        %get3A_351 = tpu.vector_load %arg16[%get3A_349, %get3A_350] {strides = array<i32>} : memref<80x128xf32, #tpu.memory_space<vmem>>, vector<1x16xf32>,
        %get3A_352 = vector.shape_cast %get3A_351 : vector<1x16xf32> to vector<16xf32>
        %get3A_353 = arith.index_cast %scan3A_133 : i32 to index
        %get3A_354 = arith.constant 80 : index
        %get3A_355 = tpu.vector_load %arg13[%get3A_353, %get3A_354] {strides = array<i32>} : memref<80x128xf32, #tpu.memory_space<vmem>>, vector<1x16xf32>,
        %get3A_356 = vector.shape_cast %get3A_355 : vector<1x16xf32> to vector<16xf32>
        %add3A_357 = arith.addf %get3A_352, %get3A_356 : vector<16xf32>
        %get3A_358 = arith.index_cast %scan3A_133 : i32 to index
        %get3A_359 = arith.constant 80 : index
        %get3A_360 = tpu.vector_load %arg15[%get3A_358, %get3A_359] {strides = array<i32>} : memref<80x128xf32, #tpu.memory_space<vmem>>, vector<1x16xf32>,
        %get3A_361 = vector.shape_cast %get3A_360 : vector<1x16xf32> to vector<16xf32>
        %add3A_362 = arith.addf %add3A_357, %get3A_361 : vector<16xf32>
        %swap3A_363 = arith.index_cast %scan3A_133 : i32 to index
        %swap3A_364 = arith.constant 80 : index
        %swap3A_365 = tpu.vector_load %arg16[%swap3A_363, %swap3A_364] {strides = array<i32>} : memref<80x128xf32, #tpu.memory_space<vmem>>, vector<1x16xf32>,
        %swap3A_366 = vector.shape_cast %swap3A_365 : vector<1x16xf32> to vector<16xf32>
        %swap3A_367 = vector.shape_cast %add3A_362 : vector<16xf32> to vector<1x16xf32>
        tpu.vector_store %arg16[%swap3A_363, %swap3A_364], %swap3A_367 {strides = array<i32>} : memref<80x128xf32, #tpu.memory_space<vmem>>, vector<1x16xf32>,
        %neg3A_368 = arith.constant 0.000000e+00 : f32
        %neg3A_369 = vector.broadcast %neg3A_368 : f32 to vector<16xf32>
        %neg3A_370 = arith.subf %neg3A_369, %add3A_362 : vector<16xf32>
        %exp3A_371 = math.exp %neg3A_370 : vector<16xf32>
        %add3A_372 = arith.constant 1.000000e+00 : f32
        %add3A_373 = vector.broadcast %add3A_372 : f32 to vector<16xf32>
        %add3A_374 = arith.addf %add3A_373, %exp3A_371 : vector<16xf32>
        %div3A_375 = arith.constant 1.000000e+00 : f32
        %div3A_376 = vector.broadcast %div3A_375 : f32 to vector<16xf32>
        %div3A_377 = arith.divf %div3A_376, %add3A_374 : vector<16xf32>
        %get3A_378 = arith.index_cast %scan3A_133 : i32 to index
        %get3A_379 = arith.constant 80 : index
        %get3A_380 = tpu.vector_load %arg14[%get3A_378, %get3A_379] {strides = array<i32>} : memref<80x128xf32, #tpu.memory_space<vmem>>, vector<1x16xf32>,
        %get3A_381 = vector.shape_cast %get3A_380 : vector<1x16xf32> to vector<16xf32>
        %mul3A_382 = arith.mulf %div3A_377, %get3A_381 : vector<16xf32>
        %swap3A_383 = arith.index_cast %scan3A_133 : i32 to index
        %swap3A_384 = arith.constant 80 : index
        %swap3A_385 = tpu.vector_load %arg15[%swap3A_383, %swap3A_384] {strides = array<i32>} : memref<80x128xf32, #tpu.memory_space<vmem>>, vector<1x16xf32>,
        %swap3A_386 = vector.shape_cast %swap3A_385 : vector<1x16xf32> to vector<16xf32>
        %swap3A_387 = vector.shape_cast %mul3A_382 : vector<16xf32> to vector<1x16xf32>
        tpu.vector_store %arg15[%swap3A_383, %swap3A_384], %swap3A_387 {strides = array<i32>} : memref<80x128xf32, #tpu.memory_space<vmem>>, vector<1x16xf32>,
        %swap3A_388 = arith.index_cast %scan3A_133 : i32 to index
        %swap3A_389 = arith.constant 80 : index
        %swap3A_390 = tpu.vector_load %arg14[%swap3A_388, %swap3A_389] {strides = array<i32>} : memref<80x128xf32, #tpu.memory_space<vmem>>, vector<1x16xf32>,
        %swap3A_391 = vector.shape_cast %swap3A_390 : vector<1x16xf32> to vector<16xf32>
        %swap3A_392 = vector.shape_cast %div3A_377 : vector<16xf32> to vector<1x16xf32>
        tpu.vector_store %arg14[%swap3A_388, %swap3A_389], %swap3A_392 {strides = array<i32>} : memref<80x128xf32, #tpu.memory_space<vmem>>, vector<1x16xf32>,
        %get3A_393 = arith.index_cast %scan3A_133 : i32 to index
        %get3A_394 = arith.constant 96 : index
        %get3A_395 = tpu.vector_load %arg16[%get3A_393, %get3A_394] {strides = array<i32>} : memref<80x128xf32, #tpu.memory_space<vmem>>, vector<1x16xf32>,
        %get3A_396 = vector.shape_cast %get3A_395 : vector<1x16xf32> to vector<16xf32>
        %get3A_397 = arith.index_cast %scan3A_133 : i32 to index
        %get3A_398 = arith.constant 96 : index
        %get3A_399 = tpu.vector_load %arg13[%get3A_397, %get3A_398] {strides = array<i32>} : memref<80x128xf32, #tpu.memory_space<vmem>>, vector<1x16xf32>,
        %get3A_400 = vector.shape_cast %get3A_399 : vector<1x16xf32> to vector<16xf32>
        %add3A_401 = arith.addf %get3A_396, %get3A_400 : vector<16xf32>
        %get3A_402 = arith.index_cast %scan3A_133 : i32 to index
        %get3A_403 = arith.constant 96 : index
        %get3A_404 = tpu.vector_load %arg15[%get3A_402, %get3A_403] {strides = array<i32>} : memref<80x128xf32, #tpu.memory_space<vmem>>, vector<1x16xf32>,
        %get3A_405 = vector.shape_cast %get3A_404 : vector<1x16xf32> to vector<16xf32>
        %add3A_406 = arith.addf %add3A_401, %get3A_405 : vector<16xf32>
        %swap3A_407 = arith.index_cast %scan3A_133 : i32 to index
        %swap3A_408 = arith.constant 96 : index
        %swap3A_409 = tpu.vector_load %arg16[%swap3A_407, %swap3A_408] {strides = array<i32>} : memref<80x128xf32, #tpu.memory_space<vmem>>, vector<1x16xf32>,
        %swap3A_410 = vector.shape_cast %swap3A_409 : vector<1x16xf32> to vector<16xf32>
        %swap3A_411 = vector.shape_cast %add3A_406 : vector<16xf32> to vector<1x16xf32>
        tpu.vector_store %arg16[%swap3A_407, %swap3A_408], %swap3A_411 {strides = array<i32>} : memref<80x128xf32, #tpu.memory_space<vmem>>, vector<1x16xf32>,
        %neg3A_412 = arith.constant 0.000000e+00 : f32
        %neg3A_413 = vector.broadcast %neg3A_412 : f32 to vector<16xf32>
        %neg3A_414 = arith.subf %neg3A_413, %add3A_406 : vector<16xf32>
        %exp3A_415 = math.exp %neg3A_414 : vector<16xf32>
        %add3A_416 = arith.constant 1.000000e+00 : f32
        %add3A_417 = vector.broadcast %add3A_416 : f32 to vector<16xf32>
        %add3A_418 = arith.addf %add3A_417, %exp3A_415 : vector<16xf32>
        %div3A_419 = arith.constant 1.000000e+00 : f32
        %div3A_420 = vector.broadcast %div3A_419 : f32 to vector<16xf32>
        %div3A_421 = arith.divf %div3A_420, %add3A_418 : vector<16xf32>
        %get3A_422 = arith.index_cast %scan3A_133 : i32 to index
        %get3A_423 = arith.constant 96 : index
        %get3A_424 = tpu.vector_load %arg14[%get3A_422, %get3A_423] {strides = array<i32>} : memref<80x128xf32, #tpu.memory_space<vmem>>, vector<1x16xf32>,
        %get3A_425 = vector.shape_cast %get3A_424 : vector<1x16xf32> to vector<16xf32>
        %mul3A_426 = arith.mulf %div3A_421, %get3A_425 : vector<16xf32>
        %swap3A_427 = arith.index_cast %scan3A_133 : i32 to index
        %swap3A_428 = arith.constant 96 : index
        %swap3A_429 = tpu.vector_load %arg15[%swap3A_427, %swap3A_428] {strides = array<i32>} : memref<80x128xf32, #tpu.memory_space<vmem>>, vector<1x16xf32>,
        %swap3A_430 = vector.shape_cast %swap3A_429 : vector<1x16xf32> to vector<16xf32>
        %swap3A_431 = vector.shape_cast %mul3A_426 : vector<16xf32> to vector<1x16xf32>
        tpu.vector_store %arg15[%swap3A_427, %swap3A_428], %swap3A_431 {strides = array<i32>} : memref<80x128xf32, #tpu.memory_space<vmem>>, vector<1x16xf32>,
        %swap3A_432 = arith.index_cast %scan3A_133 : i32 to index
        %swap3A_433 = arith.constant 96 : index
        %swap3A_434 = tpu.vector_load %arg14[%swap3A_432, %swap3A_433] {strides = array<i32>} : memref<80x128xf32, #tpu.memory_space<vmem>>, vector<1x16xf32>,
        %swap3A_435 = vector.shape_cast %swap3A_434 : vector<1x16xf32> to vector<16xf32>
        %swap3A_436 = vector.shape_cast %div3A_421 : vector<16xf32> to vector<1x16xf32>
        tpu.vector_store %arg14[%swap3A_432, %swap3A_433], %swap3A_436 {strides = array<i32>} : memref<80x128xf32, #tpu.memory_space<vmem>>, vector<1x16xf32>,
        %get3A_437 = arith.index_cast %scan3A_133 : i32 to index
        %get3A_438 = arith.constant 112 : index
        %get3A_439 = tpu.vector_load %arg16[%get3A_437, %get3A_438] {strides = array<i32>} : memref<80x128xf32, #tpu.memory_space<vmem>>, vector<1x16xf32>,
        %get3A_440 = vector.shape_cast %get3A_439 : vector<1x16xf32> to vector<16xf32>
        %get3A_441 = arith.index_cast %scan3A_133 : i32 to index
        %get3A_442 = arith.constant 112 : index
        %get3A_443 = tpu.vector_load %arg13[%get3A_441, %get3A_442] {strides = array<i32>} : memref<80x128xf32, #tpu.memory_space<vmem>>, vector<1x16xf32>,
        %get3A_444 = vector.shape_cast %get3A_443 : vector<1x16xf32> to vector<16xf32>
        %add3A_445 = arith.addf %get3A_440, %get3A_444 : vector<16xf32>
        %get3A_446 = arith.index_cast %scan3A_133 : i32 to index
        %get3A_447 = arith.constant 112 : index
        %get3A_448 = tpu.vector_load %arg15[%get3A_446, %get3A_447] {strides = array<i32>} : memref<80x128xf32, #tpu.memory_space<vmem>>, vector<1x16xf32>,
        %get3A_449 = vector.shape_cast %get3A_448 : vector<1x16xf32> to vector<16xf32>
        %add3A_450 = arith.addf %add3A_445, %get3A_449 : vector<16xf32>
        %swap3A_451 = arith.index_cast %scan3A_133 : i32 to index
        %swap3A_452 = arith.constant 112 : index
        %swap3A_453 = tpu.vector_load %arg16[%swap3A_451, %swap3A_452] {strides = array<i32>} : memref<80x128xf32, #tpu.memory_space<vmem>>, vector<1x16xf32>,
        %swap3A_454 = vector.shape_cast %swap3A_453 : vector<1x16xf32> to vector<16xf32>
        %swap3A_455 = vector.shape_cast %add3A_450 : vector<16xf32> to vector<1x16xf32>
        tpu.vector_store %arg16[%swap3A_451, %swap3A_452], %swap3A_455 {strides = array<i32>} : memref<80x128xf32, #tpu.memory_space<vmem>>, vector<1x16xf32>,
        %neg3A_456 = arith.constant 0.000000e+00 : f32
        %neg3A_457 = vector.broadcast %neg3A_456 : f32 to vector<16xf32>
        %neg3A_458 = arith.subf %neg3A_457, %add3A_450 : vector<16xf32>
        %exp3A_459 = math.exp %neg3A_458 : vector<16xf32>
        %add3A_460 = arith.constant 1.000000e+00 : f32
        %add3A_461 = vector.broadcast %add3A_460 : f32 to vector<16xf32>
        %add3A_462 = arith.addf %add3A_461, %exp3A_459 : vector<16xf32>
        %div3A_463 = arith.constant 1.000000e+00 : f32
        %div3A_464 = vector.broadcast %div3A_463 : f32 to vector<16xf32>
        %div3A_465 = arith.divf %div3A_464, %add3A_462 : vector<16xf32>
        %get3A_466 = arith.index_cast %scan3A_133 : i32 to index
        %get3A_467 = arith.constant 112 : index
        %get3A_468 = tpu.vector_load %arg14[%get3A_466, %get3A_467] {strides = array<i32>} : memref<80x128xf32, #tpu.memory_space<vmem>>, vector<1x16xf32>,
        %get3A_469 = vector.shape_cast %get3A_468 : vector<1x16xf32> to vector<16xf32>
        %mul3A_470 = arith.mulf %div3A_465, %get3A_469 : vector<16xf32>
        %swap3A_471 = arith.index_cast %scan3A_133 : i32 to index
        %swap3A_472 = arith.constant 112 : index
        %swap3A_473 = tpu.vector_load %arg15[%swap3A_471, %swap3A_472] {strides = array<i32>} : memref<80x128xf32, #tpu.memory_space<vmem>>, vector<1x16xf32>,
        %swap3A_474 = vector.shape_cast %swap3A_473 : vector<1x16xf32> to vector<16xf32>
        %swap3A_475 = vector.shape_cast %mul3A_470 : vector<16xf32> to vector<1x16xf32>
        tpu.vector_store %arg15[%swap3A_471, %swap3A_472], %swap3A_475 {strides = array<i32>} : memref<80x128xf32, #tpu.memory_space<vmem>>, vector<1x16xf32>,
        %swap3A_476 = arith.index_cast %scan3A_133 : i32 to index
        %swap3A_477 = arith.constant 112 : index
        %swap3A_478 = tpu.vector_load %arg14[%swap3A_476, %swap3A_477] {strides = array<i32>} : memref<80x128xf32, #tpu.memory_space<vmem>>, vector<1x16xf32>,
        %swap3A_479 = vector.shape_cast %swap3A_478 : vector<1x16xf32> to vector<16xf32>
        %swap3A_480 = vector.shape_cast %div3A_465 : vector<16xf32> to vector<1x16xf32>
        tpu.vector_store %arg14[%swap3A_476, %swap3A_477], %swap3A_480 {strides = array<i32>} : memref<80x128xf32, #tpu.memory_space<vmem>>, vector<1x16xf32>,
      }
      %scan3A_131 = arith.constant 80 : i32
      "tpu.region"() ({
        %run_scoped3A = tpu.sem_alloc : memref<!tpu.dma_semaphore, #tpu.memory_space<semaphore_mem>>
        %dma_start3A_133 = arith.constant 0 : i32
        %dma_start3A_134 = tpu.memref_slice %arg8[%multiple_of3A_109, %dma_start3A_133] : memref<320000x128xf32, #tpu.memory_space<hbm>> -> memref<80x128xf32, #tpu.memory_space<hbm>>
        %dma_start3A_135 = arith.constant 0 : i32
        %dma_start3A_136 = tpu.memref_slice %arg8[%multiple_of3A_109, %dma_start3A_135] : memref<320000x128xf32, #tpu.memory_space<hbm>> -> memref<80x128xf32, #tpu.memory_space<hbm>>
        tpu.enqueue_dma source(%arg16 : memref<80x128xf32, #tpu.memory_space<vmem>>) target(%dma_start3A_136 : memref<80x128xf32, #tpu.memory_space<hbm>>) target_semaphore(%run_scoped3A : memref<!tpu.dma_semaphore, #tpu.memory_space<semaphore_mem>>)
        %dma_wait3A_137 = arith.constant 0 : i32
        %dma_wait3A_138 = tpu.memref_slice %arg8[%multiple_of3A_109, %dma_wait3A_137] : memref<320000x128xf32, #tpu.memory_space<hbm>> -> memref<80x128xf32, #tpu.memory_space<hbm>>
        %dma_wait3A_139 = arith.constant 0 : i32
        %dma_wait3A_140 = tpu.memref_slice %arg8[%multiple_of3A_109, %dma_wait3A_139] : memref<320000x128xf32, #tpu.memory_space<hbm>> -> memref<80x128xf32, #tpu.memory_space<hbm>>
        tpu.wait_dma2 semaphore(%run_scoped3A : memref<!tpu.dma_semaphore, #tpu.memory_space<semaphore_mem>>) src(%arg16 : memref<80x128xf32, #tpu.memory_space<vmem>>) dst(%dma_wait3A_140 : memref<80x128xf32, #tpu.memory_space<hbm>>)
        tpu.yield
      }) : () -> ()
      "tpu.region"() ({
        %run_scoped3A = tpu.sem_alloc : memref<!tpu.dma_semaphore, #tpu.memory_space<semaphore_mem>>
        %dma_start3A_133 = arith.constant 0 : i32
        %dma_start3A_134 = tpu.memref_slice %arg9[%multiple_of3A_109, %dma_start3A_133] : memref<320000x128xf32, #tpu.memory_space<hbm>> -> memref<80x128xf32, #tpu.memory_space<hbm>>
        %dma_start3A_135 = arith.constant 0 : i32
        %dma_start3A_136 = tpu.memref_slice %arg9[%multiple_of3A_109, %dma_start3A_135] : memref<320000x128xf32, #tpu.memory_space<hbm>> -> memref<80x128xf32, #tpu.memory_space<hbm>>
        tpu.enqueue_dma source(%arg14 : memref<80x128xf32, #tpu.memory_space<vmem>>) target(%dma_start3A_136 : memref<80x128xf32, #tpu.memory_space<hbm>>) target_semaphore(%run_scoped3A : memref<!tpu.dma_semaphore, #tpu.memory_space<semaphore_mem>>)
        %dma_wait3A_137 = arith.constant 0 : i32
        %dma_wait3A_138 = tpu.memref_slice %arg9[%multiple_of3A_109, %dma_wait3A_137] : memref<320000x128xf32, #tpu.memory_space<hbm>> -> memref<80x128xf32, #tpu.memory_space<hbm>>
        %dma_wait3A_139 = arith.constant 0 : i32
        %dma_wait3A_140 = tpu.memref_slice %arg9[%multiple_of3A_109, %dma_wait3A_139] : memref<320000x128xf32, #tpu.memory_space<hbm>> -> memref<80x128xf32, #tpu.memory_space<hbm>>
        tpu.wait_dma2 semaphore(%run_scoped3A : memref<!tpu.dma_semaphore, #tpu.memory_space<semaphore_mem>>) src(%arg14 : memref<80x128xf32, #tpu.memory_space<vmem>>) dst(%dma_wait3A_140 : memref<80x128xf32, #tpu.memory_space<hbm>>)
        tpu.yield
      }) : () -> ()
      "tpu.region"() ({
        %run_scoped3A = tpu.sem_alloc : memref<!tpu.dma_semaphore, #tpu.memory_space<semaphore_mem>>
        %dma_start3A_133 = arith.constant 0 : i32
        %dma_start3A_134 = arith.constant 0 : i32
        %dma_start3A_135 = tpu.memref_slice %arg18[%dma_start3A_133, %dma_start3A_134] : memref<10240x128xf32, #tpu.memory_space<vmem_shared>> -> memref<10240x128xf32, #tpu.memory_space<vmem_shared>>
        tpu.enqueue_indirect_dma source(%arg15 : memref<80x128xf32, #tpu.memory_space<vmem>>) target(%dma_start3A_135 : memref<10240x128xf32, #tpu.memory_space<vmem_shared>>) offsets(%arg12 : memref<80xi32, #tpu.memory_space<vmem>>) semaphore(%run_scoped3A : memref<!tpu.dma_semaphore, #tpu.memory_space<semaphore_mem>>) {add = true}
        %dma_wait3A_136 = arith.constant 0 : i32
        %dma_wait3A_137 = arith.constant 0 : i32
        %dma_wait3A_138 = tpu.memref_slice %arg18[%dma_wait3A_136, %dma_wait3A_137] : memref<10240x128xf32, #tpu.memory_space<vmem_shared>> -> memref<10240x128xf32, #tpu.memory_space<vmem_shared>>
        tpu.wait_indirect_dma semaphore(%run_scoped3A : memref<!tpu.dma_semaphore, #tpu.memory_space<semaphore_mem>>) src(%arg15 : memref<80x128xf32, #tpu.memory_space<vmem>>) dst(%dma_wait3A_138 : memref<10240x128xf32, #tpu.memory_space<vmem_shared>>)
        tpu.yield
      }) : () -> ()
      %scan3A_132 = arith.constant 0 : i32
      scf.yield %scan3A_132 : i32
    }
    %scan3A_93 = arith.constant 125 : i32
    %barrier3A_94 = arith.constant 0 : index
    tpu.barrier barrier_id(%barrier3A_94)
    %mul3A_95 = arith.constant 640 : i32
    %mul3A_96 = arith.muli %arg1, %mul3A_95 : i32
    %multiple_of3A_97 = tpu.assume_multiple %mul3A_96, 8 : i32
    %mul3A_98 = arith.constant 10240 : i32
    %mul3A_99 = arith.muli %arg0, %mul3A_98 : i32
    %multiple_of3A_100 = tpu.assume_multiple %mul3A_99, 8 : i32
    %add3A_101 = arith.addi %multiple_of3A_100, %multiple_of3A_97 : i32
    "tpu.region"() ({
      %run_scoped3A = tpu.sem_alloc : memref<!tpu.dma_semaphore, #tpu.memory_space<semaphore_mem>>
      %dma_start3A = arith.constant 0 : i32
      %dma_start3A_102 = tpu.memref_slice %arg10[%add3A_101, %dma_start3A] : memref<20480x128xf32, #tpu.memory_space<hbm>> -> memref<640x128xf32, #tpu.memory_space<hbm>>
      %dma_start3A_103 = arith.constant 0 : i32
      %dma_start3A_104 = tpu.memref_slice %arg18[%multiple_of3A_97, %dma_start3A_103] : memref<10240x128xf32, #tpu.memory_space<vmem_shared>> -> memref<640x128xf32, #tpu.memory_space<vmem_shared>>
      tpu.enqueue_dma source(%dma_start3A_104 : memref<640x128xf32, #tpu.memory_space<vmem_shared>>) target(%dma_start3A_102 : memref<640x128xf32, #tpu.memory_space<hbm>>) target_semaphore(%run_scoped3A : memref<!tpu.dma_semaphore, #tpu.memory_space<semaphore_mem>>)
      %dma_wait3A = arith.constant 0 : i32
      %dma_wait3A_105 = tpu.memref_slice %arg10[%add3A_101, %dma_wait3A] : memref<20480x128xf32, #tpu.memory_space<hbm>> -> memref<640x128xf32, #tpu.memory_space<hbm>>
      %dma_wait3A_106 = arith.constant 0 : i32
      %dma_wait3A_107 = tpu.memref_slice %arg18[%multiple_of3A_97, %dma_wait3A_106] : memref<10240x128xf32, #tpu.memory_space<vmem_shared>> -> memref<640x128xf32, #tpu.memory_space<vmem_shared>>
      tpu.wait_dma2 semaphore(%run_scoped3A : memref<!tpu.dma_semaphore, #tpu.memory_space<semaphore_mem>>) src(%dma_wait3A_107 : memref<640x128xf32, #tpu.memory_space<vmem_shared>>) dst(%dma_wait3A_105 : memref<640x128xf32, #tpu.memory_space<hbm>>)
      tpu.yield
    }) : () -> ()
    return
  }
}

module attributes {stable_mosaic.version = 14 : i64} {
  func.func @_node_linear_body(%arg0: memref<10000x128xf32, #tpu.memory_space<vmem>>, %arg1: memref<128x128xf32, #tpu.memory_space<vmem>>, %arg2: memref<1x128xf32, #tpu.memory_space<vmem>>, %arg3: memref<128x128xf32, #tpu.memory_space<vmem>>, %arg4: memref<1x128xf32, #tpu.memory_space<vmem>>, %arg5: memref<128x128xf32, #tpu.memory_space<vmem>>, %arg6: memref<1x128xf32, #tpu.memory_space<vmem>>, %arg7: memref<128x128xf32, #tpu.memory_space<vmem>>, %arg8: memref<1x128xf32, #tpu.memory_space<vmem>>, %arg9: memref<10000x128xf32, #tpu.memory_space<vmem>>, %arg10: memref<10000x128xf32, #tpu.memory_space<vmem>>, %arg11: memref<10000x128xf32, #tpu.memory_space<vmem>>, %arg12: memref<10000x128xf32, #tpu.memory_space<vmem>>) attributes {dimension_semantics = [], scalar_prefetch = 0 : i64, scratch_operands = 0 : i64, tpu.core_type = #tpu.core_type<tc>} {
    %get3A = arith.constant 0 : index
    %get3A_0 = arith.constant 0 : index
    %get3A_1 = vector.load %arg0[%get3A, %get3A_0] : memref<10000x128xf32, #tpu.memory_space<vmem>>, vector<10000x128xf32>
    %get3A_2 = arith.constant 0 : index
    %get3A_3 = arith.constant 0 : index
    %get3A_4 = vector.load %arg1[%get3A_2, %get3A_3] : memref<128x128xf32, #tpu.memory_space<vmem>>, vector<128x128xf32>
    %dot_general3A = arith.constant dense<0.000000e+00> : vector<10000x128xf32>
    %dot_general3A_5 = tpu.matmul %get3A_1, %get3A_4, %dot_general3A {dimension_numbers = #tpu.dot_dimension_numbers<[1], [0], [0], [1], [0, 0, 1, 1], [], []>, transpose_lhs_hint = false} : vector<10000x128xf32>, vector<128x128xf32>, vector<10000x128xf32> -> vector<10000x128xf32>
    %get3A_6 = arith.constant 0 : index
    %get3A_7 = arith.constant 0 : index
    %get3A_8 = vector.load %arg2[%get3A_6, %get3A_7] : memref<1x128xf32, #tpu.memory_space<vmem>>, vector<1x128xf32>
    %add3A = vector.broadcast %get3A_8 : vector<1x128xf32> to vector<10000x128xf32>
    %add3A_9 = arith.addf %dot_general3A_5, %add3A : vector<10000x128xf32>
    %swap3A = arith.constant 0 : index
    %swap3A_10 = arith.constant 0 : index
    %swap3A_11 = vector.load %arg9[%swap3A, %swap3A_10] : memref<10000x128xf32, #tpu.memory_space<vmem>>, vector<10000x128xf32>
    tpu.vector_store %arg9[%swap3A, %swap3A_10], %add3A_9 {strides = array<i32>} : memref<10000x128xf32, #tpu.memory_space<vmem>>, vector<10000x128xf32>,
    %get3A_12 = arith.constant 0 : index
    %get3A_13 = arith.constant 0 : index
    %get3A_14 = vector.load %arg7[%get3A_12, %get3A_13] : memref<128x128xf32, #tpu.memory_space<vmem>>, vector<128x128xf32>
    %dot_general3A_15 = arith.constant dense<0.000000e+00> : vector<10000x128xf32>
    %dot_general3A_16 = tpu.matmul %get3A_1, %get3A_14, %dot_general3A_15 {dimension_numbers = #tpu.dot_dimension_numbers<[1], [0], [0], [1], [0, 0, 1, 1], [], []>, transpose_lhs_hint = false} : vector<10000x128xf32>, vector<128x128xf32>, vector<10000x128xf32> -> vector<10000x128xf32>
    %get3A_17 = arith.constant 0 : index
    %get3A_18 = arith.constant 0 : index
    %get3A_19 = vector.load %arg8[%get3A_17, %get3A_18] : memref<1x128xf32, #tpu.memory_space<vmem>>, vector<1x128xf32>
    %add3A_20 = vector.broadcast %get3A_19 : vector<1x128xf32> to vector<10000x128xf32>
    %add3A_21 = arith.addf %dot_general3A_16, %add3A_20 : vector<10000x128xf32>
    %swap3A_22 = arith.constant 0 : index
    %swap3A_23 = arith.constant 0 : index
    %swap3A_24 = vector.load %arg10[%swap3A_22, %swap3A_23] : memref<10000x128xf32, #tpu.memory_space<vmem>>, vector<10000x128xf32>
    tpu.vector_store %arg10[%swap3A_22, %swap3A_23], %add3A_21 {strides = array<i32>} : memref<10000x128xf32, #tpu.memory_space<vmem>>, vector<10000x128xf32>,
    %get3A_25 = arith.constant 0 : index
    %get3A_26 = arith.constant 0 : index
    %get3A_27 = vector.load %arg5[%get3A_25, %get3A_26] : memref<128x128xf32, #tpu.memory_space<vmem>>, vector<128x128xf32>
    %dot_general3A_28 = arith.constant dense<0.000000e+00> : vector<10000x128xf32>
    %dot_general3A_29 = tpu.matmul %get3A_1, %get3A_27, %dot_general3A_28 {dimension_numbers = #tpu.dot_dimension_numbers<[1], [0], [0], [1], [0, 0, 1, 1], [], []>, transpose_lhs_hint = false} : vector<10000x128xf32>, vector<128x128xf32>, vector<10000x128xf32> -> vector<10000x128xf32>
    %get3A_30 = arith.constant 0 : index
    %get3A_31 = arith.constant 0 : index
    %get3A_32 = vector.load %arg6[%get3A_30, %get3A_31] : memref<1x128xf32, #tpu.memory_space<vmem>>, vector<1x128xf32>
    %add3A_33 = vector.broadcast %get3A_32 : vector<1x128xf32> to vector<10000x128xf32>
    %add3A_34 = arith.addf %dot_general3A_29, %add3A_33 : vector<10000x128xf32>
    %swap3A_35 = arith.constant 0 : index
    %swap3A_36 = arith.constant 0 : index
    %swap3A_37 = vector.load %arg11[%swap3A_35, %swap3A_36] : memref<10000x128xf32, #tpu.memory_space<vmem>>, vector<10000x128xf32>
    tpu.vector_store %arg11[%swap3A_35, %swap3A_36], %add3A_34 {strides = array<i32>} : memref<10000x128xf32, #tpu.memory_space<vmem>>, vector<10000x128xf32>,
    %get3A_38 = arith.constant 0 : index
    %get3A_39 = arith.constant 0 : index
    %get3A_40 = vector.load %arg3[%get3A_38, %get3A_39] : memref<128x128xf32, #tpu.memory_space<vmem>>, vector<128x128xf32>
    %dot_general3A_41 = arith.constant dense<0.000000e+00> : vector<10000x128xf32>
    %dot_general3A_42 = tpu.matmul %get3A_1, %get3A_40, %dot_general3A_41 {dimension_numbers = #tpu.dot_dimension_numbers<[1], [0], [0], [1], [0, 0, 1, 1], [], []>, transpose_lhs_hint = false} : vector<10000x128xf32>, vector<128x128xf32>, vector<10000x128xf32> -> vector<10000x128xf32>
    %get3A_43 = arith.constant 0 : index
    %get3A_44 = arith.constant 0 : index
    %get3A_45 = vector.load %arg4[%get3A_43, %get3A_44] : memref<1x128xf32, #tpu.memory_space<vmem>>, vector<1x128xf32>
    %add3A_46 = vector.broadcast %get3A_45 : vector<1x128xf32> to vector<10000x128xf32>
    %add3A_47 = arith.addf %dot_general3A_42, %add3A_46 : vector<10000x128xf32>
    %swap3A_48 = arith.constant 0 : index
    %swap3A_49 = arith.constant 0 : index
    %swap3A_50 = vector.load %arg12[%swap3A_48, %swap3A_49] : memref<10000x128xf32, #tpu.memory_space<vmem>>, vector<10000x128xf32>
    tpu.vector_store %arg12[%swap3A_48, %swap3A_49], %add3A_47 {strides = array<i32>} : memref<10000x128xf32, #tpu.memory_space<vmem>>, vector<10000x128xf32>,
    return
  }
}

module attributes {stable_mosaic.version = 14 : i64} {
  func.func @_ce_body(%arg0: i32, %arg1: memref<2000x128xf32, #tpu.memory_space<vmem>>, %arg2: memref<128x128xf32, #tpu.memory_space<vmem>>, %arg3: memref<1x128xf32, #tpu.memory_space<vmem>>, %arg4: memref<2000x128xf32, #tpu.memory_space<vmem>>) attributes {dimension_semantics = [#tpu.dimension_semantics<arbitrary>], iteration_bounds = array<i64: 160>, scalar_prefetch = 0 : i64, scratch_operands = 0 : i64, tpu.core_type = #tpu.core_type<tc>, window_params = [{transform_indices = @transform_0, window_bounds = array<i64: 2000, 128>}, {pipeline_mode = #tpu.pipeline_mode<synchronous>, transform_indices = @transform_1, window_bounds = array<i64: 128, 128>}, {pipeline_mode = #tpu.pipeline_mode<synchronous>, transform_indices = @transform_2, window_bounds = array<i64: 1, 128>}, {transform_indices = @transform_3, window_bounds = array<i64: 2000, 128>}]} {
    %get3A = arith.constant 0 : index
    %get3A_0 = arith.constant 0 : index
    %get3A_1 = vector.load %arg1[%get3A, %get3A_0] : memref<2000x128xf32, #tpu.memory_space<vmem>>, vector<2000x128xf32>
    %get3A_2 = arith.constant 0 : index
    %get3A_3 = arith.constant 0 : index
    %get3A_4 = vector.load %arg2[%get3A_2, %get3A_3] : memref<128x128xf32, #tpu.memory_space<vmem>>, vector<128x128xf32>
    %dot_general3A = arith.constant dense<0.000000e+00> : vector<2000x128xf32>
    %dot_general3A_5 = tpu.matmul %get3A_1, %get3A_4, %dot_general3A {dimension_numbers = #tpu.dot_dimension_numbers<[1], [0], [0], [1], [0, 0, 1, 1], [], []>, transpose_lhs_hint = false} : vector<2000x128xf32>, vector<128x128xf32>, vector<2000x128xf32> -> vector<2000x128xf32>
    %get3A_6 = arith.constant 0 : index
    %get3A_7 = arith.constant 0 : index
    %get3A_8 = vector.load %arg3[%get3A_6, %get3A_7] : memref<1x128xf32, #tpu.memory_space<vmem>>, vector<1x128xf32>
    %add3A = vector.broadcast %get3A_8 : vector<1x128xf32> to vector<2000x128xf32>
    %add3A_9 = arith.addf %dot_general3A_5, %add3A : vector<2000x128xf32>
    %swap3A = arith.constant 0 : index
    %swap3A_10 = arith.constant 0 : index
    %swap3A_11 = vector.load %arg4[%swap3A, %swap3A_10] : memref<2000x128xf32, #tpu.memory_space<vmem>>, vector<2000x128xf32>
    tpu.vector_store %arg4[%swap3A, %swap3A_10], %add3A_9 {strides = array<i32>} : memref<2000x128xf32, #tpu.memory_space<vmem>>, vector<2000x128xf32>,
    return
  }
  func.func @transform_0(%arg0: i32) -> (i32, i32) {
    %c0_i32 = arith.constant 0 : i32
    %c0_i32_0 = arith.constant 0 : i32
    return %arg0, %c0_i32 : i32, i32
  }
  func.func @transform_1(%arg0: i32) -> (i32, i32) {
    %c0_i32 = arith.constant 0 : i32
    %c0_i32_0 = arith.constant 0 : i32
    %c0_i32_1 = arith.constant 0 : i32
    return %c0_i32, %c0_i32_0 : i32, i32
  }
  func.func @transform_2(%arg0: i32) -> (i32, i32) {
    %c0_i32 = arith.constant 0 : i32
    %c0_i32_0 = arith.constant 0 : i32
    %c0_i32_1 = arith.constant 0 : i32
    return %c0_i32, %c0_i32_0 : i32, i32
  }
  func.func @transform_3(%arg0: i32) -> (i32, i32) {
    %c0_i32 = arith.constant 0 : i32
    %c0_i32_0 = arith.constant 0 : i32
    return %arg0, %c0_i32 : i32, i32
  }
}

module attributes {stable_mosaic.version = 14 : i64} {
  func.func @_ebn_body(%arg0: i32, %arg1: memref<2000x128xf32, #tpu.memory_space<vmem>>, %arg2: memref<1x128xf32, #tpu.memory_space<vmem>>, %arg3: memref<1x128xf32, #tpu.memory_space<vmem>>, %arg4: memref<8x128xf32, #tpu.memory_space<vmem>>, %arg5: memref<8x128xf32, #tpu.memory_space<vmem>>) attributes {dimension_semantics = [#tpu.dimension_semantics<arbitrary>], iteration_bounds = array<i64: 160>, scalar_prefetch = 0 : i64, scratch_operands = 1 : i64, tpu.core_type = #tpu.core_type<tc>, window_params = [{transform_indices = @transform_0, window_bounds = array<i64: 2000, 128>}, {pipeline_mode = #tpu.pipeline_mode<synchronous>, transform_indices = @transform_1, window_bounds = array<i64: 1, 128>}, {pipeline_mode = #tpu.pipeline_mode<synchronous>, transform_indices = @transform_2, window_bounds = array<i64: 1, 128>}, {pipeline_mode = #tpu.pipeline_mode<synchronous>, transform_indices = @transform_3, window_bounds = array<i64: 8, 128>}]} {
    %get3A = arith.constant 0 : index
    %get3A_0 = arith.constant 0 : index
    %get3A_1 = vector.load %arg1[%get3A, %get3A_0] : memref<2000x128xf32, #tpu.memory_space<vmem>>, vector<2000x128xf32>
    %reduce_sum3A = arith.constant dense<0.000000e+00> : vector<128xf32>
    %reduce_sum3A_2 = vector.multi_reduction <add>, %get3A_1, %reduce_sum3A [0] : vector<2000x128xf32> to vector<128xf32>
    %broadcast_in_dim3A = vector.shape_cast %reduce_sum3A_2 : vector<128xf32> to vector<1x128xf32>
    %mul3A = arith.mulf %get3A_1, %get3A_1 : vector<2000x128xf32>
    %reduce_sum3A_3 = arith.constant dense<0.000000e+00> : vector<128xf32>
    %reduce_sum3A_4 = vector.multi_reduction <add>, %mul3A, %reduce_sum3A_3 [0] : vector<2000x128xf32> to vector<128xf32>
    %broadcast_in_dim3A_5 = vector.shape_cast %reduce_sum3A_4 : vector<128xf32> to vector<1x128xf32>
    %broadcast_in_dim3A_6 = arith.constant 0.000000e+00 : f32
    %broadcast_in_dim3A_7 = vector.broadcast %broadcast_in_dim3A_6 : f32 to vector<6x128xf32>
    %concatenate3A = tpu.concatenate %broadcast_in_dim3A, %broadcast_in_dim3A_5, %broadcast_in_dim3A_7 in 0 : vector<1x128xf32>, vector<1x128xf32>, vector<6x128xf32> -> vector<8x128xf32>
    %eq3A = arith.constant 0 : i32
    %eq3A_8 = arith.cmpi eq, %arg0, %eq3A : i32
    %convert_element_type3A = arith.extui %eq3A_8 : i1 to i32
    %cond3A = arith.constant 0 : i32
    %cond3A_9 = arith.cmpi ne, %convert_element_type3A, %cond3A : i32
    scf.if %cond3A_9 {
      %swap3A = arith.constant 0 : index
      %swap3A_19 = arith.constant 0 : index
      %swap3A_20 = vector.load %arg5[%swap3A, %swap3A_19] : memref<8x128xf32, #tpu.memory_space<vmem>>, vector<8x128xf32>
      tpu.vector_store %arg5[%swap3A, %swap3A_19], %concatenate3A {strides = array<i32>} : memref<8x128xf32, #tpu.memory_space<vmem>>, vector<8x128xf32>,
    } else {
    }
    %gt3A = arith.constant 0 : i32
    %gt3A_10 = arith.cmpi sgt, %arg0, %gt3A : i32
    %convert_element_type3A_11 = arith.extui %gt3A_10 : i1 to i32
    %cond3A_12 = arith.constant 0 : i32
    %cond3A_13 = arith.cmpi ne, %convert_element_type3A_11, %cond3A_12 : i32
    scf.if %cond3A_13 {
      %get3A_19 = arith.constant 0 : index
      %get3A_20 = arith.constant 0 : index
      %get3A_21 = vector.load %arg5[%get3A_19, %get3A_20] : memref<8x128xf32, #tpu.memory_space<vmem>>, vector<8x128xf32>
      %add3A = arith.addf %get3A_21, %concatenate3A : vector<8x128xf32>
      %swap3A = arith.constant 0 : index
      %swap3A_22 = arith.constant 0 : index
      %swap3A_23 = vector.load %arg5[%swap3A, %swap3A_22] : memref<8x128xf32, #tpu.memory_space<vmem>>, vector<8x128xf32>
      tpu.vector_store %arg5[%swap3A, %swap3A_22], %add3A {strides = array<i32>} : memref<8x128xf32, #tpu.memory_space<vmem>>, vector<8x128xf32>,
    } else {
    }
    %eq3A_14 = arith.constant 159 : i32
    %eq3A_15 = arith.cmpi eq, %arg0, %eq3A_14 : i32
    %convert_element_type3A_16 = arith.extui %eq3A_15 : i1 to i32
    %cond3A_17 = arith.constant 0 : i32
    %cond3A_18 = arith.cmpi ne, %convert_element_type3A_16, %cond3A_17 : i32
    scf.if %cond3A_18 {
      %get3A_19 = arith.constant 0 : index
      %get3A_20 = arith.constant 0 : index
      %get3A_21 = vector.load %arg5[%get3A_19, %get3A_20] : memref<8x128xf32, #tpu.memory_space<vmem>>, vector<1x128xf32>
      %mul3A_22 = arith.constant 3.125000e-06 : f32
      %mul3A_23 = vector.broadcast %mul3A_22 : f32 to vector<1x128xf32>
      %mul3A_24 = arith.mulf %get3A_21, %mul3A_23 : vector<1x128xf32>
      %get3A_25 = arith.constant 1 : index
      %get3A_26 = arith.constant 0 : index
      %get3A_27 = vector.load %arg5[%get3A_25, %get3A_26] : memref<8x128xf32, #tpu.memory_space<vmem>>, vector<1x128xf32>
      %mul3A_28 = arith.constant 3.125000e-06 : f32
      %mul3A_29 = vector.broadcast %mul3A_28 : f32 to vector<1x128xf32>
      %mul3A_30 = arith.mulf %get3A_27, %mul3A_29 : vector<1x128xf32>
      %mul3A_31 = arith.mulf %mul3A_24, %mul3A_24 : vector<1x128xf32>
      %sub3A = arith.subf %mul3A_30, %mul3A_31 : vector<1x128xf32>
      %get3A_32 = arith.constant 0 : index
      %get3A_33 = arith.constant 0 : index
      %get3A_34 = vector.load %arg2[%get3A_32, %get3A_33] : memref<1x128xf32, #tpu.memory_space<vmem>>, vector<1x128xf32>
      %add3A = arith.constant 9.99999974E-6 : f32
      %add3A_35 = vector.broadcast %add3A : f32 to vector<1x128xf32>
      %add3A_36 = arith.addf %sub3A, %add3A_35 : vector<1x128xf32>
      %rsqrt3A = math.rsqrt %add3A_36 : vector<1x128xf32>
      %mul3A_37 = arith.mulf %get3A_34, %rsqrt3A : vector<1x128xf32>
      %get3A_38 = arith.constant 0 : index
      %get3A_39 = arith.constant 0 : index
      %get3A_40 = vector.load %arg3[%get3A_38, %get3A_39] : memref<1x128xf32, #tpu.memory_space<vmem>>, vector<1x128xf32>
      %mul3A_41 = arith.mulf %mul3A_24, %mul3A_37 : vector<1x128xf32>
      %sub3A_42 = arith.subf %get3A_40, %mul3A_41 : vector<1x128xf32>
      %broadcast_in_dim3A_43 = arith.constant 0.000000e+00 : f32
      %broadcast_in_dim3A_44 = vector.broadcast %broadcast_in_dim3A_43 : f32 to vector<6x128xf32>
      %concatenate3A_45 = tpu.concatenate %mul3A_37, %sub3A_42, %broadcast_in_dim3A_44 in 0 : vector<1x128xf32>, vector<1x128xf32>, vector<6x128xf32> -> vector<8x128xf32>
      %swap3A = arith.constant 0 : index
      %swap3A_46 = arith.constant 0 : index
      %swap3A_47 = vector.load %arg4[%swap3A, %swap3A_46] : memref<8x128xf32, #tpu.memory_space<vmem>>, vector<8x128xf32>
      tpu.vector_store %arg4[%swap3A, %swap3A_46], %concatenate3A_45 {strides = array<i32>} : memref<8x128xf32, #tpu.memory_space<vmem>>, vector<8x128xf32>,
    } else {
    }
    return
  }
  func.func @transform_0(%arg0: i32) -> (i32, i32) {
    %c0_i32 = arith.constant 0 : i32
    %c0_i32_0 = arith.constant 0 : i32
    return %arg0, %c0_i32 : i32, i32
  }
  func.func @transform_1(%arg0: i32) -> (i32, i32) {
    %c0_i32 = arith.constant 0 : i32
    %c0_i32_0 = arith.constant 0 : i32
    %c0_i32_1 = arith.constant 0 : i32
    return %c0_i32, %c0_i32_0 : i32, i32
  }
  func.func @transform_2(%arg0: i32) -> (i32, i32) {
    %c0_i32 = arith.constant 0 : i32
    %c0_i32_0 = arith.constant 0 : i32
    %c0_i32_1 = arith.constant 0 : i32
    return %c0_i32, %c0_i32_0 : i32, i32
  }
  func.func @transform_3(%arg0: i32) -> (i32, i32) {
    %c0_i32 = arith.constant 0 : i32
    %c0_i32_0 = arith.constant 0 : i32
    %c0_i32_1 = arith.constant 0 : i32
    return %c0_i32, %c0_i32_0 : i32, i32
  }
}

module attributes {stable_mosaic.version = 14 : i64} {
  func.func @_epath_body(%arg0: i32, %arg1: memref<2000x128xf32, #tpu.memory_space<vmem>>, %arg2: memref<2000x128xf32, #tpu.memory_space<vmem>>, %arg3: memref<8x128xf32, #tpu.memory_space<vmem>>, %arg4: memref<2000x128xf32, #tpu.memory_space<vmem>>) attributes {dimension_semantics = [#tpu.dimension_semantics<arbitrary>], iteration_bounds = array<i64: 160>, scalar_prefetch = 0 : i64, scratch_operands = 0 : i64, tpu.core_type = #tpu.core_type<tc>, window_params = [{transform_indices = @transform_0, window_bounds = array<i64: 2000, 128>}, {transform_indices = @transform_1, window_bounds = array<i64: 2000, 128>}, {pipeline_mode = #tpu.pipeline_mode<synchronous>, transform_indices = @transform_2, window_bounds = array<i64: 8, 128>}, {transform_indices = @transform_3, window_bounds = array<i64: 2000, 128>}]} {
    %get3A = arith.constant 0 : index
    %get3A_0 = arith.constant 0 : index
    %get3A_1 = vector.load %arg3[%get3A, %get3A_0] : memref<8x128xf32, #tpu.memory_space<vmem>>, vector<1x128xf32>
    %get3A_2 = arith.constant 1 : index
    %get3A_3 = arith.constant 0 : index
    %get3A_4 = vector.load %arg3[%get3A_2, %get3A_3] : memref<8x128xf32, #tpu.memory_space<vmem>>, vector<1x128xf32>
    %get3A_5 = arith.constant 0 : index
    %get3A_6 = arith.constant 0 : index
    %get3A_7 = vector.load %arg2[%get3A_5, %get3A_6] : memref<2000x128xf32, #tpu.memory_space<vmem>>, vector<2000x128xf32>
    %mul3A = vector.broadcast %get3A_1 : vector<1x128xf32> to vector<2000x128xf32>
    %mul3A_8 = arith.mulf %get3A_7, %mul3A : vector<2000x128xf32>
    %add3A = vector.broadcast %get3A_4 : vector<1x128xf32> to vector<2000x128xf32>
    %add3A_9 = arith.addf %mul3A_8, %add3A : vector<2000x128xf32>
    %max3A = arith.constant 0.000000e+00 : f32
    %max3A_10 = vector.broadcast %max3A : f32 to vector<2000x128xf32>
    %max3A_11 = arith.maximumf %add3A_9, %max3A_10 : vector<2000x128xf32>
    %get3A_12 = arith.constant 0 : index
    %get3A_13 = arith.constant 0 : index
    %get3A_14 = vector.load %arg1[%get3A_12, %get3A_13] : memref<2000x128xf32, #tpu.memory_space<vmem>>, vector<2000x128xf32>
    %add3A_15 = arith.addf %get3A_14, %max3A_11 : vector<2000x128xf32>
    %swap3A = arith.constant 0 : index
    %swap3A_16 = arith.constant 0 : index
    %swap3A_17 = vector.load %arg4[%swap3A, %swap3A_16] : memref<2000x128xf32, #tpu.memory_space<vmem>>, vector<2000x128xf32>
    tpu.vector_store %arg4[%swap3A, %swap3A_16], %add3A_15 {strides = array<i32>} : memref<2000x128xf32, #tpu.memory_space<vmem>>, vector<2000x128xf32>,
    return
  }
  func.func @transform_0(%arg0: i32) -> (i32, i32) {
    %c0_i32 = arith.constant 0 : i32
    %c0_i32_0 = arith.constant 0 : i32
    return %arg0, %c0_i32 : i32, i32
  }
  func.func @transform_1(%arg0: i32) -> (i32, i32) {
    %c0_i32 = arith.constant 0 : i32
    %c0_i32_0 = arith.constant 0 : i32
    return %arg0, %c0_i32 : i32, i32
  }
  func.func @transform_2(%arg0: i32) -> (i32, i32) {
    %c0_i32 = arith.constant 0 : i32
    %c0_i32_0 = arith.constant 0 : i32
    %c0_i32_1 = arith.constant 0 : i32
    return %c0_i32, %c0_i32_0 : i32, i32
  }
  func.func @transform_3(%arg0: i32) -> (i32, i32) {
    %c0_i32 = arith.constant 0 : i32
    %c0_i32_0 = arith.constant 0 : i32
    return %arg0, %c0_i32 : i32, i32
  }
}

module attributes {stable_mosaic.version = 14 : i64} {
  func.func @_hpath_body(%arg0: memref<10000x128xf32, #tpu.memory_space<vmem>>, %arg1: memref<10000x128xf32, #tpu.memory_space<vmem>>, %arg2: memref<20480x128xf32, #tpu.memory_space<vmem>>, %arg3: memref<20480x128xf32, #tpu.memory_space<vmem>>, %arg4: memref<1x128xf32, #tpu.memory_space<vmem>>, %arg5: memref<1x128xf32, #tpu.memory_space<vmem>>, %arg6: memref<10000x128xf32, #tpu.memory_space<vmem>>) attributes {dimension_semantics = [], scalar_prefetch = 0 : i64, scratch_operands = 0 : i64, tpu.core_type = #tpu.core_type<tc>} {
    %get3A = arith.constant 0 : index
    %get3A_0 = arith.constant 0 : index
    %get3A_1 = vector.load %arg2[%get3A, %get3A_0] : memref<20480x128xf32, #tpu.memory_space<vmem>>, vector<10000x128xf32>
    %get3A_2 = arith.constant 10240 : index
    %get3A_3 = arith.constant 0 : index
    %get3A_4 = vector.load %arg2[%get3A_2, %get3A_3] : memref<20480x128xf32, #tpu.memory_space<vmem>>, vector<10000x128xf32>
    %add3A = arith.addf %get3A_1, %get3A_4 : vector<10000x128xf32>
    %get3A_5 = arith.constant 0 : index
    %get3A_6 = arith.constant 0 : index
    %get3A_7 = vector.load %arg3[%get3A_5, %get3A_6] : memref<20480x128xf32, #tpu.memory_space<vmem>>, vector<10000x128xf32>
    %get3A_8 = arith.constant 10240 : index
    %get3A_9 = arith.constant 0 : index
    %get3A_10 = vector.load %arg3[%get3A_8, %get3A_9] : memref<20480x128xf32, #tpu.memory_space<vmem>>, vector<10000x128xf32>
    %add3A_11 = arith.addf %get3A_7, %get3A_10 : vector<10000x128xf32>
    %get3A_12 = arith.constant 0 : index
    %get3A_13 = arith.constant 0 : index
    %get3A_14 = vector.load %arg1[%get3A_12, %get3A_13] : memref<10000x128xf32, #tpu.memory_space<vmem>>, vector<10000x128xf32>
    %add3A_15 = arith.constant 9.99999997E-7 : f32
    %add3A_16 = vector.broadcast %add3A_15 : f32 to vector<10000x128xf32>
    %add3A_17 = arith.addf %add3A_11, %add3A_16 : vector<10000x128xf32>
    %div3A = arith.divf %add3A, %add3A_17 : vector<10000x128xf32>
    %add3A_18 = arith.addf %get3A_14, %div3A : vector<10000x128xf32>
    %reduce_sum3A = arith.constant dense<0.000000e+00> : vector<128xf32>
    %reduce_sum3A_19 = vector.multi_reduction <add>, %add3A_18, %reduce_sum3A [0] : vector<10000x128xf32> to vector<128xf32>
    %broadcast_in_dim3A = vector.shape_cast %reduce_sum3A_19 : vector<128xf32> to vector<1x128xf32>
    %div3A_20 = arith.constant 1.000000e+04 : f32
    %div3A_21 = vector.broadcast %div3A_20 : f32 to vector<1x128xf32>
    %div3A_22 = arith.divf %broadcast_in_dim3A, %div3A_21 : vector<1x128xf32>
    %mul3A = arith.mulf %add3A_18, %add3A_18 : vector<10000x128xf32>
    %reduce_sum3A_23 = arith.constant dense<0.000000e+00> : vector<128xf32>
    %reduce_sum3A_24 = vector.multi_reduction <add>, %mul3A, %reduce_sum3A_23 [0] : vector<10000x128xf32> to vector<128xf32>
    %broadcast_in_dim3A_25 = vector.shape_cast %reduce_sum3A_24 : vector<128xf32> to vector<1x128xf32>
    %div3A_26 = arith.constant 1.000000e+04 : f32
    %div3A_27 = vector.broadcast %div3A_26 : f32 to vector<1x128xf32>
    %div3A_28 = arith.divf %broadcast_in_dim3A_25, %div3A_27 : vector<1x128xf32>
    %mul3A_29 = arith.mulf %div3A_22, %div3A_22 : vector<1x128xf32>
    %sub3A = arith.subf %div3A_28, %mul3A_29 : vector<1x128xf32>
    %sub3A_30 = vector.broadcast %div3A_22 : vector<1x128xf32> to vector<10000x128xf32>
    %sub3A_31 = arith.subf %add3A_18, %sub3A_30 : vector<10000x128xf32>
    %add3A_32 = arith.constant 9.99999974E-6 : f32
    %add3A_33 = vector.broadcast %add3A_32 : f32 to vector<1x128xf32>
    %add3A_34 = arith.addf %sub3A, %add3A_33 : vector<1x128xf32>
    %rsqrt3A = math.rsqrt %add3A_34 : vector<1x128xf32>
    %mul3A_35 = vector.broadcast %rsqrt3A : vector<1x128xf32> to vector<10000x128xf32>
    %mul3A_36 = arith.mulf %sub3A_31, %mul3A_35 : vector<10000x128xf32>
    %get3A_37 = arith.constant 0 : index
    %get3A_38 = arith.constant 0 : index
    %get3A_39 = vector.load %arg4[%get3A_37, %get3A_38] : memref<1x128xf32, #tpu.memory_space<vmem>>, vector<1x128xf32>
    %mul3A_40 = vector.broadcast %get3A_39 : vector<1x128xf32> to vector<10000x128xf32>
    %mul3A_41 = arith.mulf %mul3A_36, %mul3A_40 : vector<10000x128xf32>
    %get3A_42 = arith.constant 0 : index
    %get3A_43 = arith.constant 0 : index
    %get3A_44 = vector.load %arg5[%get3A_42, %get3A_43] : memref<1x128xf32, #tpu.memory_space<vmem>>, vector<1x128xf32>
    %add3A_45 = vector.broadcast %get3A_44 : vector<1x128xf32> to vector<10000x128xf32>
    %add3A_46 = arith.addf %mul3A_41, %add3A_45 : vector<10000x128xf32>
    %get3A_47 = arith.constant 0 : index
    %get3A_48 = arith.constant 0 : index
    %get3A_49 = vector.load %arg0[%get3A_47, %get3A_48] : memref<10000x128xf32, #tpu.memory_space<vmem>>, vector<10000x128xf32>
    %max3A = arith.constant 0.000000e+00 : f32
    %max3A_50 = vector.broadcast %max3A : f32 to vector<10000x128xf32>
    %max3A_51 = arith.maximumf %add3A_46, %max3A_50 : vector<10000x128xf32>
    %add3A_52 = arith.addf %get3A_49, %max3A_51 : vector<10000x128xf32>
    %swap3A = arith.constant 0 : index
    %swap3A_53 = arith.constant 0 : index
    %swap3A_54 = vector.load %arg6[%swap3A, %swap3A_53] : memref<10000x128xf32, #tpu.memory_space<vmem>>, vector<10000x128xf32>
    tpu.vector_store %arg6[%swap3A, %swap3A_53], %add3A_52 {strides = array<i32>} : memref<10000x128xf32, #tpu.memory_space<vmem>>, vector<10000x128xf32>,
    return
  }
}

</mosaic_0001>

<sc_bundles>
// kernel: kernel.12.cloned.1.call-start
scs
__scs_entry_jumppad:
0x0: {  	(pc) =	sbr.rel $0x88, $3  }
0x1: {  	(tag) =	ssettag $0x0;
	lr =	simm.s32 $0x1  }
0x2: {  	[smem:$0x3F90] =	sst lr;
	_ =	strace $0xD0000000  }
0x3: {  	_ = 	snop  }
0x4: {  	_ = 	snop  }
0x5: {  	_ = 	snop  }
0x6: {  	_ = 	snop  }
0x7: {  	_ = 	snop  }
__scs_overlays_trampoline_lowered:
0x8: {  	[smem:$0x3F9F] =	sst s0  }
0x9: {  	[smem:$0x3FA0] =	sst s1  }
0xa: {  	[smem:$0x3FA1] =	sst s2  }
0xb: {  	[smem:$0x3FA2] =	sst s3  }
0xc: {  	[smem:$0x3FA3] =	sst s4  }
0xd: {  	[smem:$0x3FA4] =	sst s5  }
0xe: {  	[smem:$0x3FA5] =	sst s6  }
0xf: {  	[smem:$0x3FA6] =	sst s7  }
0x10: {  	[smem:$0x3FA7] =	sst s8  }
0x11: {  	[smem:$0x3FA8] =	sst s9;
	s0 =	simm.s32 @!p0 $0x0  }
0x12: {  	s1 =	sld [smem:$0x3F8E];
	s0 =	simm.s32 @p0 $0x1  }
0x13: {  	[smem:$0x3FA9] =	sst s0;
	s0 =	simm.s32 @!p1 $0x0  }
0x14: {  	s2 =	sld [smem:$0x3F8D];
	s0 =	simm.s32 @p1 $0x1  }
0x15: {  	[smem:$0x3FAA] =	sst s0;
	s0 =	simm.s32 @!p2 $0x0  }
0x16: {  	s3 =	sld [smem:$0x3FDB];
	s0 =	simm.s32 @p2 $0x1  }
0x17: {  	s4 =	simm.s32 $0x1BF5;
	[smem:$0x3FAC] =	sst s0  }
0x18: {  	s0 =	sld [smem:$0x3F8F];
	_ =	swait.ge [sflag:s4], $0x0  }
0x19: {  	s7 =	sld [smem:$0x3F90]  }
0x1a: {  	s8 =	sadd.s32 $0xFFFFE003, lr  }
0x1b: {  	s9 =	sadd.s32 $0xFFFFFEF7, lr;
	s5 =	simm.s32 $0xFFFFFFFF;
	p2 =	slt.u32 s8, $0xFFFFF086  }
0x1c: {  	p1 =	slt.u32 s9, $0xF7A;
	s5 =	simm.s32 @!p2 $0x0  }
0x1d: {  	s5 =	simm.s32 @p1 $0x1;
	p0 =	seq.s32 s7, s2  }
0x1e: {  	s7 =	smul.u32 @!p0 $0xF7A, s2;
	p2 =	seq.s32 @!p0 s5, $0x0  }
0x1f: {  	s9 =	smul.u32 $0xF7A, s1;
	s8 =	simm.s32 @!p0 $0x1BF5;
	p2 =	por !p2, p0  }
0x20: {  	[sflag:s8] =	ssyncset.s32 @!p0 $0xFFFFF086;
	s6 =	sadd.s32 @!p0 s3, s7;
	s7 =	simm.s32 @!p0 $0x108  }
0x21: {  	s3 =	sadd.s32 s3, s9;
	s6 =	sadd.s32 @!p0 $0x88, s6;
	s7 =	simm.s32 @p2 $0x1082  }
0x22: {  	[simem:s7], [sflag:s8] =	dma.local @!p0 [hbm:s6], $0xF7A  }
0x23: {  	s9 =	sor.u32 $0xD0000000, s2;
	s6 =	simm.s32 $0x108;
	_ =	swait.ge @!p0 [sflag:s8], $0x0  }
0x24: {  	s3 =	sadd.s32 $0x88, s3;
	s6 =	simm.s32 @!p1 $0x1082;
	[sflag:s4] =	ssyncset.s32 $0xFFFFF086  }
0x25: {  	[simem:s6], [sflag:s4] =	dma.local [hbm:s3], $0xF7A  }
0x26: {  	[smem:$0x3F90] =	sst s1;
	(tag) =	ssettag s2;
	_ =	strace s9  }
0x27: {  	s1 =	sld [smem:$0x3FA0]  }
0x28: {  	s2 =	sld [smem:$0x3FA1]  }
0x29: {  	s4 =	sld [smem:$0x3FA3]  }
0x2a: {  	p0 =	seq.s32 s5, $0x0;
	s5 =	sld [smem:$0x3FA4]  }
0x2b: {  	s6 =	sld [smem:$0x3FA5]  }
0x2c: {  	s7 =	sld [smem:$0x3FA6]  }
0x2d: {  	s3 =	simm.s32 $0x108;
	s8 =	sld [smem:$0x3FA7]  }
0x2e: {  	s3 =	simm.s32 @!p0 $0x1082;
	s9 =	sld [smem:$0x3FA8]  }
0x2f: {  	lr =	sadd.s32 s0, s3;
	s0 =	sld [smem:$0x3F9F]  }
0x30: {  	s3 =	sld [smem:$0x3FA2]  }
0x31: {  	[smem:$0x3FAB] =	sst s10  }
0x32: {  	s10 =	sld [smem:$0x3FA9];
	_ =	sdelay $0x3  }
0x33: {  	p0 =	seq.s32 s10, $0x1;
	s10 =	sld [smem:$0x3FAB];
	_ =	sdelay $0x3  }
0x34: {  	[smem:$0x3FAB] =	sst s10  }
0x35: {  	s10 =	sld [smem:$0x3FAA];
	_ =	sdelay $0x3  }
0x36: {  	p1 =	seq.s32 s10, $0x1;
	s10 =	sld [smem:$0x3FAB];
	_ =	sdelay $0x3  }
0x37: {  	[smem:$0x3FAB] =	sst s10  }
0x38: {  	s10 =	sld [smem:$0x3FAC]  }
0x39: {  	_ = 	snop;
	(pc) =	sbr.ind lr, $3  }
0x3a: {  	_ = 	snop  }
0x3b: {  	_ = 	snop  }
0x3c: {  	p2 =	seq.s32 s10, $0x1;
	s10 =	sld [smem:$0x3FAB]  }
0x3d: {  	_ =	shalt  }
0x3e: {  	_ =	shalt  }
0x3f: {  	_ =	shalt  }
0x40: {  	_ =	shalt  }
0x41: {  	_ =	shalt  }
0x42: {  	_ =	shalt  }
0x43: {  	_ =	shalt  }
0x44: {  	_ =	shalt  }
0x45: {  	_ =	shalt  }
0x46: {  	_ =	shalt  }
0x47: {  	_ =	shalt  }
0x48: {  	_ =	shalt  }
0x49: {  	_ =	shalt  }
0x4a: {  	_ =	shalt  }
0x4b: {  	_ =	shalt  }
0x4c: {  	_ =	shalt  }
0x4d: {  	_ =	shalt  }
0x4e: {  	_ =	shalt  }
0x4f: {  	_ =	shalt  }
0x50: {  	_ =	shalt  }
0x51: {  	_ =	shalt  }
0x52: {  	_ =	shalt  }
0x53: {  	_ =	shalt  }
0x54: {  	_ =	shalt  }
0x55: {  	_ =	shalt  }
0x56: {  	_ =	shalt  }
0x57: {  	_ =	shalt  }
0x58: {  	_ =	shalt  }
0x59: {  	_ =	shalt  }
0x5a: {  	_ =	shalt  }
0x5b: {  	_ =	shalt  }
0x5c: {  	_ =	shalt  }
0x5d: {  	_ =	shalt  }
0x5e: {  	_ =	shalt  }
0x5f: {  	_ =	shalt  }
0x60: {  	_ =	shalt  }
0x61: {  	_ =	shalt  }
0x62: {  	_ =	shalt  }
0x63: {  	_ =	shalt  }
0x64: {  	_ =	shalt  }
0x65: {  	_ =	shalt  }
0x66: {  	_ =	shalt  }
0x67: {  	_ =	shalt  }
0x68: {  	_ =	shalt  }
0x69: {  	_ =	shalt  }
0x6a: {  	_ =	shalt  }
0x6b: {  	_ =	shalt  }
0x6c: {  	_ =	shalt  }
0x6d: {  	_ =	shalt  }
0x6e: {  	_ =	shalt  }
0x6f: {  	_ =	shalt  }
0x70: {  	_ =	shalt  }
0x71: {  	_ =	shalt  }
0x72: {  	_ =	shalt  }
0x73: {  	_ =	shalt  }
0x74: {  	_ =	shalt  }
0x75: {  	_ =	shalt  }
0x76: {  	_ =	shalt  }
0x77: {  	_ =	shalt  }
0x78: {  	_ =	shalt  }
0x79: {  	_ =	shalt  }
0x7a: {  	_ =	shalt  }
0x7b: {  	_ =	shalt  }
0x7c: {  	_ =	shalt  }
0x7d: {  	_ =	shalt  }
0x7e: {  	_ =	shalt  }
0x7f: {  	_ =	shalt  }
0x80: {  	_ =	shalt  }
0x81: {  	_ =	shalt  }
0x82: {  	_ =	shalt  }
0x83: {  	_ =	shalt  }
0x84: {  	_ =	shalt  }
0x85: {  	_ =	shalt  }
0x86: {  	_ =	shalt  }
0x87: {  	_ =	shalt  }
.Lfunc_end0:
.L_simem_size_0:
called_computation.1_lowered:
.L_overlay_start_0:
0x88: {  	s2 =	sld [smem:$0x3FD9]  }
0x89: {  	s3 =	sld [smem:$0x3FFE];
	_ =	sdelay $0x1  }
0x8a: {  	s1 =	srdreg.scid  }
0x8b: {  	s0 =	sand.u32 $0x1, s1  }
0x8c: {  	s16 =	sshll.u32 s0, $0xA;
	s2 =	sadd.s32 s3, s2  }
0x8d: {  	s2 =	sadd.s32 s2, s16  }
0x8e: {  	[smem:$0x3FB7] =	sst s2  }
0x8f: {  	_ = 	snop  }
0x90: {  	(tm) =	ssettm $0x1  }
0x91: {  	s17 =	sld [smem:$0x3FFB];
	_ =	sdelay $0x3  }
0x92: {  	_ =	strace s17  }
0x93: {  	s2 =	sld [smem:$0x3FFC];
	_ =	sdelay $0x3  }
0x94: {  	_ =	strace s2  }
0x95: {  	s2 =	sld [smem:$0x3FFD];
	_ =	sdelay $0x3  }
0x96: {  	_ =	strace s2  }
0x97: {  	_ =	strace $0x8FFFFFFF  }
0x98: {  	s18 =	sld [smem:$0x3FDB];
	_ =	sdelay $0x1  }
0x99: {  	s19 =	simm.s32 $_scs_section_size  }
0x9a: {  	s4 =	simm.s32 $_size__tile_overlayer_lowered;
	s5 =	simm.s32 $_tile_overlayer_lowered  }
0x9b: {  	s22 =	simm.s32 $0x1BFF;
	s21 =	sshll.u32 s5, $0x1;
	s2 =	sadd.s32 s19, s18  }
0x9c: {  	s6 =	simm.s32 $0x0;
	s20 =	sshll.u32 s4, $0x1;
	s4 =	sadd.s32 s21, s2  }
0x9d: {  	[timem:s6], [sflag:s22] =	dma.local [hbm:s4], s20  }
0x9e: {  	_ =	swait.ge [sflag:s22], s20  }
0x9f: {  	s3 =	ssub.s32 $0x0, s20;
	[sflag:s22] =	ssyncset.done $0x0  }
0xa0: {  	[sflag:s22] =	ssyncadd.s32 s3;
	_ =	sdelay $0x1  }
0xa1: {  	s23 =	simm.s32 $0x1B8B  }
0xa2: {  	_ =	swait.ge [sflag:s23], $0x1  }
0xa3: {  	[sflag:s23] =	ssyncset.done $0x0  }
0xa4: {  	s25 =	simm.s32 $0x1B8E;
	s24 =	sld [smem:$0x3FFE];
	[sflag:s23] =	ssyncadd.s32 $0xFFFFFFFF  }
0xa5: {  	s26 =	simm.s32 $execute0_lowered;
	[smem:$0x3FD2] =	sst s25  }
0xa6: {  	s4 =	sshll.u32 s26, $0x1;
	_ =	strace $0x80000049;
	[dreg:$0x1] =	wrdreg $0xFFFFFFFF  }
0xa7: {  	s28 =	simm.s32 $_size_execute0_lowered;
	s2 =	sadd.s32 s2, s4;
	[dreg:$0x0] =	wrdreg $0x0  }
0xa8: {  	s4 =	sshll.u32 s28, $0x1;
	[dreg:$0x2] =	wrdreg s2  }
0xa9: {  	[dreg:$0x3] =	wrdreg s4  }
0xaa: {  	[dreg:$0x4] =	wrdreg $0xC0  }
0xab: {  	_ =	task [dreg:s6], $0x5FFFF  }
0xac: {  	[dreg:$0x1] =	wrdreg $0xFFFFFFFF  }
0xad: {  	[dreg:$0x0] =	wrdreg $0x60  }
0xae: {  	[dreg:$0x2] =	wrdreg s24  }
0xaf: {  	[dreg:$0x3] =	wrdreg $0x3C800  }
0xb0: {  	[dreg:$0x4] =	wrdreg $0x9  }
0xb1: {  	_ =	task.clear_ibuf [dreg:s6], $0x5FFFF;
	_ =	strace $0x90000049  }
0xb2: {  	s29 =	simm.s32 $0x9;
	_ =	strace $0x8000004B  }
0xb3: {  	_ =	swait.ge [sflag:s29], $0x1  }
0xb4: {  	[sflag:s29] =	ssyncadd.s32 $0xFFFFFFFF  }
0xb5: {  	_ =	strace $0x9000004B  }
0xb6: {  	_ =	sfence  }
0xb7: {  	s30 =	sld [smem:$0x0];
	_ =	sdelay $0x2  }
0xb8: {  	s31 =	sshll.u32 s1, $0xD;
	s1 =	sshrl.u32 s1, $0x2  }
0xb9: {  	s3 =	sand.u32 $0x4000, s31;
	s1 =	sadd.s32 s1, s30  }
0xba: {  	s0 =	sor.u32 s3, s0;
	s1 =	sshll.u32 s1, $0x11  }
0xbb: {  	s0 =	sor.u32 s1, s0  }
0xbc: {  	s0 =	sadd.s32 $0x8F2B, s0  }
0xbd: {  	[sflag:s0] =	ssyncadd.remote.s32 $0x1  }
0xbe: {  	_ =	sfence.sel $0xFFFF  }
0xbf: {  	[dreg:$0x0] =	wrdreg $0xFFFFFFFF;
	(pc) =	sbr.abs _section_cstart, $3  }
0xc0: {  	[dreg:$0x1] =	wrdreg $0xFFFFFFFF  }
0xc1: {  	_ =	task.clear_ibuf [dreg:s6], $0x2FFFF;
	_ =	strace $0x9FFFFFFF  }
0xc2: {  	(tm) =	ssettm $0x7FFFFFFF  }
0xc3: {  	_ =	shalt  }
tec
execute0_lowered:
.L_overlay_start_1:
0x0: {  	(tag) =	ssettag $0x1  }
0x1: {  	s22 =	stileid.u32  }
0x2: {  	s6 =	smul.u32 $0x2710, s22  }
0x3: {  	s8 =	smul.u32 $0x2800, s22  }
0x4: {  	s0 =	srdreg.scid;
	s9 =	smul.u32 $0x50000, s22  }
0x5: {  	s5 =	rddreg [dreg:$0x0];
	s1 =	sand.u32 $0x1, s0;
	s22 =	smul.u32 $0x27100, s22  }
0x6: {  	s2 =	rddreg [dreg:$0x1];
	s4 =	smul.u32 $0x27100, s1  }
0x7: {  	s3 =	simm.s32 $0x0;
	s28 =	simm.s32 $0x50;
	s7 =	smul.u32 $0x271000, s1  }
0x8: {  	s29 =	simm.s32 $0x0;
	[smem:$0x7FF] =	sst s3;
	s24 =	smul.u32 $0x28000, s1  }
0x9: {  	_ =	strace $0x8000004A;
	s1 =	ssub.s32 $0x2, s1;
	s26 =	sshrl.u32 s9, $0x2  }
0xa: {  	s30 =	sshrl.u32 s1, $0x1;
	s4 =	sadd.s32 s6, s4;
	s20 =	sadd.s32 s7, s5  }
0xb: {  	s25 =	sadd.s32 s8, s24;
	s1 =	ssub.s32 s1, s30;
	s24 =	simm.s32 $0x2880  }
0xc: {  	s4 =	sshrl.u32 s4, $0x3;
	s21 =	sadd.s32 s25, s5;
	s22 =	sadd.s32 s22, s20  }
0xd: {  	s25 =	simm.s32 $0x1;
	s23 =	sadd.s32 s4, s5;
	s4 =	sadd.s32 s26, s2  }
0xe: {  	s20 =	sadd.s32 $0x16C00, s21;
	s21 =	smax.u32 s1, $0x1;
	s22 =	sadd.s32 $0x56E200, s22  }
0xf: {  	s26 =	simm.s32 $0x80;
	s31 =	sadd.s32 $0x1400, s4;
	s6 =	sadd.s32 $0x2800, s4  }
0x10: {  	s7 =	sadd.s32 $0x3C00, s4;
	s8 =	sadd.s32 $0x5000, s4;
	s9 =	sadd.s32 $0x6400, s4  }
0x11: {  	s10 =	sadd.s32 $0x7800, s4;
	s11 =	sadd.s32 $0x8C00, s4;
	s12 =	sadd.s32 $0xA000, s4  }
0x12: {  	s13 =	sadd.s32 $0xB400, s4;
	s14 =	sadd.s32 $0xC800, s4;
	s15 =	sadd.s32 $0xDC00, s4  }
0x13: {  	s16 =	sadd.s32 $0xF000, s4;
	s17 =	sadd.s32 $0x10400, s4;
	s18 =	sadd.s32 $0x11800, s4  }
0x14: {  	v0 =	vimm.f32 $0.0e+00;
	s19 =	sadd.s32 $0x12C00, s4;
	s23 =	sadd.s32 $0xCE00, s23;
	[dreg:$0x3] =	wrdreg s31  }
.LBB2_1:
0x15: {  	s30 =	simm.s32 $0x0;
	s31 =	simm.s32 $0x200  }
.LBB2_2:
0x16: {  	p0 =	sne.s32 s31, $0x4E00;
	[tilespmem:s30+$0x28F0] =	vst v0  }
0x17: {  	[tilespmem:s30+$0x2880] =	vst v0  }
0x18: {  	[tilespmem:s30+$0x2890] =	vst v0  }
.Ltmp0:
0x19: {  	[tilespmem:s30+$0x28A0] =	vst v0;
	(pc) =	sbr.rel @p0 .LBB2_2-.Ltmp0, $4  }
0x1a: {  	[tilespmem:s30+$0x28B0] =	vst v0  }
0x1b: {  	[tilespmem:s30+$0x28C0] =	vst v0  }
0x1c: {  	[tilespmem:s30+$0x28D0] =	vst v0  }
0x1d: {  	[tilespmem:s30+$0x28E0] =	vst v0;
	s30 =	sshra.s32 s31, $0x2;
	s31 =	sadd.s32 $0x200, s31  }
0x1e: {  	[tilespmem:s30+$0x28F0] =	vst v0  }
0x1f: {  	[tilespmem:s30+$0x2880] =	vst v0  }
0x20: {  	[tilespmem:s30+$0x2890] =	vst v0  }
0x21: {  	[tilespmem:s30+$0x28A0] =	vst v0  }
0x22: {  	[tilespmem:s30+$0x28B0] =	vst v0  }
0x23: {  	[tilespmem:s30+$0x28C0] =	vst v0  }
0x24: {  	[tilespmem:s30+$0x28D0] =	vst v0  }
0x25: {  	[tilespmem:s30+$0x28E0] =	vst v0  }
0x26: {  	[spmem:s4] =	stream.linear.scatter [tilespmem:s24], [sflag:$0x1], $0x1400, $0x38;
	[tilespmem:$0x17C80] =	vst v63  }
0x27: {  	_ =	swait.ge [sflag:s25], $0x1400  }
0x28: {  	[sflag:s25] =	ssyncset.done $0x0  }
0x29: {  	s0 =	rddreg [dreg:$0x3];
	[sflag:s25] =	ssyncadd.s32 $0xFFFFEC00  }
0x2a: {  	[spmem:s0] =	stream.linear.scatter [tilespmem:s24], [sflag:$0x1], $0x1400, $0x38;
	[tilespmem:$0x17C80] =	vst v63  }
0x2b: {  	_ =	swait.ge [sflag:s25], $0x1400  }
0x2c: {  	[sflag:s25] =	ssyncset.done $0x0  }
0x2d: {  	[sflag:s25] =	ssyncadd.s32 $0xFFFFEC00  }
0x2e: {  	[spmem:s6] =	stream.linear.scatter [tilespmem:s24], [sflag:$0x1], $0x1400, $0x38;
	[tilespmem:$0x17C80] =	vst v63  }
0x2f: {  	_ =	swait.ge [sflag:s25], $0x1400  }
0x30: {  	[sflag:s25] =	ssyncset.done $0x0  }
0x31: {  	[sflag:s25] =	ssyncadd.s32 $0xFFFFEC00  }
0x32: {  	[spmem:s7] =	stream.linear.scatter [tilespmem:s24], [sflag:$0x1], $0x1400, $0x38;
	[tilespmem:$0x17C80] =	vst v63  }
0x33: {  	_ =	swait.ge [sflag:s25], $0x1400  }
0x34: {  	[sflag:s25] =	ssyncset.done $0x0  }
0x35: {  	[sflag:s25] =	ssyncadd.s32 $0xFFFFEC00  }
0x36: {  	[spmem:s8] =	stream.linear.scatter [tilespmem:s24], [sflag:$0x1], $0x1400, $0x38;
	[tilespmem:$0x17C80] =	vst v63  }
0x37: {  	_ =	swait.ge [sflag:s25], $0x1400  }
0x38: {  	[sflag:s25] =	ssyncset.done $0x0  }
0x39: {  	[sflag:s25] =	ssyncadd.s32 $0xFFFFEC00  }
0x3a: {  	[spmem:s9] =	stream.linear.scatter [tilespmem:s24], [sflag:$0x1], $0x1400, $0x38;
	[tilespmem:$0x17C80] =	vst v63  }
0x3b: {  	_ =	swait.ge [sflag:s25], $0x1400  }
0x3c: {  	[sflag:s25] =	ssyncset.done $0x0  }
0x3d: {  	[sflag:s25] =	ssyncadd.s32 $0xFFFFEC00  }
0x3e: {  	[spmem:s10] =	stream.linear.scatter [tilespmem:s24], [sflag:$0x1], $0x1400, $0x38;
	[tilespmem:$0x17C80] =	vst v63  }
0x3f: {  	_ =	swait.ge [sflag:s25], $0x1400  }
0x40: {  	[sflag:s25] =	ssyncset.done $0x0  }
0x41: {  	[sflag:s25] =	ssyncadd.s32 $0xFFFFEC00  }
0x42: {  	[spmem:s11] =	stream.linear.scatter [tilespmem:s24], [sflag:$0x1], $0x1400, $0x38;
	[tilespmem:$0x17C80] =	vst v63  }
0x43: {  	_ =	swait.ge [sflag:s25], $0x1400  }
0x44: {  	[sflag:s25] =	ssyncset.done $0x0  }
0x45: {  	[sflag:s25] =	ssyncadd.s32 $0xFFFFEC00  }
0x46: {  	[spmem:s12] =	stream.linear.scatter [tilespmem:s24], [sflag:$0x1], $0x1400, $0x38;
	[tilespmem:$0x17C80] =	vst v63  }
0x47: {  	_ =	swait.ge [sflag:s25], $0x1400  }
0x48: {  	[sflag:s25] =	ssyncset.done $0x0  }
0x49: {  	[sflag:s25] =	ssyncadd.s32 $0xFFFFEC00  }
0x4a: {  	[spmem:s13] =	stream.linear.scatter [tilespmem:s24], [sflag:$0x1], $0x1400, $0x38;
	[tilespmem:$0x17C80] =	vst v63  }
0x4b: {  	_ =	swait.ge [sflag:s25], $0x1400  }
0x4c: {  	[sflag:s25] =	ssyncset.done $0x0  }
0x4d: {  	[sflag:s25] =	ssyncadd.s32 $0xFFFFEC00  }
0x4e: {  	[spmem:s14] =	stream.linear.scatter [tilespmem:s24], [sflag:$0x1], $0x1400, $0x38;
	[tilespmem:$0x17C80] =	vst v63  }
0x4f: {  	_ =	swait.ge [sflag:s25], $0x1400  }
0x50: {  	[sflag:s25] =	ssyncset.done $0x0  }
0x51: {  	[sflag:s25] =	ssyncadd.s32 $0xFFFFEC00  }
0x52: {  	[spmem:s15] =	stream.linear.scatter [tilespmem:s24], [sflag:$0x1], $0x1400, $0x38;
	[tilespmem:$0x17C80] =	vst v63  }
0x53: {  	_ =	swait.ge [sflag:s25], $0x1400  }
0x54: {  	[sflag:s25] =	ssyncset.done $0x0  }
0x55: {  	[sflag:s25] =	ssyncadd.s32 $0xFFFFEC00  }
0x56: {  	[spmem:s16] =	stream.linear.scatter [tilespmem:s24], [sflag:$0x1], $0x1400, $0x38;
	[tilespmem:$0x17C80] =	vst v63  }
0x57: {  	_ =	swait.ge [sflag:s25], $0x1400  }
0x58: {  	[sflag:s25] =	ssyncset.done $0x0  }
0x59: {  	[sflag:s25] =	ssyncadd.s32 $0xFFFFEC00  }
0x5a: {  	[spmem:s17] =	stream.linear.scatter [tilespmem:s24], [sflag:$0x1], $0x1400, $0x38;
	[tilespmem:$0x17C80] =	vst v63  }
0x5b: {  	_ =	swait.ge [sflag:s25], $0x1400  }
0x5c: {  	[sflag:s25] =	ssyncset.done $0x0  }
0x5d: {  	[sflag:s25] =	ssyncadd.s32 $0xFFFFEC00  }
0x5e: {  	[spmem:s18] =	stream.linear.scatter [tilespmem:s24], [sflag:$0x1], $0x1400, $0x38;
	[tilespmem:$0x17C80] =	vst v63  }
0x5f: {  	_ =	swait.ge [sflag:s25], $0x1400  }
0x60: {  	[sflag:s25] =	ssyncset.done $0x0  }
0x61: {  	[sflag:s25] =	ssyncadd.s32 $0xFFFFEC00  }
0x62: {  	[spmem:s19] =	stream.linear.scatter [tilespmem:s24], [sflag:$0x1], $0x1400, $0x38;
	[tilespmem:$0x17C80] =	vst v63  }
0x63: {  	_ =	swait.ge [sflag:s25], $0x1400  }
0x64: {  	[sflag:s25] =	ssyncset.done $0x0  }
0x65: {  	[sflag:s25] =	ssyncadd.s32 $0xFFFFEC00  }
0x66: {  	s1 =	sadd.s32 $0x0, s23;
	[bflag:$0x0] =	sbarrier.arrive $0xFFFF  }
0x67: {  	[tilespmem:s3], [sflag:$0x1] =	stream.linear.gather [hbm4b:s1+s3], $0x50, $0x38;
	[tilespmem:$0x17C80] =	vst v63  }
0x68: {  	_ =	swait.ge [sflag:s25], $0x50  }
0x69: {  	[sflag:s25] =	ssyncset.done $0x0  }
0x6a: {  	[sflag:s25] =	ssyncadd.s32 $0xFFFFFFB0  }
0x6b: {  	[tilespmem:s26], [sflag:$0x1] =	stream.linear.gather [hbm4b:s22+s3], $0x2800, $0x38;
	[tilespmem:$0x17C80] =	vst v63  }
0x6c: {  	_ =	swait.ge [sflag:s25], $0x2800  }
0x6d: {  	[sflag:s25] =	ssyncset.done $0x0  }
0x6e: {  	[sflag:s25] =	ssyncadd.s32 $0xFFFFD800  }
0x6f: {  	[spmem:s2] =	stream.indirect.scatter.add.f32 [tilespmem:s26], [sflag:$0x1], $0x80, s3, s28, $0xb8;
	[tilespmem:$0x17C80] =	vst v63  }
0x70: {  	s31 =	simm.s32 $0xA;
	_ =	swait.ge [sflag:s25], $0x2800  }
0x71: {  	s30 =	sadd.s32 $0x500, s22;
	s1 =	simm.s32 $0x14;
	[sflag:s25] =	ssyncset.done $0x0  }
.LBB2_4:
0x72: {  	s0 =	sadd.s32 s31, s23  }
0x73: {  	[sflag:s25] =	ssyncadd.s32 $0xFFFFD800;
	s31 =	smov.u32 s1;
	s5 =	sadd.s32 $0xA, s1  }
0x74: {  	[tilespmem:s3], [sflag:$0x1] =	stream.linear.gather [hbm4b:s0+s3], $0x50, $0x38;
	[tilespmem:$0x17C80] =	vst v63  }
0x75: {  	p0 =	sne.s32 s1, $0x4D8;
	_ =	swait.ge [sflag:s25], $0x50  }
0x76: {  	[sflag:s25] =	ssyncset.done $0x0  }
0x77: {  	[sflag:s25] =	ssyncadd.s32 $0xFFFFFFB0  }
0x78: {  	[tilespmem:s26], [sflag:$0x1] =	stream.linear.gather [hbm4b:s30+s3], $0x2800, $0x38;
	[tilespmem:$0x17C80] =	vst v63  }
0x79: {  	_ =	swait.ge [sflag:s25], $0x2800  }
.Ltmp1:
0x7a: {  	[sflag:s25] =	ssyncset.done $0x0;
	(pc) =	sbr.rel @p0 .LBB2_4-.Ltmp1, $4  }
0x7b: {  	[sflag:s25] =	ssyncadd.s32 $0xFFFFD800  }
0x7c: {  	[spmem:s2] =	stream.indirect.scatter.add.f32 [tilespmem:s26], [sflag:$0x1], $0x80, s3, s28, $0xb8;
	[tilespmem:$0x17C80] =	vst v63  }
0x7d: {  	_ =	swait.ge [sflag:s25], $0x2800  }
0x7e: {  	s1 =	smov.u32 s5;
	s30 =	sadd.s32 $0x500, s30;
	[sflag:s25] =	ssyncset.done $0x0  }
0x7f: {  	s0 =	sadd.s32 s31, s23;
	[sflag:s25] =	ssyncadd.s32 $0xFFFFD800  }
0x80: {  	[tilespmem:s3], [sflag:$0x1] =	stream.linear.gather [hbm4b:s0+s3], $0x50, $0x38;
	[tilespmem:$0x17C80] =	vst v63  }
0x81: {  	_ =	swait.ge [sflag:s25], $0x50  }
0x82: {  	[sflag:s25] =	ssyncset.done $0x0  }
0x83: {  	[sflag:s25] =	ssyncadd.s32 $0xFFFFFFB0  }
0x84: {  	[tilespmem:s26], [sflag:$0x1] =	stream.linear.gather [hbm4b:s30+s3], $0x2800, $0x38;
	[tilespmem:$0x17C80] =	vst v63  }
0x85: {  	_ =	swait.ge [sflag:s25], $0x2800  }
0x86: {  	[sflag:s25] =	ssyncset.done $0x0  }
0x87: {  	[sflag:s25] =	ssyncadd.s32 $0xFFFFD800  }
0x88: {  	[spmem:s2] =	stream.indirect.scatter.add.f32 [tilespmem:s26], [sflag:$0x1], $0x80, s3, s28, $0xb8;
	[tilespmem:$0x17C80] =	vst v63  }
0x89: {  	s31 =	stileid.u32;
	_ =	swait.ge [sflag:s25], $0x2800  }
0x8a: {  	s1 =	sshrl.u32 s4, $0x3;
	s29 =	sadd.s32 $0x1, s29;
	[sflag:s25] =	ssyncset.done $0x0  }
0x8b: {  	s0 =	sshll.u32 s31, $0x6;
	p0 =	sne.s32 s29, s21;
	[sflag:s25] =	ssyncadd.s32 $0xFFFFD800  }
.Ltmp2:
0x8c: {  	s0 =	sor.u32 $0x1C01, s0;
	[bflag:$0x0] =	sbarrier.arrive $0xFFFF;
	(pc) =	sbr.rel @p0 .LBB2_1-.Ltmp2, $4  }
0x8d: {  	[hbm:s20], [sflag:s0] =	dma.local [spmem:s1], $0x2800  }
0x8e: {  	_ =	swait.ge [sflag:s25], $0x2800  }
0x8f: {  	[sflag:s25] =	ssyncset.done $0x0  }
0x90: {  	[sflag:s25] =	ssyncadd.s32 $0xFFFFD800  }
0x91: {  	_ =	sfence.sel $0x180000  }
0x92: {  	[bflag:$0x0] =	sbarrier.arrive $0xFFFF  }
0x93: {  	_ =	strace $0x9000004A  }
0x94: {  	s0 =	stileid.u32;
	[bflag:$0x2] =	sbarrier.arrive $0xFFFF  }
0x95: {  	p0 =	sne.s32 s0, $0x0;
	s0 =	rddreg [dreg:$0x2]  }
0x96: {  	s0 =	sadd.s32 @!p0 $0x100000, s0  }
0x97: {  	[sflag:s0] =	ssyncadd.tile.s32 @!p0 $0x1;
	_ =	shalt  }
.Lfunc_end2:
_tile_overlayer_lowered:
.L_overlay_start_2:
0x98: {  	(tag) =	ssettag $0x2  }
0x99: {  	s0 =	rddreg [dreg:$0x0];
	s2 =	stileid.u32  }
0x9a: {  	s1 =	rddreg [dreg:$0x1];
	p0 =	sne.s32 s2, $0x0  }
0x9b: {  	s3 =	rddreg [dreg:$0x2];
	[bflag:$0x3] =	sbarrier.arrive $0xFFFF;
	s2 =	simm.s32 @!p0 $0x1C01  }
0x9c: {  	[timem:s3], [sflag:s2] =	dma.local @!p0 [hbm:s0], s1  }
0x9d: {  	s0 =	simm.s32 @!p0 $0x1  }
0x9e: {  	_ =	swait.ge @!p0 [sflag:s0], s1  }
0x9f: {  	s1 =	ssub.s32 @!p0 $0x0, s1;
	[sflag:s0] =	ssyncset.done @!p0 $0x0  }
0xa0: {  	[sflag:s0] =	ssyncadd.s32 @!p0 s1  }
0xa1: {  	[bflag:$0x3] =	sbarrier.arrive $0xFFFF  }
0xa2: {  	_ =	shalt  }

// kernel: kernel.9.cloned.1.call-start
scs
__scs_entry_jumppad:
0x0: {  	(pc) =	sbr.rel $0x88, $3  }
0x1: {  	(tag) =	ssettag $0x0;
	lr =	simm.s32 $0x1  }
0x2: {  	[smem:$0x3F90] =	sst lr;
	_ =	strace $0xD0000000  }
0x3: {  	_ = 	snop  }
0x4: {  	_ = 	snop  }
0x5: {  	_ = 	snop  }
0x6: {  	_ = 	snop  }
0x7: {  	_ = 	snop  }
__scs_overlays_trampoline_lowered:
0x8: {  	[smem:$0x3F9F] =	sst s0  }
0x9: {  	[smem:$0x3FA0] =	sst s1  }
0xa: {  	[smem:$0x3FA1] =	sst s2  }
0xb: {  	[smem:$0x3FA2] =	sst s3  }
0xc: {  	[smem:$0x3FA3] =	sst s4  }
0xd: {  	[smem:$0x3FA4] =	sst s5  }
0xe: {  	[smem:$0x3FA5] =	sst s6  }
0xf: {  	[smem:$0x3FA6] =	sst s7  }
0x10: {  	[smem:$0x3FA7] =	sst s8  }
0x11: {  	[smem:$0x3FA8] =	sst s9;
	s0 =	simm.s32 @!p0 $0x0  }
0x12: {  	s1 =	sld [smem:$0x3F8E];
	s0 =	simm.s32 @p0 $0x1  }
0x13: {  	[smem:$0x3FA9] =	sst s0;
	s0 =	simm.s32 @!p1 $0x0  }
0x14: {  	s2 =	sld [smem:$0x3F8D];
	s0 =	simm.s32 @p1 $0x1  }
0x15: {  	[smem:$0x3FAA] =	sst s0;
	s0 =	simm.s32 @!p2 $0x0  }
0x16: {  	s3 =	sld [smem:$0x3FDB];
	s0 =	simm.s32 @p2 $0x1  }
0x17: {  	s4 =	simm.s32 $0x1BF5;
	[smem:$0x3FAC] =	sst s0  }
0x18: {  	s0 =	sld [smem:$0x3F8F];
	_ =	swait.ge [sflag:s4], $0x0  }
0x19: {  	s7 =	sld [smem:$0x3F90]  }
0x1a: {  	s8 =	sadd.s32 $0xFFFFE003, lr  }
0x1b: {  	s9 =	sadd.s32 $0xFFFFFEF7, lr;
	s5 =	simm.s32 $0xFFFFFFFF;
	p2 =	slt.u32 s8, $0xFFFFF086  }
0x1c: {  	p1 =	slt.u32 s9, $0xF7A;
	s5 =	simm.s32 @!p2 $0x0  }
0x1d: {  	s5 =	simm.s32 @p1 $0x1;
	p0 =	seq.s32 s7, s2  }
0x1e: {  	s7 =	smul.u32 @!p0 $0xF7A, s2;
	p2 =	seq.s32 @!p0 s5, $0x0  }
0x1f: {  	s9 =	smul.u32 $0xF7A, s1;
	s8 =	simm.s32 @!p0 $0x1BF5;
	p2 =	por !p2, p0  }
0x20: {  	[sflag:s8] =	ssyncset.s32 @!p0 $0xFFFFF086;
	s6 =	sadd.s32 @!p0 s3, s7;
	s7 =	simm.s32 @!p0 $0x108  }
0x21: {  	s3 =	sadd.s32 s3, s9;
	s6 =	sadd.s32 @!p0 $0x88, s6;
	s7 =	simm.s32 @p2 $0x1082  }
0x22: {  	[simem:s7], [sflag:s8] =	dma.local @!p0 [hbm:s6], $0xF7A  }
0x23: {  	s9 =	sor.u32 $0xD0000000, s2;
	s6 =	simm.s32 $0x108;
	_ =	swait.ge @!p0 [sflag:s8], $0x0  }
0x24: {  	s3 =	sadd.s32 $0x88, s3;
	s6 =	simm.s32 @!p1 $0x1082;
	[sflag:s4] =	ssyncset.s32 $0xFFFFF086  }
0x25: {  	[simem:s6], [sflag:s4] =	dma.local [hbm:s3], $0xF7A  }
0x26: {  	[smem:$0x3F90] =	sst s1;
	(tag) =	ssettag s2;
	_ =	strace s9  }
0x27: {  	s1 =	sld [smem:$0x3FA0]  }
0x28: {  	s2 =	sld [smem:$0x3FA1]  }
0x29: {  	s4 =	sld [smem:$0x3FA3]  }
0x2a: {  	p0 =	seq.s32 s5, $0x0;
	s5 =	sld [smem:$0x3FA4]  }
0x2b: {  	s6 =	sld [smem:$0x3FA5]  }
0x2c: {  	s7 =	sld [smem:$0x3FA6]  }
0x2d: {  	s3 =	simm.s32 $0x108;
	s8 =	sld [smem:$0x3FA7]  }
0x2e: {  	s3 =	simm.s32 @!p0 $0x1082;
	s9 =	sld [smem:$0x3FA8]  }
0x2f: {  	lr =	sadd.s32 s0, s3;
	s0 =	sld [smem:$0x3F9F]  }
0x30: {  	s3 =	sld [smem:$0x3FA2]  }
0x31: {  	[smem:$0x3FAB] =	sst s10  }
0x32: {  	s10 =	sld [smem:$0x3FA9];
	_ =	sdelay $0x3  }
0x33: {  	p0 =	seq.s32 s10, $0x1;
	s10 =	sld [smem:$0x3FAB];
	_ =	sdelay $0x3  }
0x34: {  	[smem:$0x3FAB] =	sst s10  }
0x35: {  	s10 =	sld [smem:$0x3FAA];
	_ =	sdelay $0x3  }
0x36: {  	p1 =	seq.s32 s10, $0x1;
	s10 =	sld [smem:$0x3FAB];
	_ =	sdelay $0x3  }
0x37: {  	[smem:$0x3FAB] =	sst s10  }
0x38: {  	s10 =	sld [smem:$0x3FAC]  }
0x39: {  	_ = 	snop;
	(pc) =	sbr.ind lr, $3  }
0x3a: {  	_ = 	snop  }
0x3b: {  	_ = 	snop  }
0x3c: {  	p2 =	seq.s32 s10, $0x1;
	s10 =	sld [smem:$0x3FAB]  }
0x3d: {  	_ =	shalt  }
0x3e: {  	_ =	shalt  }
0x3f: {  	_ =	shalt  }
0x40: {  	_ =	shalt  }
0x41: {  	_ =	shalt  }
0x42: {  	_ =	shalt  }
0x43: {  	_ =	shalt  }
0x44: {  	_ =	shalt  }
0x45: {  	_ =	shalt  }
0x46: {  	_ =	shalt  }
0x47: {  	_ =	shalt  }
0x48: {  	_ =	shalt  }
0x49: {  	_ =	shalt  }
0x4a: {  	_ =	shalt  }
0x4b: {  	_ =	shalt  }
0x4c: {  	_ =	shalt  }
0x4d: {  	_ =	shalt  }
0x4e: {  	_ =	shalt  }
0x4f: {  	_ =	shalt  }
0x50: {  	_ =	shalt  }
0x51: {  	_ =	shalt  }
0x52: {  	_ =	shalt  }
0x53: {  	_ =	shalt  }
0x54: {  	_ =	shalt  }
0x55: {  	_ =	shalt  }
0x56: {  	_ =	shalt  }
0x57: {  	_ =	shalt  }
0x58: {  	_ =	shalt  }
0x59: {  	_ =	shalt  }
0x5a: {  	_ =	shalt  }
0x5b: {  	_ =	shalt  }
0x5c: {  	_ =	shalt  }
0x5d: {  	_ =	shalt  }
0x5e: {  	_ =	shalt  }
0x5f: {  	_ =	shalt  }
0x60: {  	_ =	shalt  }
0x61: {  	_ =	shalt  }
0x62: {  	_ =	shalt  }
0x63: {  	_ =	shalt  }
0x64: {  	_ =	shalt  }
0x65: {  	_ =	shalt  }
0x66: {  	_ =	shalt  }
0x67: {  	_ =	shalt  }
0x68: {  	_ =	shalt  }
0x69: {  	_ =	shalt  }
0x6a: {  	_ =	shalt  }
0x6b: {  	_ =	shalt  }
0x6c: {  	_ =	shalt  }
0x6d: {  	_ =	shalt  }
0x6e: {  	_ =	shalt  }
0x6f: {  	_ =	shalt  }
0x70: {  	_ =	shalt  }
0x71: {  	_ =	shalt  }
0x72: {  	_ =	shalt  }
0x73: {  	_ =	shalt  }
0x74: {  	_ =	shalt  }
0x75: {  	_ =	shalt  }
0x76: {  	_ =	shalt  }
0x77: {  	_ =	shalt  }
0x78: {  	_ =	shalt  }
0x79: {  	_ =	shalt  }
0x7a: {  	_ =	shalt  }
0x7b: {  	_ =	shalt  }
0x7c: {  	_ =	shalt  }
0x7d: {  	_ =	shalt  }
0x7e: {  	_ =	shalt  }
0x7f: {  	_ =	shalt  }
0x80: {  	_ =	shalt  }
0x81: {  	_ =	shalt  }
0x82: {  	_ =	shalt  }
0x83: {  	_ =	shalt  }
0x84: {  	_ =	shalt  }
0x85: {  	_ =	shalt  }
0x86: {  	_ =	shalt  }
0x87: {  	_ =	shalt  }
.Lfunc_end0:
.L_simem_size_0:
called_computation_lowered:
.L_overlay_start_0:
0x88: {  	s2 =	sld [smem:$0x3FD9]  }
0x89: {  	s3 =	sld [smem:$0x3FFE];
	_ =	sdelay $0x1  }
0x8a: {  	s1 =	srdreg.scid  }
0x8b: {  	s0 =	sand.u32 $0x1, s1  }
0x8c: {  	s14 =	sshll.u32 s0, $0xA;
	s2 =	sadd.s32 s3, s2  }
0x8d: {  	s2 =	sadd.s32 s2, s14  }
0x8e: {  	[smem:$0x3FB7] =	sst s2  }
0x8f: {  	_ = 	snop  }
0x90: {  	s2 =	sld [smem:$0x3FD0];
	_ =	sdelay $0x2  }
0x91: {  	s15 =	simm.s32 $0xA;
	s4 =	simm.s32 $0x10  }
0x92: {  	[smem:s4], [sflag:s15] =	dma.local [hbm:s2], $0x1  }
0x93: {  	_ =	swait.eq [sflag:s15], $0x1  }
0x94: {  	[sflag:s15] =	ssyncset.done $0x0  }
0x95: {  	[sflag:s15] =	ssyncadd.s32 $0xFFFFFFFF  }
0x96: {  	s16 =	sld [smem:$0x11];
	(tm) =	ssettm $0x1  }
0x97: {  	s17 =	sld [smem:$0x3FFB];
	_ =	sdelay $0x3  }
0x98: {  	_ =	strace s17  }
0x99: {  	s3 =	sld [smem:$0x3FFC];
	_ =	sdelay $0x3  }
0x9a: {  	_ =	strace s3  }
0x9b: {  	s3 =	sld [smem:$0x3FFD];
	_ =	sdelay $0x3  }
0x9c: {  	_ =	strace s3  }
0x9d: {  	_ =	strace $0x8FFFFFFF  }
0x9e: {  	s18 =	sld [smem:$0x3FDB];
	_ =	sdelay $0x1  }
0x9f: {  	s19 =	simm.s32 $_scs_section_size  }
0xa0: {  	s5 =	simm.s32 $_size__tile_overlayer_lowered;
	s6 =	simm.s32 $_tile_overlayer_lowered  }
0xa1: {  	s22 =	simm.s32 $0x1BFF;
	s21 =	sshll.u32 s6, $0x1;
	s3 =	sadd.s32 s19, s18  }
0xa2: {  	s7 =	simm.s32 $0x0;
	s20 =	sshll.u32 s5, $0x1;
	s5 =	sadd.s32 s21, s3  }
0xa3: {  	[timem:s7], [sflag:s22] =	dma.local [hbm:s5], s20  }
0xa4: {  	_ =	swait.ge [sflag:s22], s20  }
0xa5: {  	s4 =	ssub.s32 $0x0, s20;
	[sflag:s22] =	ssyncset.done $0x0  }
0xa6: {  	[sflag:s22] =	ssyncadd.s32 s4;
	_ =	sdelay $0x1  }
0xa7: {  	s23 =	simm.s32 $0x1B8B  }
0xa8: {  	_ =	swait.ge [sflag:s23], $0x1  }
0xa9: {  	[sflag:s23] =	ssyncset.done $0x0  }
0xaa: {  	s25 =	simm.s32 $0x1B8E;
	s24 =	sld [smem:$0x3FFE];
	[sflag:s23] =	ssyncadd.s32 $0xFFFFFFFF  }
0xab: {  	s26 =	simm.s32 $execute0_lowered;
	[smem:$0x3FD2] =	sst s25  }
0xac: {  	s5 =	sshll.u32 s26, $0x1;
	_ =	strace $0x80000046;
	[dreg:$0x1] =	wrdreg $0xFFFFFFFF  }
0xad: {  	s28 =	simm.s32 $_size_execute0_lowered;
	s3 =	sadd.s32 s3, s5;
	[dreg:$0x0] =	wrdreg $0x0  }
0xae: {  	s5 =	sshll.u32 s28, $0x1;
	[dreg:$0x2] =	wrdreg s3  }
0xaf: {  	[dreg:$0x3] =	wrdreg s5  }
0xb0: {  	[dreg:$0x4] =	wrdreg $0xC0  }
0xb1: {  	_ =	task [dreg:s7], $0x5FFFF  }
0xb2: {  	[dreg:$0x1] =	wrdreg $0xFFFFFFFF  }
0xb3: {  	[dreg:$0x0] =	wrdreg $0x60  }
0xb4: {  	[dreg:$0x2] =	wrdreg s24  }
0xb5: {  	[dreg:$0x3] =	wrdreg s16  }
0xb6: {  	[dreg:$0x4] =	wrdreg $0xB5000  }
0xb7: {  	[dreg:$0x5] =	wrdreg $0x9  }
0xb8: {  	_ =	task.clear_ibuf [dreg:s7], $0x6FFFF;
	_ =	strace $0x90000046  }
0xb9: {  	s29 =	simm.s32 $0x9;
	_ =	strace $0x80000048  }
0xba: {  	_ =	swait.ge [sflag:s29], $0x1  }
0xbb: {  	[sflag:s29] =	ssyncadd.s32 $0xFFFFFFFF  }
0xbc: {  	_ =	strace $0x90000048  }
0xbd: {  	_ =	sfence  }
0xbe: {  	s30 =	sld [smem:$0x0];
	_ =	sdelay $0x2  }
0xbf: {  	s31 =	sshll.u32 s1, $0xD;
	s1 =	sshrl.u32 s1, $0x2  }
0xc0: {  	s3 =	sand.u32 $0x4000, s31;
	s1 =	sadd.s32 s1, s30  }
0xc1: {  	s0 =	sor.u32 s3, s0;
	s1 =	sshll.u32 s1, $0x11  }
0xc2: {  	s0 =	sor.u32 s1, s0  }
0xc3: {  	s0 =	sadd.s32 $0x8F2B, s0  }
0xc4: {  	[sflag:s0] =	ssyncadd.remote.s32 $0x1  }
0xc5: {  	_ =	sfence.sel $0xFFFF  }
0xc6: {  	[dreg:$0x0] =	wrdreg $0xFFFFFFFF;
	(pc) =	sbr.abs _section_cstart, $3  }
0xc7: {  	[dreg:$0x1] =	wrdreg $0xFFFFFFFF  }
0xc8: {  	_ =	task.clear_ibuf [dreg:s7], $0x2FFFF;
	_ =	strace $0x9FFFFFFF  }
0xc9: {  	(tm) =	ssettm $0x7FFFFFFF  }
tec
execute0_lowered:
.L_overlay_start_1:
0x0: {  	(tag) =	ssettag $0x1  }
0x1: {  	s0 =	rddreg [dreg:$0x0]  }
0x2: {  	s1 =	rddreg [dreg:$0x1]  }
0x3: {  	s2 =	rddreg [dreg:$0x2];
	s15 =	stileid.u32  }
0x4: {  	s4 =	simm.s32 $0x0;
	s3 =	srdreg.scid;
	s13 =	smul.u32 $0x50000, s15  }
0x5: {  	[smem:$0x7FF] =	sst s4;
	s3 =	sand.u32 $0x1, s3;
	s11 =	smul.u32 $0x2800, s15  }
0x6: {  	s5 =	sadd.s32 $0x3000, s0;
	_ =	strace $0x80000047;
	s13 =	sshrl.u32 s13, $0x2  }
0x7: {  	s12 =	smul.u32 $0x28000, s3;
	s31 =	ssub.s32 $0x2, s3;
	s25 =	sadd.s32 s13, s2  }
0x8: {  	s3 =	sshll.u32 s3, $0x4;
	s13 =	sadd.s32 $0x1400, s25;
	[dreg:$0x4] =	wrdreg s25  }
0x9: {  	s3 =	sor.u32 s15, s3;
	s15 =	sadd.s32 $0x2800, s25;
	[dreg:$0x5] =	wrdreg s13  }
0xa: {  	s6 =	sadd.s32 $0xCE00, s0;
	s16 =	sadd.s32 $0x3C00, s25;
	[dreg:$0x6] =	wrdreg s15  }
0xb: {  	s7 =	sadd.s32 $0x3DE00, s0;
	s17 =	sadd.s32 $0x5000, s25;
	[dreg:$0x7] =	wrdreg s16  }
0xc: {  	s8 =	sadd.s32 $0x65000, s0;
	s18 =	sadd.s32 $0x6400, s25;
	[dreg:$0x8] =	wrdreg s17  }
0xd: {  	s9 =	sadd.s32 $0x16C00, s0;
	s19 =	sadd.s32 $0x7800, s25;
	[dreg:$0x9] =	wrdreg s18  }
0xe: {  	s10 =	sadd.s32 $0x8C200, s0;
	s20 =	sadd.s32 $0x8C00, s25;
	[dreg:$0xa] =	wrdreg s19  }
0xf: {  	s14 =	sshrl.u32 s31, $0x1;
	s21 =	sadd.s32 $0xA000, s25;
	[dreg:$0xb] =	wrdreg s20  }
0x10: {  	s12 =	sadd.s32 s11, s12;
	s22 =	sadd.s32 $0xB400, s25;
	[dreg:$0xc] =	wrdreg s21  }
0x11: {  	s11 =	sadd.s32 $0x56E200, s0;
	s23 =	sadd.s32 $0xC800, s25;
	[dreg:$0xd] =	wrdreg s22  }
0x12: {  	s0 =	sadd.s32 s12, s0;
	s26 =	sadd.s32 $0xDC00, s25;
	[dreg:$0xe] =	wrdreg s23  }
0x13: {  	s12 =	ssub.s32 s31, s14;
	s28 =	sadd.s32 $0xF000, s25;
	[dreg:$0x11] =	wrdreg s26  }
0x14: {  	s29 =	sadd.s32 $0x10400, s25;
	s30 =	sadd.s32 $0x11800, s25;
	[dreg:$0x12] =	wrdreg s28  }
0x15: {  	s31 =	sadd.s32 $0x12C00, s25;
	s14 =	simm.s32 $0x50;
	[dreg:$0x13] =	wrdreg s29  }
0x16: {  	s23 =	smul.u32 $0x2710, s3;
	s0 =	sadd.s32 $0xA50200, s0;
	[dreg:$0x14] =	wrdreg s30  }
0x17: {  	s24 =	smax.u32 s12, $0x1;
	[dreg:$0x15] =	wrdreg s31;
	s3 =	simm.s32 $0x4  }
0x18: {  	s13 =	simm.s32 $0x80;
	s15 =	simm.s32 $0x100;
	s16 =	simm.s32 $0x5100  }
0x19: {  	s17 =	simm.s32 $0x2900;
	s18 =	simm.s32 $0x7900;
	s19 =	simm.s32 $0x1  }
0x1a: {  	s20 =	simm.s32 $0x2;
	s21 =	simm.s32 $0x3;
	[dreg:$0xf] =	wrdreg s0  }
0x1b: {  	v0 =	vimm.f32 $0.0e+00;
	s22 =	simm.s32 $0x0;
	[dreg:$0x10] =	wrdreg s24;
	s0 =	simm.s32 $0xA100  }
.LBB2_1:
0x1c: {  	s12 =	simm.s32 $0x0;
	s24 =	simm.s32 $0x200  }
.LBB2_2:
0x1d: {  	p0 =	sne.s32 s24, $0x4E00;
	[tilespmem:s12+$0xA170] =	vst v0  }
0x1e: {  	[tilespmem:s12+$0xA100] =	vst v0  }
0x1f: {  	[tilespmem:s12+$0xA110] =	vst v0  }
.Ltmp0:
0x20: {  	[tilespmem:s12+$0xA120] =	vst v0;
	(pc) =	sbr.rel @p0 .LBB2_2-.Ltmp0, $4  }
0x21: {  	[tilespmem:s12+$0xA130] =	vst v0  }
0x22: {  	[tilespmem:s12+$0xA140] =	vst v0  }
0x23: {  	[tilespmem:s12+$0xA150] =	vst v0  }
0x24: {  	[tilespmem:s12+$0xA160] =	vst v0;
	s12 =	sshra.s32 s24, $0x2;
	s24 =	sadd.s32 $0x200, s24  }
0x25: {  	[tilespmem:s12+$0xA170] =	vst v0  }
0x26: {  	[tilespmem:s12+$0xA100] =	vst v0  }
0x27: {  	[tilespmem:s12+$0xA110] =	vst v0  }
0x28: {  	[tilespmem:s12+$0xA120] =	vst v0  }
0x29: {  	[tilespmem:s12+$0xA130] =	vst v0  }
0x2a: {  	[tilespmem:s12+$0xA140] =	vst v0  }
0x2b: {  	[tilespmem:s12+$0xA150] =	vst v0  }
0x2c: {  	[tilespmem:s12+$0xA160] =	vst v0  }
0x2d: {  	[spmem:s25] =	stream.linear.scatter [tilespmem:s0], [sflag:$0x4], $0x1400, $0x38;
	[tilespmem:$0x1F500] =	vst v63  }
0x2e: {  	_ =	swait.ge [sflag:s3], $0x1400  }
0x2f: {  	[sflag:s3] =	ssyncset.done $0x0  }
0x30: {  	s31 =	rddreg [dreg:$0x5];
	[sflag:s3] =	ssyncadd.s32 $0xFFFFEC00  }
0x31: {  	[spmem:s31] =	stream.linear.scatter [tilespmem:s0], [sflag:$0x4], $0x1400, $0x38;
	[tilespmem:$0x1F500] =	vst v63  }
0x32: {  	_ =	swait.ge [sflag:s3], $0x1400  }
0x33: {  	[sflag:s3] =	ssyncset.done $0x0  }
0x34: {  	s24 =	rddreg [dreg:$0x6];
	[sflag:s3] =	ssyncadd.s32 $0xFFFFEC00  }
0x35: {  	[spmem:s24] =	stream.linear.scatter [tilespmem:s0], [sflag:$0x4], $0x1400, $0x38;
	[tilespmem:$0x1F500] =	vst v63  }
0x36: {  	_ =	swait.ge [sflag:s3], $0x1400  }
0x37: {  	[sflag:s3] =	ssyncset.done $0x0  }
0x38: {  	s25 =	rddreg [dreg:$0x7];
	[sflag:s3] =	ssyncadd.s32 $0xFFFFEC00  }
0x39: {  	[spmem:s25] =	stream.linear.scatter [tilespmem:s0], [sflag:$0x4], $0x1400, $0x38;
	[tilespmem:$0x1F500] =	vst v63  }
0x3a: {  	_ =	swait.ge [sflag:s3], $0x1400  }
0x3b: {  	[sflag:s3] =	ssyncset.done $0x0  }
0x3c: {  	s26 =	rddreg [dreg:$0x8];
	[sflag:s3] =	ssyncadd.s32 $0xFFFFEC00  }
0x3d: {  	[spmem:s26] =	stream.linear.scatter [tilespmem:s0], [sflag:$0x4], $0x1400, $0x38;
	[tilespmem:$0x1F500] =	vst v63  }
0x3e: {  	_ =	swait.ge [sflag:s3], $0x1400  }
0x3f: {  	[sflag:s3] =	ssyncset.done $0x0  }
0x40: {  	s28 =	rddreg [dreg:$0x9];
	[sflag:s3] =	ssyncadd.s32 $0xFFFFEC00  }
0x41: {  	[spmem:s28] =	stream.linear.scatter [tilespmem:s0], [sflag:$0x4], $0x1400, $0x38;
	[tilespmem:$0x1F500] =	vst v63  }
0x42: {  	_ =	swait.ge [sflag:s3], $0x1400  }
0x43: {  	[sflag:s3] =	ssyncset.done $0x0  }
0x44: {  	s29 =	rddreg [dreg:$0xa];
	[sflag:s3] =	ssyncadd.s32 $0xFFFFEC00  }
0x45: {  	[spmem:s29] =	stream.linear.scatter [tilespmem:s0], [sflag:$0x4], $0x1400, $0x38;
	[tilespmem:$0x1F500] =	vst v63  }
0x46: {  	_ =	swait.ge [sflag:s3], $0x1400  }
0x47: {  	[sflag:s3] =	ssyncset.done $0x0  }
0x48: {  	s30 =	rddreg [dreg:$0xb];
	[sflag:s3] =	ssyncadd.s32 $0xFFFFEC00  }
0x49: {  	[spmem:s30] =	stream.linear.scatter [tilespmem:s0], [sflag:$0x4], $0x1400, $0x38;
	[tilespmem:$0x1F500] =	vst v63  }
0x4a: {  	_ =	swait.ge [sflag:s3], $0x1400  }
0x4b: {  	[sflag:s3] =	ssyncset.done $0x0  }
0x4c: {  	s31 =	rddreg [dreg:$0xc];
	[sflag:s3] =	ssyncadd.s32 $0xFFFFEC00  }
0x4d: {  	[spmem:s31] =	stream.linear.scatter [tilespmem:s0], [sflag:$0x4], $0x1400, $0x38;
	[tilespmem:$0x1F500] =	vst v63  }
0x4e: {  	_ =	swait.ge [sflag:s3], $0x1400  }
0x4f: {  	[sflag:s3] =	ssyncset.done $0x0  }
0x50: {  	s24 =	rddreg [dreg:$0xd];
	[sflag:s3] =	ssyncadd.s32 $0xFFFFEC00  }
0x51: {  	[spmem:s24] =	stream.linear.scatter [tilespmem:s0], [sflag:$0x4], $0x1400, $0x38;
	[tilespmem:$0x1F500] =	vst v63  }
0x52: {  	_ =	swait.ge [sflag:s3], $0x1400  }
0x53: {  	[sflag:s3] =	ssyncset.done $0x0  }
0x54: {  	s25 =	rddreg [dreg:$0xe];
	[sflag:s3] =	ssyncadd.s32 $0xFFFFEC00  }
0x55: {  	[spmem:s25] =	stream.linear.scatter [tilespmem:s0], [sflag:$0x4], $0x1400, $0x38;
	[tilespmem:$0x1F500] =	vst v63  }
0x56: {  	_ =	swait.ge [sflag:s3], $0x1400  }
0x57: {  	[sflag:s3] =	ssyncset.done $0x0  }
0x58: {  	s26 =	rddreg [dreg:$0x11];
	[sflag:s3] =	ssyncadd.s32 $0xFFFFEC00  }
0x59: {  	[spmem:s26] =	stream.linear.scatter [tilespmem:s0], [sflag:$0x4], $0x1400, $0x38;
	[tilespmem:$0x1F500] =	vst v63  }
0x5a: {  	_ =	swait.ge [sflag:s3], $0x1400  }
0x5b: {  	[sflag:s3] =	ssyncset.done $0x0  }
0x5c: {  	s28 =	rddreg [dreg:$0x12];
	[sflag:s3] =	ssyncadd.s32 $0xFFFFEC00  }
0x5d: {  	[spmem:s28] =	stream.linear.scatter [tilespmem:s0], [sflag:$0x4], $0x1400, $0x38;
	[tilespmem:$0x1F500] =	vst v63  }
0x5e: {  	_ =	swait.ge [sflag:s3], $0x1400  }
0x5f: {  	[sflag:s3] =	ssyncset.done $0x0  }
0x60: {  	s29 =	rddreg [dreg:$0x13];
	[sflag:s3] =	ssyncadd.s32 $0xFFFFEC00  }
0x61: {  	[spmem:s29] =	stream.linear.scatter [tilespmem:s0], [sflag:$0x4], $0x1400, $0x38;
	[tilespmem:$0x1F500] =	vst v63  }
0x62: {  	_ =	swait.ge [sflag:s3], $0x1400  }
0x63: {  	[sflag:s3] =	ssyncset.done $0x0  }
0x64: {  	s30 =	rddreg [dreg:$0x14];
	[sflag:s3] =	ssyncadd.s32 $0xFFFFEC00  }
0x65: {  	[spmem:s30] =	stream.linear.scatter [tilespmem:s0], [sflag:$0x4], $0x1400, $0x38;
	[tilespmem:$0x1F500] =	vst v63  }
0x66: {  	_ =	swait.ge [sflag:s3], $0x1400  }
0x67: {  	[sflag:s3] =	ssyncset.done $0x0  }
0x68: {  	s31 =	rddreg [dreg:$0x15];
	[sflag:s3] =	ssyncadd.s32 $0xFFFFEC00  }
0x69: {  	[spmem:s31] =	stream.linear.scatter [tilespmem:s0], [sflag:$0x4], $0x1400, $0x38;
	[tilespmem:$0x1F500] =	vst v63  }
0x6a: {  	_ =	swait.ge [sflag:s3], $0x1400  }
0x6b: {  	[sflag:s3] =	ssyncset.done $0x0  }
0x6c: {  	[sflag:s3] =	ssyncadd.s32 $0xFFFFEC00  }
0x6d: {  	s24 =	simm.s32 $0x0;
	s25 =	simm.s32 $0x0;
	[bflag:$0x0] =	sbarrier.arrive $0xFFFF  }
.LBB2_4:
0x6e: {  	s12 =	smul.u32 $0x50, s25;
	_ =	sdelay $0x1  }
0x6f: {  	s12 =	sadd.s32 s23, s12  }
0x70: {  	s26 =	sshrl.u32 s12, $0x3  }
0x71: {  	s28 =	sadd.s32 s5, s26  }
0x72: {  	[tilespmem:s24], [sflag:$0x4] =	stream.linear.gather [hbm4b:s28+s24], $0x50, $0x38;
	[tilespmem:$0x1F500] =	vst v63  }
0x73: {  	_ =	swait.ge [sflag:s3], $0x50  }
0x74: {  	[sflag:s3] =	ssyncset.done $0x0  }
0x75: {  	s26 =	sadd.s32 s6, s26;
	[sflag:s3] =	ssyncadd.s32 $0xFFFFFFB0  }
0x76: {  	[tilespmem:s13], [sflag:$0x4] =	stream.linear.gather [hbm4b:s26+s24], $0x50, $0x38;
	[tilespmem:$0x1F500] =	vst v63  }
0x77: {  	_ =	swait.ge [sflag:s3], $0x50  }
0x78: {  	[sflag:s3] =	ssyncset.done $0x0  }
0x79: {  	[sflag:s3] =	ssyncadd.s32 $0xFFFFFFB0  }
0x7a: {  	[tilespmem:s15], [sflag:$0x1] =	stream.indirect.gather [hbm4b:s7+s14], $0x80, s24, s14, $0xb8;
	[tilespmem:$0x1F500] =	vst v63  }
0x7b: {  	_ = 	snop  }
0x7c: {  	[tilespmem:s16], [sflag:$0x2] =	stream.indirect.gather [hbm4b:s9+s14], $0x80, s13, s14, $0xb8;
	[tilespmem:$0x1F500] =	vst v63  }
0x7d: {  	s26 =	sshll.u32 s12, $0x4  }
0x7e: {  	[tilespmem:s17], [sflag:$0x3] =	stream.indirect.gather [hbm4b:s8+s14], $0x80, s24, s14, $0xb8;
	[tilespmem:$0x1F500] =	vst v63  }
0x7f: {  	s12 =	sadd.s32 s1, s26  }
0x80: {  	[tilespmem:s18], [sflag:$0x4] =	stream.linear.gather [hbm4b:s12+s24], $0x2800, $0x38;
	[tilespmem:$0x1F500] =	vst v63  }
0x81: {  	_ =	swait.ge [sflag:s3], $0x2800  }
0x82: {  	[sflag:s3] =	ssyncset.done $0x0  }
0x83: {  	[sflag:s3] =	ssyncadd.s32 $0xFFFFD800  }
0x84: {  	_ =	swait.ge [sflag:s19], $0x2800  }
0x85: {  	[sflag:s19] =	ssyncset.done $0x0  }
0x86: {  	[sflag:s19] =	ssyncadd.s32 $0xFFFFD800  }
0x87: {  	_ =	swait.ge [sflag:s20], $0x2800  }
0x88: {  	[sflag:s20] =	ssyncset.done $0x0  }
0x89: {  	[sflag:s20] =	ssyncadd.s32 $0xFFFFD800  }
0x8a: {  	_ =	swait.ge [sflag:s21], $0x2800  }
0x8b: {  	[sflag:s21] =	ssyncset.done $0x0  }
0x8c: {  	s30 =	simm.s32 $0x0;
	[sflag:s21] =	ssyncadd.s32 $0xFFFFD800  }
0x8d: {  	v1 =	vld [tilespmem:s30+$0x140]  }
0x8e: {  	v2 =	vld [tilespmem:s30+$0x7940];
	_ =	sdelay $0x1  }
0x8f: {  	v3 =	vld [tilespmem:s30+$0x5140];
	_ =	sdelay $0x2  }
0x90: {  	v1 =	vadd.f32 v1, v2;
	_ =	sdelay $0x1  }
0x91: {  	v1 =	vadd.f32 v3, v1;
	_ =	sdelay $0x1  }
0x92: {  	v3 =	vsub.f32 $0.0e+00, v1;
	_ =	sdelay $0x1  }
0x93: {  	v3 =	vmul.f32 $1.442695020e+00, v3;
	_ =	sdelay $0x1  }
0x94: {  	(erf) = vpow2.f32 v3;
	_ =	sdelay $0x1  }
0x95: {  	v4 =	vld [tilespmem:s30+$0x110]  }
0x96: {  	[tilespmem:s30+$0x7940] =	vst v1;
	v1 =	vld [tilespmem:s30+$0x150]  }
0x97: {  	v3 =	vld [tilespmem:s30+$0x7950]  }
0x98: {  	v5 =	vld [tilespmem:s30+$0x120]  }
0x99: {  	v6 =	vld [tilespmem:s30+$0x170]  }
0x9a: {  	v7 =	vld [tilespmem:s30+$0x160]  }
0x9b: {  	v8 =	vld [tilespmem:s30+$0x100]  }
0x9c: {  	v9 =	vld [tilespmem:s30+$0x5150];
	v1 =	vadd.f32 v1, v3;
	v3 =	vpop (erf)  }
0x9d: {  	v10 =	vld [tilespmem:s30+$0x2940];
	v3 =	vadd.f32 $1.000000000e+00, v3  }
0x9e: {  	v11 =	vld [tilespmem:s30+$0x7960]  }
0x9f: {  	v12 =	vld [tilespmem:s30+$0x7900];
	(erf) = vrcp.f32 v3  }
0xa0: {  	v13 =	vld [tilespmem:s30+$0x7930]  }
0xa1: {  	v2 =	vld [tilespmem:s30+$0x130]  }
0xa2: {  	v16 =	vld [tilespmem:s30+$0x5100]  }
0xa3: {  	v19 =	vld [tilespmem:s30+$0x5130];
	v9 =	vadd.f32 v9, v1  }
0xa4: {  	s28 =	simm.s32 $0x80;
	v17 =	vld [tilespmem:s30+$0x7970]  }
0xa5: {  	v15 =	vld [tilespmem:s28+$0x140];
	[tilespmem:s30+$0x7950] =	vst v9;
	v9 =	vsub.f32 $0.0e+00, v9  }
0xa6: {  	v21 =	vld [tilespmem:s30+$0x7910];
	v2 =	vadd.f32 v2, v13  }
0xa7: {  	v20 =	vld [tilespmem:s30+$0x5160];
	v9 =	vmul.f32 $1.442695020e+00, v9  }
0xa8: {  	v22 =	vld [tilespmem:s30+$0x5110];
	v7 =	vadd.f32 v7, v11;
	v11 =	vadd.f32 v19, v2;
	v23 =	vpop (erf)  }
0xa9: {  	v13 =	vld [tilespmem:s30+$0x5170];
	v2 =	vadd.f32 v8, v12;
	(erf) = vpow2.f32 v9;
	v10 =	vmul.f32 v23, v10  }
0xaa: {  	v18 =	vld [tilespmem:s28+$0x7940]  }
0xab: {  	v4 =	vadd.f32 v4, v21;
	v1 =	vld [tilespmem:s28+$0x130];
	[tilespmem:s30+$0x5140] =	vst v10;
	v10 =	vadd.f32 v16, v2  }
0xac: {  	v14 =	vld [tilespmem:s30+$0x7920];
	v6 =	vadd.f32 v6, v17  }
0xad: {  	v12 =	vadd.f32 v22, v4;
	v4 =	vsub.f32 $0.0e+00, v10  }
0xae: {  	v9 =	vld [tilespmem:s30+$0x5120]  }
0xaf: {  	v13 =	vadd.f32 v13, v6;
	v6 =	vmul.f32 $1.442695020e+00, v4  }
0xb0: {  	v7 =	vadd.f32 v20, v7;
	v8 =	vld [tilespmem:s28+$0x5140];
	[tilespmem:s30+$0x7930] =	vst v11;
	v11 =	vsub.f32 $0.0e+00, v11  }
0xb1: {  	v5 =	vadd.f32 v5, v14;
	[tilespmem:s30+$0x2940] =	vst v23;
	(erf) = vpow2.f32 v6  }
0xb2: {  	v14 =	vpop (erf);
	[tilespmem:s30+$0x7960] =	vst v7;
	v7 =	vsub.f32 $0.0e+00, v7;
	v11 =	vmul.f32 $1.442695020e+00, v11  }
0xb3: {  	v9 =	vadd.f32 v9, v5;
	v2 =	vld [tilespmem:s28+$0x110];
	[tilespmem:s30+$0x7910] =	vst v12;
	v6 =	vadd.f32 $1.000000000e+00, v14  }
0xb4: {  	v12 =	vsub.f32 $0.0e+00, v12;
	v4 =	vld [tilespmem:s28+$0x120];
	[tilespmem:s30+$0x7970] =	vst v13;
	(erf) = vpow2.f32 v11;
	v11 =	vmul.f32 $1.442695020e+00, v7  }
0xb5: {  	v5 =	vld [tilespmem:s28+$0x170];
	[tilespmem:s30+$0x7920] =	vst v9;
	v14 =	vadd.f32 v15, v18;
	(erf) = vrcp.f32 v6  }
0xb6: {  	v6 =	vld [tilespmem:s28+$0x160];
	[tilespmem:s30+$0x7900] =	vst v10;
	v10 =	vmul.f32 $1.442695020e+00, v12;
	(erf) = vpow2.f32 v11  }
0xb7: {  	v14 =	vadd.f32 v8, v14;
	v8 =	vsub.f32 $0.0e+00, v13  }
0xb8: {  	(erf) = vpow2.f32 v10;
	v10 =	vsub.f32 $0.0e+00, v9  }
0xb9: {  	v3 =	vld [tilespmem:s30+$0x2930];
	[tilespmem:s28+$0x7940] =	vst v14;
	v8 =	vmul.f32 $1.442695020e+00, v8  }
0xba: {  	v16 =	vsub.f32 $0.0e+00, v14;
	v12 =	vld [tilespmem:s30+$0x2950];
	v10 =	vmul.f32 $1.442695020e+00, v10;
	v15 =	vpop (erf)  }
0xbb: {  	v7 =	vld [tilespmem:s28+$0x100];
	(erf) = vpow2.f32 v8;
	v19 =	vadd.f32 $1.000000000e+00, v15  }
0xbc: {  	v13 =	vld [tilespmem:s28+$0x150];
	v16 =	vmul.f32 $1.442695020e+00, v16;
	(erf) = vpow2.f32 v10  }
0xbd: {  	v11 =	vld [tilespmem:s30+$0x2960];
	v17 =	vpop (erf);
	(erf) = vrcp.f32 v19  }
0xbe: {  	v9 =	vld [tilespmem:s30+$0x2920];
	v18 =	vpop (erf);
	(erf) = vpow2.f32 v16  }
0xbf: {  	v14 =	vld [tilespmem:s30+$0x2900];
	v17 =	vadd.f32 $1.000000000e+00, v17;
	[tilespmem:s30+$0x2950] =	vst v18;
	v10 =	vmul.f32 v18, v12;
	v18 =	vpop (erf)  }
0xc0: {  	v8 =	vld [tilespmem:s30+$0x2970];
	v18 =	vadd.f32 $1.000000000e+00, v18  }
0xc1: {  	v15 =	vld [tilespmem:s28+$0x7950];
	(erf) = vrcp.f32 v17  }
0xc2: {  	v12 =	vld [tilespmem:s30+$0x2910];
	[tilespmem:s30+$0x5150] =	vst v10  }
0xc3: {  	v16 =	vld [tilespmem:s28+$0x5150];
	v17 =	vpop (erf);
	(erf) = vrcp.f32 v18  }
0xc4: {  	s31 =	simm.s32 $0x600;
	s29 =	simm.s32 $0x100;
	v10 =	vld [tilespmem:s28+$0x2940];
	v17 =	vadd.f32 $1.000000000e+00, v17;
	v18 =	vpop (erf)  }
.LBB2_5:
0xc5: {  	p0 =	sne.s32 s31, $0x9E00;
	v19 =	vld [tilespmem:s28+$0x7960];
	v18 =	vadd.f32 $1.000000000e+00, v18;
	v20 =	vpop (erf);
	s12 =	smov.u32 s31;
	s31 =	sadd.s32 $0x200, s31  }
0xc6: {  	v21 =	vld [tilespmem:s28+$0x7900];
	v13 =	vadd.f32 v13, v15;
	v15 =	vadd.f32 $1.000000000e+00, v20;
	v20 =	vpop (erf);
	(erf) = vrcp.f32 v17  }
0xc7: {  	v17 =	vld [tilespmem:s28+$0x7930];
	v22 =	vpop (erf);
	v14 =	vmul.f32 v20, v14;
	[tilespmem:s30+$0x2900] =	vst v20;
	(erf) = vrcp.f32 v18  }
0xc8: {  	v18 =	vld [tilespmem:s28+$0x7920];
	v20 =	vadd.f32 $1.000000000e+00, v22;
	v13 =	vadd.f32 v16, v13;
	(erf) = vrcp.f32 v15  }
0xc9: {  	v15 =	vld [tilespmem:s29+$0x140];
	[tilespmem:s30+$0x5100] =	vst v14  }
0xca: {  	v14 =	vld [tilespmem:s28+$0x5100];
	[tilespmem:s28+$0x7950] =	vst v13;
	v13 =	vsub.f32 $0.0e+00, v13;
	(erf) = vrcp.f32 v20;
	v16 =	vpop (erf)  }
0xcb: {  	v7 =	vadd.f32 v7, v21;
	v20 =	vld [tilespmem:s28+$0x7970];
	v3 =	vmul.f32 v16, v3;
	[tilespmem:s30+$0x2930] =	vst v16  }
0xcc: {  	v16 =	vld [tilespmem:s29+$0x7940];
	v13 =	vmul.f32 $1.442695020e+00, v13;
	v21 =	vpop (erf)  }
0xcd: {  	v22 =	vld [tilespmem:s29+$0x130];
	[tilespmem:s30+$0x5130] =	vst v3;
	v24 =	vmul.f32 v21, v11  }
0xce: {  	v23 =	vld [tilespmem:s28+$0x5130];
	(erf) = vpow2.f32 v13;
	[tilespmem:s30+$0x2960] =	vst v21  }
0xcf: {  	v7 =	vadd.f32 v14, v7;
	v3 =	vld [tilespmem:s28+$0x2930];
	[tilespmem:s30+$0x5160] =	vst v24;
	v11 =	vpop (erf)  }
0xd0: {  	v1 =	vadd.f32 v1, v17;
	v13 =	vld [tilespmem:s28+$0x5160];
	v12 =	vmul.f32 v11, v12;
	[tilespmem:s30+$0x2910] =	vst v11;
	v11 =	vpop (erf)  }
0xd1: {  	v14 =	vadd.f32 v15, v16;
	v15 =	vsub.f32 $0.0e+00, v7;
	v16 =	vld [tilespmem:s28+$0x7910];
	v8 =	vmul.f32 v11, v8;
	[tilespmem:s30+$0x2970] =	vst v11;
	v11 =	vpop (erf)  }
0xd2: {  	v6 =	vadd.f32 v6, v19;
	v5 =	vadd.f32 v5, v20;
	[tilespmem:s30+$0x5110] =	vst v12;
	v9 =	vmul.f32 v11, v9  }
0xd3: {  	v4 =	vadd.f32 v4, v18;
	v12 =	vmul.f32 $1.442695020e+00, v15;
	v15 =	vld [tilespmem:s28+$0x5110];
	v17 =	vadd.f32 v23, v1;
	v18 =	vpop (erf);
	[tilespmem:s30+$0x5170] =	vst v8  }
0xd4: {  	v1 =	vmov v22;
	v8 =	vmul.f32 v18, v10;
	v10 =	vld [tilespmem:s28+$0x5170];
	[tilespmem:s30+$0x5120] =	vst v9  }
0xd5: {  	v9 =	vld [tilespmem:s28+$0x5120];
	v19 =	vsub.f32 $0.0e+00, v17;
	v6 =	vadd.f32 v13, v6;
	(erf) = vpow2.f32 v12;
	[tilespmem:s30+$0x2920] =	vst v11;
	s30 =	smov.u32 s28;
	s28 =	smov.u32 s29  }
0xd6: {  	v2 =	vadd.f32 v2, v16;
	[tilespmem:s30+$0x5140] =	vst v8  }
0xd7: {  	v8 =	vld [tilespmem:s28+$0x5140];
	[tilespmem:s30+$0x7930] =	vst v17;
	v11 =	vmul.f32 $1.442695020e+00, v19;
	v12 =	vsub.f32 $0.0e+00, v6;
	v13 =	vpop (erf)  }
0xd8: {  	v15 =	vadd.f32 v15, v2;
	[tilespmem:s30+$0x2940] =	vst v18;
	v13 =	vadd.f32 $1.000000000e+00, v13  }
0xd9: {  	[tilespmem:s30+$0x7960] =	vst v6;
	v6 =	vmul.f32 $1.442695020e+00, v12;
	v5 =	vadd.f32 v10, v5;
	(erf) = vpow2.f32 v11  }
0xda: {  	v2 =	vld [tilespmem:s28+$0x110];
	[tilespmem:s30+$0x7910] =	vst v15;
	v10 =	vsub.f32 $0.0e+00, v15;
	v9 =	vadd.f32 v9, v4;
	(erf) = vrcp.f32 v13  }
0xdb: {  	v4 =	vld [tilespmem:s28+$0x120];
	[tilespmem:s30+$0x7970] =	vst v5;
	v11 =	vsub.f32 $0.0e+00, v5;
	(erf) = vpow2.f32 v6  }
0xdc: {  	v8 =	vadd.f32 v8, v14;
	v5 =	vld [tilespmem:s28+$0x170];
	v10 =	vmul.f32 $1.442695020e+00, v10;
	[tilespmem:s30+$0x7920] =	vst v9;
	v9 =	vsub.f32 $0.0e+00, v9  }
0xdd: {  	v6 =	vld [tilespmem:s28+$0x160];
	[tilespmem:s30+$0x7900] =	vst v7;
	v11 =	vmul.f32 $1.442695020e+00, v11  }
0xde: {  	v7 =	vld [tilespmem:s28+$0x100];
	[tilespmem:s28+$0x7940] =	vst v8;
	v8 =	vsub.f32 $0.0e+00, v8;
	v9 =	vmul.f32 $1.442695020e+00, v9;
	v12 =	vpop (erf);
	(erf) = vpow2.f32 v10  }
0xdf: {  	v14 =	vadd.f32 $1.000000000e+00, v12;
	v12 =	vld [tilespmem:s30+$0x2950];
	(erf) = vpow2.f32 v11  }
0xe0: {  	v11 =	vmul.f32 $1.442695020e+00, v8;
	v13 =	vld [tilespmem:s28+$0x150];
	(erf) = vpow2.f32 v9  }
0xe1: {  	v8 =	vld [tilespmem:s30+$0x2970];
	(erf) = vrcp.f32 v14  }
0xe2: {  	(erf) = vpow2.f32 v11;
	v11 =	vld [tilespmem:s30+$0x2960];
	v10 =	vpop (erf)  }
0xe3: {  	v9 =	vld [tilespmem:s30+$0x2920];
	v10 =	vadd.f32 $1.000000000e+00, v10;
	v15 =	vpop (erf)  }
.Ltmp1:
0xe4: {  	v14 =	vld [tilespmem:s30+$0x2900];
	v16 =	vmul.f32 v15, v12;
	[tilespmem:s30+$0x2950] =	vst v15;
	v12 =	vpop (erf);
	(pc) =	sbr.rel @p0 .LBB2_5-.Ltmp1, $4  }
0xe5: {  	v15 =	vld [tilespmem:s28+$0x7950];
	v17 =	vadd.f32 $1.000000000e+00, v12;
	(erf) = vrcp.f32 v10  }
0xe6: {  	v12 =	vld [tilespmem:s30+$0x2910];
	[tilespmem:s30+$0x5150] =	vst v16  }
0xe7: {  	s29 =	sshra.s32 s12, $0x2;
	v16 =	vld [tilespmem:s28+$0x5150];
	v18 =	vpop (erf);
	(erf) = vrcp.f32 v17  }
0xe8: {  	v10 =	vld [tilespmem:s28+$0x2940];
	v17 =	vadd.f32 $1.000000000e+00, v18;
	v18 =	vpop (erf)  }
0xe9: {  	v20 =	vpop (erf)  }
0xea: {  	v18 =	vadd.f32 $1.000000000e+00, v18;
	v22 =	vpop (erf)  }
0xeb: {  	v19 =	vld [tilespmem:s28+$0x7960];
	v20 =	vadd.f32 $1.000000000e+00, v20;
	v31 =	vpop (erf);
	(erf) = vrcp.f32 v17  }
0xec: {  	v21 =	vld [tilespmem:s28+$0x7900];
	v13 =	vadd.f32 v13, v15;
	(erf) = vrcp.f32 v18  }
0xed: {  	v23 =	vld [tilespmem:s28+$0x7930];
	[tilespmem:s30+$0x2900] =	vst v22;
	v14 =	vmul.f32 v22, v14;
	(erf) = vrcp.f32 v20  }
0xee: {  	v29 =	vld [tilespmem:s28+$0x7920];
	v13 =	vadd.f32 v16, v13;
	v16 =	vadd.f32 $1.000000000e+00, v31  }
0xef: {  	v30 =	vld [tilespmem:s29+$0x140];
	[tilespmem:s30+$0x5100] =	vst v14  }
0xf0: {  	v14 =	vld [tilespmem:s28+$0x5100];
	[tilespmem:s28+$0x7950] =	vst v13;
	v32 =	vpop (erf);
	(erf) = vrcp.f32 v16  }
0xf1: {  	v24 =	vld [tilespmem:s28+$0x7970];
	[tilespmem:s30+$0x2930] =	vst v32;
	v17 =	vmul.f32 v32, v3  }
0xf2: {  	v13 =	vsub.f32 $0.0e+00, v13;
	v33 =	vld [tilespmem:s29+$0x7940];
	v34 =	vpop (erf)  }
0xf3: {  	v3 =	vld [tilespmem:s29+$0x130];
	[tilespmem:s30+$0x5130] =	vst v17;
	v11 =	vmul.f32 v34, v11  }
0xf4: {  	v13 =	vmul.f32 $1.442695020e+00, v13;
	v35 =	vld [tilespmem:s28+$0x5130];
	[tilespmem:s30+$0x2960] =	vst v34;
	v36 =	vpop (erf)  }
0xf5: {  	v17 =	vld [tilespmem:s28+$0x2930];
	[tilespmem:s30+$0x5160] =	vst v11;
	v38 =	vpop (erf)  }
0xf6: {  	v7 =	vadd.f32 v7, v21;
	v37 =	vld [tilespmem:s28+$0x5160];
	[tilespmem:s30+$0x2910] =	vst v36;
	v11 =	vmul.f32 v36, v12;
	v39 =	vpop (erf);
	(erf) = vpow2.f32 v13  }
0xf7: {  	v25 =	vld [tilespmem:s28+$0x7910];
	[tilespmem:s30+$0x2970] =	vst v38;
	v8 =	vmul.f32 v38, v8  }
0xf8: {  	v7 =	vadd.f32 v14, v7;
	[tilespmem:s30+$0x5110] =	vst v11;
	v9 =	vmul.f32 v39, v9  }
0xf9: {  	v1 =	vadd.f32 v1, v23;
	v41 =	vpop (erf);
	v40 =	vld [tilespmem:s28+$0x5110];
	[tilespmem:s30+$0x5170] =	vst v8  }
0xfa: {  	v43 =	vsub.f32 $0.0e+00, v7;
	v10 =	vmul.f32 v41, v10;
	v8 =	vld [tilespmem:s28+$0x5170];
	[tilespmem:s30+$0x5120] =	vst v9  }
0xfb: {  	v6 =	vadd.f32 v6, v19;
	v1 =	vadd.f32 v35, v1;
	v42 =	vld [tilespmem:s28+$0x5120];
	[tilespmem:s30+$0x2920] =	vst v39  }
0xfc: {  	v11 =	vmul.f32 $1.442695020e+00, v43;
	[tilespmem:s28+$0x5140] =	vst v10  }
0xfd: {  	v6 =	vadd.f32 v37, v6;
	v10 =	vld [tilespmem:s29+$0x5140];
	[tilespmem:s28+$0x7930] =	vst v1;
	v1 =	vsub.f32 $0.0e+00, v1  }
0xfe: {  	v4 =	vadd.f32 v4, v29;
	(erf) = vpow2.f32 v11;
	v2 =	vadd.f32 v2, v25  }
0xff: {  	v5 =	vadd.f32 v5, v24;
	[tilespmem:s28+$0x7960] =	vst v6;
	v6 =	vsub.f32 $0.0e+00, v6;
	v1 =	vmul.f32 $1.442695020e+00, v1;
	v44 =	vpop (erf)  }
0x100: {  	v2 =	vadd.f32 v40, v2;
	v11 =	vadd.f32 $1.000000000e+00, v44  }
0x101: {  	v46 =	vadd.f32 v30, v33;
	[tilespmem:s28+$0x2940] =	vst v41;
	v5 =	vadd.f32 v8, v5;
	(erf) = vpow2.f32 v1  }
0x102: {  	v9 =	vld [tilespmem:s29+$0x110];
	v6 =	vmul.f32 $1.442695020e+00, v6;
	[tilespmem:s28+$0x7910] =	vst v2;
	v2 =	vsub.f32 $0.0e+00, v2;
	(erf) = vrcp.f32 v11  }
0x103: {  	v4 =	vadd.f32 v42, v4;
	v8 =	vld [tilespmem:s29+$0x120];
	[tilespmem:s28+$0x7970] =	vst v5;
	v5 =	vsub.f32 $0.0e+00, v5  }
0x104: {  	v2 =	vmul.f32 $1.442695020e+00, v2;
	(erf) = vpow2.f32 v6  }
0x105: {  	v45 =	vld [tilespmem:s29+$0x170];
	[tilespmem:s28+$0x7920] =	vst v4;
	v10 =	vadd.f32 v10, v46;
	v4 =	vsub.f32 $0.0e+00, v4;
	v5 =	vmul.f32 $1.442695020e+00, v5  }
0x106: {  	v1 =	vld [tilespmem:s29+$0x160];
	[tilespmem:s28+$0x7900] =	vst v7;
	(erf) = vpow2.f32 v2  }
0x107: {  	v49 =	vpop (erf);
	[tilespmem:s29+$0x7940] =	vst v10;
	v4 =	vmul.f32 $1.442695020e+00, v4;
	v10 =	vsub.f32 $0.0e+00, v10;
	(erf) = vpow2.f32 v5  }
0x108: {  	v13 =	vadd.f32 $1.000000000e+00, v49;
	v47 =	vld [tilespmem:s28+$0x2950]  }
0x109: {  	v10 =	vmul.f32 $1.442695020e+00, v10;
	(erf) = vpow2.f32 v4  }
0x10a: {  	v7 =	vld [tilespmem:s29+$0x100];
	v51 =	vpop (erf);
	(erf) = vrcp.f32 v13  }
0x10b: {  	v48 =	vld [tilespmem:s29+$0x150];
	v53 =	vpop (erf);
	(erf) = vpow2.f32 v10  }
0x10c: {  	v2 =	vld [tilespmem:s28+$0x2970];
	v4 =	vadd.f32 $1.000000000e+00, v51  }
0x10d: {  	v50 =	vld [tilespmem:s28+$0x2960];
	[tilespmem:s28+$0x2950] =	vst v53;
	v11 =	vmul.f32 v53, v47;
	v57 =	vpop (erf)  }
0x10e: {  	(erf) = vrcp.f32 v4;
	v55 =	vld [tilespmem:s29+$0x7950];
	v10 =	vadd.f32 $1.000000000e+00, v57  }
0x10f: {  	v54 =	vld [tilespmem:s28+$0x2900];
	v59 =	vpop (erf);
	[tilespmem:s28+$0x5150] =	vst v11  }
0x110: {  	v61 =	vpop (erf);
	v28 =	vadd.f32 $1.000000000e+00, v59;
	v58 =	vld [tilespmem:s29+$0x5150];
	(erf) = vrcp.f32 v10  }
0x111: {  	v52 =	vld [tilespmem:s28+$0x2920]  }
0x112: {  	v60 =	vld [tilespmem:s29+$0x2940];
	v63 =	vpop (erf);
	v30 =	vadd.f32 $1.000000000e+00, v61;
	(erf) = vrcp.f32 v28  }
0x113: {  	v62 =	vld [tilespmem:s29+$0x7960];
	v25 =	vpop (erf);
	v6 =	vadd.f32 v48, v55  }
0x114: {  	v24 =	vld [tilespmem:s29+$0x7900];
	v27 =	vmul.f32 v25, v54;
	v31 =	vpop (erf);
	(erf) = vrcp.f32 v30  }
0x115: {  	v26 =	vld [tilespmem:s29+$0x7930];
	v34 =	vadd.f32 $1.000000000e+00, v63;
	[tilespmem:s28+$0x2900] =	vst v25;
	v4 =	vadd.f32 v58, v6  }
0x116: {  	v29 =	vld [tilespmem:s29+$0x7920];
	[tilespmem:s28+$0x5100] =	vst v27  }
0x117: {  	v56 =	vld [tilespmem:s28+$0x2910];
	v32 =	vpop (erf);
	(erf) = vrcp.f32 v34;
	[tilespmem:s29+$0x7950] =	vst v4;
	v4 =	vsub.f32 $0.0e+00, v4  }
0x118: {  	v10 =	vadd.f32 $1.000000000e+00, v31;
	v13 =	vld [tilespmem:s29+$0x5100];
	v17 =	vmul.f32 v32, v17  }
0x119: {  	v33 =	vld [tilespmem:s29+$0x7970];
	[tilespmem:s28+$0x2930] =	vst v32;
	v35 =	vpop (erf);
	v4 =	vmul.f32 $1.442695020e+00, v4  }
0x11a: {  	[tilespmem:s28+$0x5130] =	vst v17;
	(erf) = vrcp.f32 v10;
	v5 =	vmul.f32 v35, v50  }
0x11b: {  	v17 =	vld [tilespmem:s29+$0x5130];
	[tilespmem:s28+$0x2960] =	vst v35;
	v36 =	vpop (erf);
	(erf) = vpow2.f32 v4  }
0x11c: {  	v7 =	vadd.f32 v7, v24;
	v15 =	vld [tilespmem:s29+$0x2930];
	v38 =	vmul.f32 v36, v56;
	[tilespmem:s28+$0x5160] =	vst v5  }
0x11d: {  	v37 =	vld [tilespmem:s29+$0x5160];
	[tilespmem:s28+$0x2910] =	vst v36;
	v39 =	vpop (erf)  }
0x11e: {  	v3 =	vadd.f32 v3, v26;
	v7 =	vadd.f32 v13, v7;
	v40 =	vld [tilespmem:s29+$0x7910];
	[tilespmem:s28+$0x5110] =	vst v38;
	v2 =	vmul.f32 v39, v2  }
0x11f: {  	v1 =	vadd.f32 v1, v62;
	[tilespmem:s28+$0x2970] =	vst v39  }
0x120: {  	v13 =	vsub.f32 $0.0e+00, v7;
	v41 =	vpop (erf);
	v42 =	vld [tilespmem:s29+$0x5110];
	[tilespmem:s28+$0x5170] =	vst v2;
	v2 =	vadd.f32 v17, v3  }
0x121: {  	v6 =	vadd.f32 v45, v33;
	v14 =	vmul.f32 v41, v52  }
0x122: {  	v43 =	vmul.f32 $1.442695020e+00, v13;
	v1 =	vadd.f32 v37, v1;
	v45 =	vsub.f32 $0.0e+00, v2  }
0x123: {  	v3 =	vld [tilespmem:s29+$0x5170];
	[tilespmem:s28+$0x5120] =	vst v14;
	v46 =	vpop (erf)  }
0x124: {  	(erf) = vpow2.f32 v43;
	v44 =	vld [tilespmem:s29+$0x5120];
	v48 =	vsub.f32 $0.0e+00, v1;
	v49 =	vpop (erf);
	v47 =	vmul.f32 $1.442695020e+00, v45  }
0x125: {  	v9 =	vadd.f32 v9, v40;
	v50 =	vadd.f32 $1.000000000e+00, v49  }
0x126: {  	v12 =	vmul.f32 $1.442695020e+00, v48;
	(erf) = vpow2.f32 v47  }
0x127: {  	v8 =	vadd.f32 v8, v29;
	v5 =	vadd.f32 v42, v9;
	(erf) = vrcp.f32 v50  }
0x128: {  	v3 =	vadd.f32 v3, v6;
	(erf) = vpow2.f32 v12  }
0x129: {  	v51 =	vsub.f32 $0.0e+00, v5;
	v8 =	vadd.f32 v44, v8  }
0x12a: {  	v52 =	vsub.f32 $0.0e+00, v3  }
0x12b: {  	v6 =	vmul.f32 $1.442695020e+00, v51;
	v54 =	vsub.f32 $0.0e+00, v8  }
0x12c: {  	[tilespmem:s28+$0x2920] =	vst v41;
	v55 =	vmul.f32 $1.442695020e+00, v52  }
0x12d: {  	[tilespmem:s29+$0x7930] =	vst v2;
	(erf) = vpow2.f32 v6;
	v2 =	vpop (erf);
	v56 =	vmul.f32 $1.442695020e+00, v54  }
0x12e: {  	[tilespmem:s29+$0x7960] =	vst v1;
	v1 =	vadd.f32 $1.000000000e+00, v2;
	(erf) = vpow2.f32 v55  }
0x12f: {  	(erf) = vpow2.f32 v56;
	v2 =	vpop (erf)  }
0x130: {  	(erf) = vrcp.f32 v1;
	v1 =	vadd.f32 $1.000000000e+00, v2;
	v2 =	vpop (erf)  }
0x131: {  	[tilespmem:s29+$0x7970] =	vst v3;
	v3 =	vpop (erf)  }
0x132: {  	v3 =	vadd.f32 $1.000000000e+00, v3;
	(erf) = vrcp.f32 v1  }
0x133: {  	v1 =	vld [tilespmem:s29+$0x2950]  }
0x134: {  	(erf) = vrcp.f32 v3  }
0x135: {  	v3 =	vld [tilespmem:s29+$0x2900]  }
0x136: {  	[tilespmem:s29+$0x2940] =	vst v46;
	v58 =	vpop (erf)  }
0x137: {  	[tilespmem:s29+$0x7910] =	vst v5;
	v5 =	vadd.f32 $1.000000000e+00, v58;
	v59 =	vpop (erf)  }
0x138: {  	[tilespmem:s29+$0x7900] =	vst v7;
	v6 =	vadd.f32 $1.000000000e+00, v59;
	v61 =	vpop (erf);
	v1 =	vmul.f32 v2, v1  }
0x139: {  	v53 =	vmul.f32 v46, v60;
	v60 =	vld [tilespmem:s29+$0x2960];
	[tilespmem:s29+$0x7920] =	vst v8;
	(erf) = vrcp.f32 v5;
	v63 =	vpop (erf)  }
0x13a: {  	v8 =	vadd.f32 $1.000000000e+00, v61;
	(erf) = vrcp.f32 v6;
	[tilespmem:s29+$0x5150] =	vst v1;
	v1 =	vmul.f32 v63, v3  }
0x13b: {  	[tilespmem:s29+$0x2950] =	vst v2;
	v3 =	vpop (erf)  }
0x13c: {  	(erf) = vrcp.f32 v8;
	[tilespmem:s29+$0x5100] =	vst v1;
	v1 =	vmul.f32 v3, v15  }
0x13d: {  	[tilespmem:s29+$0x2930] =	vst v3;
	v3 =	vpop (erf)  }
0x13e: {  	v2 =	vld [tilespmem:s29+$0x2910];
	[tilespmem:s29+$0x5130] =	vst v1;
	v1 =	vmul.f32 v3, v60  }
0x13f: {  	[tilespmem:s29+$0x5140] =	vst v53  }
0x140: {  	v57 =	vld [tilespmem:s29+$0x2970];
	[tilespmem:s29+$0x2900] =	vst v63  }
0x141: {  	v62 =	vld [tilespmem:s29+$0x2920];
	[tilespmem:s29+$0x2960] =	vst v3  }
0x142: {  	[tilespmem:s29+$0x5160] =	vst v1;
	v1 =	vpop (erf)  }
0x143: {  	v2 =	vmul.f32 v1, v2;
	[tilespmem:s29+$0x2910] =	vst v1;
	v1 =	vpop (erf)  }
0x144: {  	[tilespmem:s29+$0x2970] =	vst v1  }
0x145: {  	v3 =	vmul.f32 v1, v57;
	v1 =	vpop (erf);
	[tilespmem:s29+$0x5110] =	vst v2  }
0x146: {  	v2 =	vmul.f32 v1, v62;
	[tilespmem:s29+$0x2920] =	vst v1  }
0x147: {  	[tilespmem:s29+$0x5170] =	vst v3  }
0x148: {  	s12 =	sadd.s32 s10, s26;
	[tilespmem:s29+$0x5120] =	vst v2  }
0x149: {  	[hbm4b:s12+s4] =	stream.linear.scatter [tilespmem:s18], [sflag:$0x4], $0x2800, $0x38;
	[tilespmem:$0x1F500] =	vst v63  }
0x14a: {  	_ =	swait.ge [sflag:s3], $0x2800  }
0x14b: {  	[sflag:s3] =	ssyncset.done $0x0  }
0x14c: {  	s31 =	sadd.s32 s11, s26;
	[sflag:s3] =	ssyncadd.s32 $0xFFFFD800  }
0x14d: {  	[hbm4b:s31+s4] =	stream.linear.scatter [tilespmem:s17], [sflag:$0x4], $0x2800, $0x38;
	[tilespmem:$0x1F500] =	vst v63  }
0x14e: {  	s25 =	sadd.s32 $0x1, s25;
	_ =	swait.ge [sflag:s3], $0x2800  }
0x14f: {  	p0 =	sne.s32 s25, $0x7D;
	[sflag:s3] =	ssyncset.done $0x0  }
.Ltmp2:
0x150: {  	[sflag:s3] =	ssyncadd.s32 $0xFFFFD800;
	(pc) =	sbr.rel @p0 .LBB2_4-.Ltmp2, $4  }
0x151: {  	[spmem:s2] =	stream.indirect.scatter.add.f32 [tilespmem:s16], [sflag:$0x4], $0x80, s13, s14, $0xb8;
	[tilespmem:$0x1F500] =	vst v63  }
0x152: {  	_ =	swait.ge [sflag:s3], $0x2800  }
0x153: {  	[sflag:s3] =	ssyncset.done $0x0  }
0x154: {  	[sflag:s3] =	ssyncadd.s32 $0xFFFFD800  }
0x155: {  	s12 =	stileid.u32;
	[bflag:$0x0] =	sbarrier.arrive $0xFFFF  }
0x156: {  	s12 =	sshll.u32 s12, $0x6;
	s25 =	rddreg [dreg:$0x4]  }
0x157: {  	s26 =	rddreg [dreg:$0xf];
	s12 =	sor.u32 $0x1C04, s12;
	s24 =	sshrl.u32 s25, $0x3  }
0x158: {  	[hbm:s26], [sflag:s12] =	dma.local [spmem:s24], $0x2800  }
0x159: {  	_ =	swait.ge [sflag:s3], $0x2800  }
0x15a: {  	s22 =	sadd.s32 $0x1, s22;
	s31 =	rddreg [dreg:$0x10]  }
0x15b: {  	p0 =	sne.s32 s22, s31  }
.Ltmp3:
0x15c: {  	_ = 	snop;
	(pc) =	sbr.rel @p0 .LBB2_1-.Ltmp3, $3  }
0x15d: {  	_ =	sdelay $0x1  }
0x15e: {  	[sflag:s3] =	ssyncset.done $0x0  }
0x15f: {  	[sflag:s3] =	ssyncadd.s32 $0xFFFFD800  }
0x160: {  	_ =	sfence.sel $0x180000  }
0x161: {  	[bflag:$0x0] =	sbarrier.arrive $0xFFFF  }
0x162: {  	_ =	strace $0x90000047  }
0x163: {  	s0 =	stileid.u32;
	[bflag:$0x2] =	sbarrier.arrive $0xFFFF  }
0x164: {  	p0 =	sne.s32 s0, $0x0;
	s0 =	rddreg [dreg:$0x3]  }
0x165: {  	s0 =	sadd.s32 @!p0 $0x100000, s0  }
0x166: {  	[sflag:s0] =	ssyncadd.tile.s32 @!p0 $0x1;
	_ =	shalt  }
.Lfunc_end2:
_tile_overlayer_lowered:
.L_overlay_start_2:
0x167: {  	(tag) =	ssettag $0x2  }
0x168: {  	s0 =	rddreg [dreg:$0x0];
	s2 =	stileid.u32  }
0x169: {  	s1 =	rddreg [dreg:$0x1];
	p0 =	sne.s32 s2, $0x0  }
0x16a: {  	s3 =	rddreg [dreg:$0x2];
	[bflag:$0x3] =	sbarrier.arrive $0xFFFF;
	s2 =	simm.s32 @!p0 $0x1C04  }
0x16b: {  	[timem:s3], [sflag:s2] =	dma.local @!p0 [hbm:s0], s1  }
0x16c: {  	s0 =	simm.s32 @!p0 $0x4  }
0x16d: {  	_ =	swait.ge @!p0 [sflag:s0], s1  }
0x16e: {  	s1 =	ssub.s32 @!p0 $0x0, s1;
	[sflag:s0] =	ssyncset.done @!p0 $0x0  }
0x16f: {  	[sflag:s0] =	ssyncadd.s32 @!p0 s1  }
0x170: {  	[bflag:$0x3] =	sbarrier.arrive $0xFFFF  }
0x171: {  	_ =	shalt  }

</sc_bundles>
